<compile_context>
chip_gen: v7x
topology: tpu7x:2x2x1
jax: 0.10.2.dev20260603
libtpu: 0.0.44.dev20260713+nightly
codegen_flags: <defaults>
</compile_context>

<pallas_src>
import functools

import jax
import jax.numpy as jnp
from jax import lax
from jax.experimental import pallas as pl
from jax.experimental.pallas import tpu as pltpu
from jax.experimental.pallas import tpu_sc as plsc

NCLS = 19
IGN = 255
EPS = 0.001

B = 4
HW = 512 * 512
NPIX = B * HW
NW = 32
P_W = NPIX // NW
PARTS = HW // P_W
CHUNK = 2048
NCH = P_W // CHUNK
VEC = 16
NV = CHUNK // VEC


def _issue(lg, lab, b19, g0, q0, xb, lb, sem):
    for c in range(NCLS):
        pltpu.make_async_copy(
            lg.at[pl.ds((b19 + c) * HW + q0, CHUNK)],
            xb.at[pl.ds(c * CHUNK, CHUNK)], sem
        ).start()
    pltpu.make_async_copy(lab.at[pl.ds(g0, CHUNK)], lb, sem).start()


def _wait(lg, lab, xb, lb, sem):
    for c in range(NCLS):
        pltpu.make_async_copy(
            lg.at[pl.ds(0, CHUNK)], xb.at[pl.ds(c * CHUNK, CHUNK)], sem
        ).wait()
    pltpu.make_async_copy(lab.at[pl.ds(0, CHUNK)], lb, sem).wait()


def _chunk_compute(xb, lb, carry, iota16):

    def body(i, carry):
        ai, ap, ac = carry
        base = i * VEC
        labv = lb[pl.ds(base, VEC)]
        valid = labv != IGN
        slab = jnp.where(valid, labv, 0)
        nz = jnp.logical_and(valid, labv != 0)
        e0 = jnp.exp(xb[pl.ds(base, VEC)])
        s = e0
        for c in range(1, NCLS):
            s = s + jnp.exp(xb[pl.ds(c * CHUNK + base, VEC)])
        xl = plsc.load_gather(xb, [slab * CHUNK + (iota16 + base)])
        el = jnp.exp(xl)
        r = 1.0 / s
        nzf = jnp.where(nz, 1.0, 0.0)
        ai = ai + nzf * el * r
        ap = ap + jnp.where(valid, (s - e0) * r, 0.0)
        ac = ac + nzf
        return ai, ap, ac

    return lax.fori_loop(0, NV, body, carry)


def _dice_body(lg, lab, out, xb0, xb1, lb0, lb1, ob, sem0, sem1):
    wid = lax.axis_index("s") * 2 + lax.axis_index("c")
    b = wid // PARTS
    off = (wid % PARTS) * P_W
    b19 = b * NCLS
    g0 = b * HW + off
    iota16 = lax.iota(jnp.int32, VEC)

    _issue(lg, lab, b19, g0, off, xb0, lb0, sem0)

    def outer(kk, carry):
        qa = off + (2 * kk) * CHUNK
        _issue(lg, lab, b19, g0 + qa - off + CHUNK, qa + CHUNK, xb1, lb1, sem1)
        _wait(lg, lab, xb0, lb0, sem0)
        carry = _chunk_compute(xb0, lb0, carry, iota16)

        @pl.when(kk < NCH // 2 - 1)
        def _():
            _issue(lg, lab, b19, g0 + qa - off + 2 * CHUNK, qa + 2 * CHUNK,
                   xb0, lb0, sem0)

        _wait(lg, lab, xb1, lb1, sem1)
        carry = _chunk_compute(xb1, lb1, carry, iota16)
        return carry

    z = jnp.zeros((VEC,), jnp.float32)
    ai, ap, ac = lax.fori_loop(0, NCH // 2, outer, (z, z, z))

    ob[pl.ds(0, VEC)] = ai
    ob[pl.ds(VEC, VEC)] = ap
    ob[pl.ds(2 * VEC, VEC)] = ac
    pltpu.sync_copy(ob, out.at[pl.ds(wid * 3 * VEC, 3 * VEC)])


@functools.lru_cache(maxsize=1)
def _dice_sc():
    return pl.kernel(
        _dice_body,
        out_type=jax.ShapeDtypeStruct((NW * 3 * VEC,), jnp.float32),
        mesh=plsc.VectorSubcoreMesh(core_axis_name="c", subcore_axis_name="s"),
        compiler_params=pltpu.CompilerParams(needs_layout_passes=False),
        scratch_types=[
            pltpu.VMEM((NCLS * CHUNK,), jnp.float32),
            pltpu.VMEM((NCLS * CHUNK,), jnp.float32),
            pltpu.VMEM((CHUNK,), jnp.int32),
            pltpu.VMEM((CHUNK,), jnp.int32),
            pltpu.VMEM((3 * VEC,), jnp.float32),
            pltpu.SemaphoreType.DMA,
            pltpu.SemaphoreType.DMA,
        ],
    )


def kernel(logits, label):
    lg = logits.reshape(B * NCLS * HW)
    lab = label.reshape(NPIX)
    parts = _dice_sc()(lg, lab).reshape(NW, 3 * VEC)
    si = jnp.sum(parts[:, 0:VEC])
    sp = jnp.sum(parts[:, VEC:2 * VEC])
    sc = jnp.sum(parts[:, 2 * VEC:3 * VEC])
    return 1.0 - (2.0 * si + EPS) / (sp + sc + EPS)

# --- scband reference (transcript-rebuilt; emitter-appended) ---
"""Pipeline reference for scband-dice-loss-33509334843862 (READ-ONLY COPY).

The authoritative reference and input builder live on the scoring server;
editing this copy changes nothing except your own understanding.
"""

import jax, jax.numpy as jnp
import numpy as np

NUM_CLASSES = 19
IGNORE_INDEX = 255
EPS = 0.001


def setup_inputs(seed: int = 0) -> dict:
    key = jax.random.key(seed)
    k1, k2 = jax.random.split(key)
    logits = jax.random.normal(k1, (4, NUM_CLASSES, 512, 512), dtype=jnp.float32)
    label = jax.random.randint(k2, (4, 512, 512), 0, 19, dtype=jnp.int32)
    return {"logits": logits, "label": label}


def reference(logits, label):
    # rearrange label 'b h w -> 1 (b h w)'
    lab = label.reshape(1, -1)
    # valid mask (fixed shape): positions where label != ignore_index
    mask = (lab[0] != IGNORE_INDEX)
    maskf = mask.astype(jnp.float32)
    # rearrange logits 'b c h w -> c (b h w)'
    lg = jnp.transpose(logits, (1, 0, 2, 3)).reshape(NUM_CLASSES, -1)
    # one-hot via scatter along dim 0: onehot[label[0, j], j] = 1 (masked columns zeroed)
    n = lab.shape[1]
    safe_lab = jnp.where(mask, lab[0], 0)
    onehot = jnp.zeros((NUM_CLASSES, n), dtype=jnp.float32).at[safe_lab, jnp.arange(n)].set(1.0)
    onehot = onehot * maskf[None, :]
    onehot = onehot[1:, :]
    prob = jax.nn.softmax(lg, axis=0)
    prob = prob[1:, :] * maskf[None, :]
    intersection = onehot * prob
    loss = 1.0 - (2.0 * intersection.sum() + EPS) / (prob.sum() + onehot.sum() + EPS)
    return loss

if __name__ == "__main__":
    import jax
    _d = setup_inputs()
    print(jax.jit(kernel)(*tuple(_d.values())))

</pallas_src>

<mosaic_0001>
#map = affine_map<(d0, d1) -> (0)>
module attributes {stable_mosaic.version = 14 : i64} {
  func.func @_dice_body(%arg0: i32, %arg1: i32, %arg2: memref<19922944xf32, #tpu.memory_space<hbm>>, %arg3: memref<1048576xi32, #tpu.memory_space<hbm>>, %arg4: memref<1536xf32, #tpu.memory_space<hbm>>, %arg5: memref<38912xf32, #tpu.memory_space<vmem>>, %arg6: memref<38912xf32, #tpu.memory_space<vmem>>, %arg7: memref<2048xi32, #tpu.memory_space<vmem>>, %arg8: memref<2048xi32, #tpu.memory_space<vmem>>, %arg9: memref<48xf32, #tpu.memory_space<vmem>>, %arg10: memref<!tpu.dma_semaphore, #tpu.memory_space<semaphore_mem>>, %arg11: memref<!tpu.dma_semaphore, #tpu.memory_space<semaphore_mem>>) attributes {dimension_semantics = [#tpu.dimension_semantics<core_parallel>, #tpu.dimension_semantics<subcore_parallel>], iteration_bounds = array<i64: 2, 16>, scalar_prefetch = 0 : i64, scratch_operands = 7 : i64, tpu.core_type = #tpu.core_type<sc_vector_subcore>, window_params = [{transform_indices = #map}, {transform_indices = #map}, {transform_indices = #map}]} {
    %mul3A = arith.constant 2 : i32
    %mul3A_0 = arith.muli %arg1, %mul3A : i32
    %add3A = arith.addi %mul3A_0, %arg0 : i32
    %jit3A = arith.constant 8 : i32
    %div3A = arith.divsi %add3A, %jit3A : i32
    %sign3A = arith.constant 0 : i32
    %sign3A_1 = arith.cmpi sgt, %add3A, %sign3A : i32
    %sign3A_2 = arith.extui %sign3A_1 : i1 to i32
    %sign3A_3 = arith.constant 0 : i32
    %sign3A_4 = arith.cmpi slt, %add3A, %sign3A_3 : i32
    %sign3A_5 = arith.extui %sign3A_4 : i1 to i32
    %sign3A_6 = arith.subi %sign3A_2, %sign3A_5 : i32
    %sign3A_7 = arith.constant 0 : i32
    %sign3A_8 = arith.cmpi sgt, %jit3A, %sign3A_7 : i32
    %sign3A_9 = arith.extui %sign3A_8 : i1 to i32
    %sign3A_10 = arith.constant 0 : i32
    %sign3A_11 = arith.cmpi slt, %jit3A, %sign3A_10 : i32
    %sign3A_12 = arith.extui %sign3A_11 : i1 to i32
    %sign3A_13 = arith.subi %sign3A_9, %sign3A_12 : i32
    %ne3A = arith.cmpi ne, %sign3A_6, %sign3A_13 : i32
    %rem3A = arith.remsi %add3A, %jit3A : i32
    %ne3A_14 = arith.constant 0 : i32
    %ne3A_15 = arith.cmpi ne, %rem3A, %ne3A_14 : i32
    %and3A = arith.andi %ne3A, %ne3A_15 : i1
    %sub3A = arith.constant 1 : i32
    %sub3A_16 = arith.subi %div3A, %sub3A : i32
    %select_n3A = arith.select %and3A, %sub3A_16, %div3A : i32
    %jit3A_17 = arith.constant 8 : i32
    %eq3A = arith.constant 0 : i32
    %eq3A_18 = arith.cmpi eq, %jit3A_17, %eq3A : i32
    %jit3A_19 = arith.constant 1 : i32
    %select_n3A_20 = arith.select %eq3A_18, %jit3A_19, %jit3A_17 : i32
    %rem3A_21 = arith.remsi %add3A, %select_n3A_20 : i32
    %ne3A_22 = arith.constant 0 : i32
    %ne3A_23 = arith.cmpi ne, %rem3A_21, %ne3A_22 : i32
    %lt3A = arith.constant 0 : i32
    %lt3A_24 = arith.cmpi slt, %rem3A_21, %lt3A : i32
    %lt3A_25 = arith.constant 0 : i32
    %lt3A_26 = arith.cmpi slt, %select_n3A_20, %lt3A_25 : i32
    %ne3A_27 = arith.xori %lt3A_24, %lt3A_26 : i1
    %and3A_28 = arith.andi %ne3A_27, %ne3A_23 : i1
    %add3A_29 = arith.addi %rem3A_21, %select_n3A_20 : i32
    %select_n3A_30 = arith.select %and3A_28, %add3A_29, %rem3A_21 : i32
    %mul3A_31 = arith.constant 32768 : i32
    %mul3A_32 = arith.muli %select_n3A_30, %mul3A_31 : i32
    %mul3A_33 = arith.constant 19 : i32
    %mul3A_34 = arith.muli %select_n3A, %mul3A_33 : i32
    %mul3A_35 = arith.constant 262144 : i32
    %mul3A_36 = arith.muli %select_n3A, %mul3A_35 : i32
    %add3A_37 = arith.addi %mul3A_36, %mul3A_32 : i32
    %iota3A = tpu.iota {dimensions = array<i32: 0>} : vector<16xi32>
    %add3A_38 = arith.constant 0 : i32
    %add3A_39 = arith.addi %mul3A_34, %add3A_38 : i32
    %mul3A_40 = arith.constant 262144 : i32
    %mul3A_41 = arith.muli %add3A_39, %mul3A_40 : i32
    %add3A_42 = arith.addi %mul3A_41, %mul3A_32 : i32
    %dma_start3A = arith.constant 0 : i32
    %dma_start3A_43 = tpu.memref_slice %arg5[%dma_start3A] : memref<38912xf32, #tpu.memory_space<vmem>> -> memref<2048xf32, #tpu.memory_space<vmem>>
    %dma_start3A_44 = tpu.memref_slice %arg2[%add3A_42] : memref<19922944xf32, #tpu.memory_space<hbm>> -> memref<2048xf32, #tpu.memory_space<hbm>>
    %dma_start3A_45 = arith.constant 0 : i32
    %dma_start3A_46 = tpu.memref_slice %arg5[%dma_start3A_45] : memref<38912xf32, #tpu.memory_space<vmem>> -> memref<2048xf32, #tpu.memory_space<vmem>>
    %dma_start3A_47 = tpu.memref_slice %arg2[%add3A_42] : memref<19922944xf32, #tpu.memory_space<hbm>> -> memref<2048xf32, #tpu.memory_space<hbm>>
    tpu.enqueue_dma source(%dma_start3A_47 : memref<2048xf32, #tpu.memory_space<hbm>>) target(%dma_start3A_46 : memref<2048xf32, #tpu.memory_space<vmem>>) target_semaphore(%arg10 : memref<!tpu.dma_semaphore, #tpu.memory_space<semaphore_mem>>)
    %add3A_48 = arith.constant 1 : i32
    %add3A_49 = arith.addi %mul3A_34, %add3A_48 : i32
    %mul3A_50 = arith.constant 262144 : i32
    %mul3A_51 = arith.muli %add3A_49, %mul3A_50 : i32
    %add3A_52 = arith.addi %mul3A_51, %mul3A_32 : i32
    %dma_start3A_53 = arith.constant 2048 : i32
    %dma_start3A_54 = tpu.memref_slice %arg5[%dma_start3A_53] : memref<38912xf32, #tpu.memory_space<vmem>> -> memref<2048xf32, #tpu.memory_space<vmem>>
    %dma_start3A_55 = tpu.memref_slice %arg2[%add3A_52] : memref<19922944xf32, #tpu.memory_space<hbm>> -> memref<2048xf32, #tpu.memory_space<hbm>>
    %dma_start3A_56 = arith.constant 2048 : i32
    %dma_start3A_57 = tpu.memref_slice %arg5[%dma_start3A_56] : memref<38912xf32, #tpu.memory_space<vmem>> -> memref<2048xf32, #tpu.memory_space<vmem>>
    %dma_start3A_58 = tpu.memref_slice %arg2[%add3A_52] : memref<19922944xf32, #tpu.memory_space<hbm>> -> memref<2048xf32, #tpu.memory_space<hbm>>
    tpu.enqueue_dma source(%dma_start3A_58 : memref<2048xf32, #tpu.memory_space<hbm>>) target(%dma_start3A_57 : memref<2048xf32, #tpu.memory_space<vmem>>) target_semaphore(%arg10 : memref<!tpu.dma_semaphore, #tpu.memory_space<semaphore_mem>>)
    %add3A_59 = arith.constant 2 : i32
    %add3A_60 = arith.addi %mul3A_34, %add3A_59 : i32
    %mul3A_61 = arith.constant 262144 : i32
    %mul3A_62 = arith.muli %add3A_60, %mul3A_61 : i32
    %add3A_63 = arith.addi %mul3A_62, %mul3A_32 : i32
    %dma_start3A_64 = arith.constant 4096 : i32
    %dma_start3A_65 = tpu.memref_slice %arg5[%dma_start3A_64] : memref<38912xf32, #tpu.memory_space<vmem>> -> memref<2048xf32, #tpu.memory_space<vmem>>
    %dma_start3A_66 = tpu.memref_slice %arg2[%add3A_63] : memref<19922944xf32, #tpu.memory_space<hbm>> -> memref<2048xf32, #tpu.memory_space<hbm>>
    %dma_start3A_67 = arith.constant 4096 : i32
    %dma_start3A_68 = tpu.memref_slice %arg5[%dma_start3A_67] : memref<38912xf32, #tpu.memory_space<vmem>> -> memref<2048xf32, #tpu.memory_space<vmem>>
    %dma_start3A_69 = tpu.memref_slice %arg2[%add3A_63] : memref<19922944xf32, #tpu.memory_space<hbm>> -> memref<2048xf32, #tpu.memory_space<hbm>>
    tpu.enqueue_dma source(%dma_start3A_69 : memref<2048xf32, #tpu.memory_space<hbm>>) target(%dma_start3A_68 : memref<2048xf32, #tpu.memory_space<vmem>>) target_semaphore(%arg10 : memref<!tpu.dma_semaphore, #tpu.memory_space<semaphore_mem>>)
    %add3A_70 = arith.constant 3 : i32
    %add3A_71 = arith.addi %mul3A_34, %add3A_70 : i32
    %mul3A_72 = arith.constant 262144 : i32
    %mul3A_73 = arith.muli %add3A_71, %mul3A_72 : i32
    %add3A_74 = arith.addi %mul3A_73, %mul3A_32 : i32
    %dma_start3A_75 = arith.constant 6144 : i32
    %dma_start3A_76 = tpu.memref_slice %arg5[%dma_start3A_75] : memref<38912xf32, #tpu.memory_space<vmem>> -> memref<2048xf32, #tpu.memory_space<vmem>>
    %dma_start3A_77 = tpu.memref_slice %arg2[%add3A_74] : memref<19922944xf32, #tpu.memory_space<hbm>> -> memref<2048xf32, #tpu.memory_space<hbm>>
    %dma_start3A_78 = arith.constant 6144 : i32
    %dma_start3A_79 = tpu.memref_slice %arg5[%dma_start3A_78] : memref<38912xf32, #tpu.memory_space<vmem>> -> memref<2048xf32, #tpu.memory_space<vmem>>
    %dma_start3A_80 = tpu.memref_slice %arg2[%add3A_74] : memref<19922944xf32, #tpu.memory_space<hbm>> -> memref<2048xf32, #tpu.memory_space<hbm>>
    tpu.enqueue_dma source(%dma_start3A_80 : memref<2048xf32, #tpu.memory_space<hbm>>) target(%dma_start3A_79 : memref<2048xf32, #tpu.memory_space<vmem>>) target_semaphore(%arg10 : memref<!tpu.dma_semaphore, #tpu.memory_space<semaphore_mem>>)
    %add3A_81 = arith.constant 4 : i32
    %add3A_82 = arith.addi %mul3A_34, %add3A_81 : i32
    %mul3A_83 = arith.constant 262144 : i32
    %mul3A_84 = arith.muli %add3A_82, %mul3A_83 : i32
    %add3A_85 = arith.addi %mul3A_84, %mul3A_32 : i32
    %dma_start3A_86 = arith.constant 8192 : i32
    %dma_start3A_87 = tpu.memref_slice %arg5[%dma_start3A_86] : memref<38912xf32, #tpu.memory_space<vmem>> -> memref<2048xf32, #tpu.memory_space<vmem>>
    %dma_start3A_88 = tpu.memref_slice %arg2[%add3A_85] : memref<19922944xf32, #tpu.memory_space<hbm>> -> memref<2048xf32, #tpu.memory_space<hbm>>
    %dma_start3A_89 = arith.constant 8192 : i32
    %dma_start3A_90 = tpu.memref_slice %arg5[%dma_start3A_89] : memref<38912xf32, #tpu.memory_space<vmem>> -> memref<2048xf32, #tpu.memory_space<vmem>>
    %dma_start3A_91 = tpu.memref_slice %arg2[%add3A_85] : memref<19922944xf32, #tpu.memory_space<hbm>> -> memref<2048xf32, #tpu.memory_space<hbm>>
    tpu.enqueue_dma source(%dma_start3A_91 : memref<2048xf32, #tpu.memory_space<hbm>>) target(%dma_start3A_90 : memref<2048xf32, #tpu.memory_space<vmem>>) target_semaphore(%arg10 : memref<!tpu.dma_semaphore, #tpu.memory_space<semaphore_mem>>)
    %add3A_92 = arith.constant 5 : i32
    %add3A_93 = arith.addi %mul3A_34, %add3A_92 : i32
    %mul3A_94 = arith.constant 262144 : i32
    %mul3A_95 = arith.muli %add3A_93, %mul3A_94 : i32
    %add3A_96 = arith.addi %mul3A_95, %mul3A_32 : i32
    %dma_start3A_97 = arith.constant 10240 : i32
    %dma_start3A_98 = tpu.memref_slice %arg5[%dma_start3A_97] : memref<38912xf32, #tpu.memory_space<vmem>> -> memref<2048xf32, #tpu.memory_space<vmem>>
    %dma_start3A_99 = tpu.memref_slice %arg2[%add3A_96] : memref<19922944xf32, #tpu.memory_space<hbm>> -> memref<2048xf32, #tpu.memory_space<hbm>>
    %dma_start3A_100 = arith.constant 10240 : i32
    %dma_start3A_101 = tpu.memref_slice %arg5[%dma_start3A_100] : memref<38912xf32, #tpu.memory_space<vmem>> -> memref<2048xf32, #tpu.memory_space<vmem>>
    %dma_start3A_102 = tpu.memref_slice %arg2[%add3A_96] : memref<19922944xf32, #tpu.memory_space<hbm>> -> memref<2048xf32, #tpu.memory_space<hbm>>
    tpu.enqueue_dma source(%dma_start3A_102 : memref<2048xf32, #tpu.memory_space<hbm>>) target(%dma_start3A_101 : memref<2048xf32, #tpu.memory_space<vmem>>) target_semaphore(%arg10 : memref<!tpu.dma_semaphore, #tpu.memory_space<semaphore_mem>>)
    %add3A_103 = arith.constant 6 : i32
    %add3A_104 = arith.addi %mul3A_34, %add3A_103 : i32
    %mul3A_105 = arith.constant 262144 : i32
    %mul3A_106 = arith.muli %add3A_104, %mul3A_105 : i32
    %add3A_107 = arith.addi %mul3A_106, %mul3A_32 : i32
    %dma_start3A_108 = arith.constant 12288 : i32
    %dma_start3A_109 = tpu.memref_slice %arg5[%dma_start3A_108] : memref<38912xf32, #tpu.memory_space<vmem>> -> memref<2048xf32, #tpu.memory_space<vmem>>
    %dma_start3A_110 = tpu.memref_slice %arg2[%add3A_107] : memref<19922944xf32, #tpu.memory_space<hbm>> -> memref<2048xf32, #tpu.memory_space<hbm>>
    %dma_start3A_111 = arith.constant 12288 : i32
    %dma_start3A_112 = tpu.memref_slice %arg5[%dma_start3A_111] : memref<38912xf32, #tpu.memory_space<vmem>> -> memref<2048xf32, #tpu.memory_space<vmem>>
    %dma_start3A_113 = tpu.memref_slice %arg2[%add3A_107] : memref<19922944xf32, #tpu.memory_space<hbm>> -> memref<2048xf32, #tpu.memory_space<hbm>>
    tpu.enqueue_dma source(%dma_start3A_113 : memref<2048xf32, #tpu.memory_space<hbm>>) target(%dma_start3A_112 : memref<2048xf32, #tpu.memory_space<vmem>>) target_semaphore(%arg10 : memref<!tpu.dma_semaphore, #tpu.memory_space<semaphore_mem>>)
    %add3A_114 = arith.constant 7 : i32
    %add3A_115 = arith.addi %mul3A_34, %add3A_114 : i32
    %mul3A_116 = arith.constant 262144 : i32
    %mul3A_117 = arith.muli %add3A_115, %mul3A_116 : i32
    %add3A_118 = arith.addi %mul3A_117, %mul3A_32 : i32
    %dma_start3A_119 = arith.constant 14336 : i32
    %dma_start3A_120 = tpu.memref_slice %arg5[%dma_start3A_119] : memref<38912xf32, #tpu.memory_space<vmem>> -> memref<2048xf32, #tpu.memory_space<vmem>>
    %dma_start3A_121 = tpu.memref_slice %arg2[%add3A_118] : memref<19922944xf32, #tpu.memory_space<hbm>> -> memref<2048xf32, #tpu.memory_space<hbm>>
    %dma_start3A_122 = arith.constant 14336 : i32
    %dma_start3A_123 = tpu.memref_slice %arg5[%dma_start3A_122] : memref<38912xf32, #tpu.memory_space<vmem>> -> memref<2048xf32, #tpu.memory_space<vmem>>
    %dma_start3A_124 = tpu.memref_slice %arg2[%add3A_118] : memref<19922944xf32, #tpu.memory_space<hbm>> -> memref<2048xf32, #tpu.memory_space<hbm>>
    tpu.enqueue_dma source(%dma_start3A_124 : memref<2048xf32, #tpu.memory_space<hbm>>) target(%dma_start3A_123 : memref<2048xf32, #tpu.memory_space<vmem>>) target_semaphore(%arg10 : memref<!tpu.dma_semaphore, #tpu.memory_space<semaphore_mem>>)
    %add3A_125 = arith.constant 8 : i32
    %add3A_126 = arith.addi %mul3A_34, %add3A_125 : i32
    %mul3A_127 = arith.constant 262144 : i32
    %mul3A_128 = arith.muli %add3A_126, %mul3A_127 : i32
    %add3A_129 = arith.addi %mul3A_128, %mul3A_32 : i32
    %dma_start3A_130 = arith.constant 16384 : i32
    %dma_start3A_131 = tpu.memref_slice %arg5[%dma_start3A_130] : memref<38912xf32, #tpu.memory_space<vmem>> -> memref<2048xf32, #tpu.memory_space<vmem>>
    %dma_start3A_132 = tpu.memref_slice %arg2[%add3A_129] : memref<19922944xf32, #tpu.memory_space<hbm>> -> memref<2048xf32, #tpu.memory_space<hbm>>
    %dma_start3A_133 = arith.constant 16384 : i32
    %dma_start3A_134 = tpu.memref_slice %arg5[%dma_start3A_133] : memref<38912xf32, #tpu.memory_space<vmem>> -> memref<2048xf32, #tpu.memory_space<vmem>>
    %dma_start3A_135 = tpu.memref_slice %arg2[%add3A_129] : memref<19922944xf32, #tpu.memory_space<hbm>> -> memref<2048xf32, #tpu.memory_space<hbm>>
    tpu.enqueue_dma source(%dma_start3A_135 : memref<2048xf32, #tpu.memory_space<hbm>>) target(%dma_start3A_134 : memref<2048xf32, #tpu.memory_space<vmem>>) target_semaphore(%arg10 : memref<!tpu.dma_semaphore, #tpu.memory_space<semaphore_mem>>)
    %add3A_136 = arith.constant 9 : i32
    %add3A_137 = arith.addi %mul3A_34, %add3A_136 : i32
    %mul3A_138 = arith.constant 262144 : i32
    %mul3A_139 = arith.muli %add3A_137, %mul3A_138 : i32
    %add3A_140 = arith.addi %mul3A_139, %mul3A_32 : i32
    %dma_start3A_141 = arith.constant 18432 : i32
    %dma_start3A_142 = tpu.memref_slice %arg5[%dma_start3A_141] : memref<38912xf32, #tpu.memory_space<vmem>> -> memref<2048xf32, #tpu.memory_space<vmem>>
    %dma_start3A_143 = tpu.memref_slice %arg2[%add3A_140] : memref<19922944xf32, #tpu.memory_space<hbm>> -> memref<2048xf32, #tpu.memory_space<hbm>>
    %dma_start3A_144 = arith.constant 18432 : i32
    %dma_start3A_145 = tpu.memref_slice %arg5[%dma_start3A_144] : memref<38912xf32, #tpu.memory_space<vmem>> -> memref<2048xf32, #tpu.memory_space<vmem>>
    %dma_start3A_146 = tpu.memref_slice %arg2[%add3A_140] : memref<19922944xf32, #tpu.memory_space<hbm>> -> memref<2048xf32, #tpu.memory_space<hbm>>
    tpu.enqueue_dma source(%dma_start3A_146 : memref<2048xf32, #tpu.memory_space<hbm>>) target(%dma_start3A_145 : memref<2048xf32, #tpu.memory_space<vmem>>) target_semaphore(%arg10 : memref<!tpu.dma_semaphore, #tpu.memory_space<semaphore_mem>>)
    %add3A_147 = arith.constant 10 : i32
    %add3A_148 = arith.addi %mul3A_34, %add3A_147 : i32
    %mul3A_149 = arith.constant 262144 : i32
    %mul3A_150 = arith.muli %add3A_148, %mul3A_149 : i32
    %add3A_151 = arith.addi %mul3A_150, %mul3A_32 : i32
    %dma_start3A_152 = arith.constant 20480 : i32
    %dma_start3A_153 = tpu.memref_slice %arg5[%dma_start3A_152] : memref<38912xf32, #tpu.memory_space<vmem>> -> memref<2048xf32, #tpu.memory_space<vmem>>
    %dma_start3A_154 = tpu.memref_slice %arg2[%add3A_151] : memref<19922944xf32, #tpu.memory_space<hbm>> -> memref<2048xf32, #tpu.memory_space<hbm>>
    %dma_start3A_155 = arith.constant 20480 : i32
    %dma_start3A_156 = tpu.memref_slice %arg5[%dma_start3A_155] : memref<38912xf32, #tpu.memory_space<vmem>> -> memref<2048xf32, #tpu.memory_space<vmem>>
    %dma_start3A_157 = tpu.memref_slice %arg2[%add3A_151] : memref<19922944xf32, #tpu.memory_space<hbm>> -> memref<2048xf32, #tpu.memory_space<hbm>>
    tpu.enqueue_dma source(%dma_start3A_157 : memref<2048xf32, #tpu.memory_space<hbm>>) target(%dma_start3A_156 : memref<2048xf32, #tpu.memory_space<vmem>>) target_semaphore(%arg10 : memref<!tpu.dma_semaphore, #tpu.memory_space<semaphore_mem>>)
    %add3A_158 = arith.constant 11 : i32
    %add3A_159 = arith.addi %mul3A_34, %add3A_158 : i32
    %mul3A_160 = arith.constant 262144 : i32
    %mul3A_161 = arith.muli %add3A_159, %mul3A_160 : i32
    %add3A_162 = arith.addi %mul3A_161, %mul3A_32 : i32
    %dma_start3A_163 = arith.constant 22528 : i32
    %dma_start3A_164 = tpu.memref_slice %arg5[%dma_start3A_163] : memref<38912xf32, #tpu.memory_space<vmem>> -> memref<2048xf32, #tpu.memory_space<vmem>>
    %dma_start3A_165 = tpu.memref_slice %arg2[%add3A_162] : memref<19922944xf32, #tpu.memory_space<hbm>> -> memref<2048xf32, #tpu.memory_space<hbm>>
    %dma_start3A_166 = arith.constant 22528 : i32
    %dma_start3A_167 = tpu.memref_slice %arg5[%dma_start3A_166] : memref<38912xf32, #tpu.memory_space<vmem>> -> memref<2048xf32, #tpu.memory_space<vmem>>
    %dma_start3A_168 = tpu.memref_slice %arg2[%add3A_162] : memref<19922944xf32, #tpu.memory_space<hbm>> -> memref<2048xf32, #tpu.memory_space<hbm>>
    tpu.enqueue_dma source(%dma_start3A_168 : memref<2048xf32, #tpu.memory_space<hbm>>) target(%dma_start3A_167 : memref<2048xf32, #tpu.memory_space<vmem>>) target_semaphore(%arg10 : memref<!tpu.dma_semaphore, #tpu.memory_space<semaphore_mem>>)
    %add3A_169 = arith.constant 12 : i32
    %add3A_170 = arith.addi %mul3A_34, %add3A_169 : i32
    %mul3A_171 = arith.constant 262144 : i32
    %mul3A_172 = arith.muli %add3A_170, %mul3A_171 : i32
    %add3A_173 = arith.addi %mul3A_172, %mul3A_32 : i32
    %dma_start3A_174 = arith.constant 24576 : i32
    %dma_start3A_175 = tpu.memref_slice %arg5[%dma_start3A_174] : memref<38912xf32, #tpu.memory_space<vmem>> -> memref<2048xf32, #tpu.memory_space<vmem>>
    %dma_start3A_176 = tpu.memref_slice %arg2[%add3A_173] : memref<19922944xf32, #tpu.memory_space<hbm>> -> memref<2048xf32, #tpu.memory_space<hbm>>
    %dma_start3A_177 = arith.constant 24576 : i32
    %dma_start3A_178 = tpu.memref_slice %arg5[%dma_start3A_177] : memref<38912xf32, #tpu.memory_space<vmem>> -> memref<2048xf32, #tpu.memory_space<vmem>>
    %dma_start3A_179 = tpu.memref_slice %arg2[%add3A_173] : memref<19922944xf32, #tpu.memory_space<hbm>> -> memref<2048xf32, #tpu.memory_space<hbm>>
    tpu.enqueue_dma source(%dma_start3A_179 : memref<2048xf32, #tpu.memory_space<hbm>>) target(%dma_start3A_178 : memref<2048xf32, #tpu.memory_space<vmem>>) target_semaphore(%arg10 : memref<!tpu.dma_semaphore, #tpu.memory_space<semaphore_mem>>)
    %add3A_180 = arith.constant 13 : i32
    %add3A_181 = arith.addi %mul3A_34, %add3A_180 : i32
    %mul3A_182 = arith.constant 262144 : i32
    %mul3A_183 = arith.muli %add3A_181, %mul3A_182 : i32
    %add3A_184 = arith.addi %mul3A_183, %mul3A_32 : i32
    %dma_start3A_185 = arith.constant 26624 : i32
    %dma_start3A_186 = tpu.memref_slice %arg5[%dma_start3A_185] : memref<38912xf32, #tpu.memory_space<vmem>> -> memref<2048xf32, #tpu.memory_space<vmem>>
    %dma_start3A_187 = tpu.memref_slice %arg2[%add3A_184] : memref<19922944xf32, #tpu.memory_space<hbm>> -> memref<2048xf32, #tpu.memory_space<hbm>>
    %dma_start3A_188 = arith.constant 26624 : i32
    %dma_start3A_189 = tpu.memref_slice %arg5[%dma_start3A_188] : memref<38912xf32, #tpu.memory_space<vmem>> -> memref<2048xf32, #tpu.memory_space<vmem>>
    %dma_start3A_190 = tpu.memref_slice %arg2[%add3A_184] : memref<19922944xf32, #tpu.memory_space<hbm>> -> memref<2048xf32, #tpu.memory_space<hbm>>
    tpu.enqueue_dma source(%dma_start3A_190 : memref<2048xf32, #tpu.memory_space<hbm>>) target(%dma_start3A_189 : memref<2048xf32, #tpu.memory_space<vmem>>) target_semaphore(%arg10 : memref<!tpu.dma_semaphore, #tpu.memory_space<semaphore_mem>>)
    %add3A_191 = arith.constant 14 : i32
    %add3A_192 = arith.addi %mul3A_34, %add3A_191 : i32
    %mul3A_193 = arith.constant 262144 : i32
    %mul3A_194 = arith.muli %add3A_192, %mul3A_193 : i32
    %add3A_195 = arith.addi %mul3A_194, %mul3A_32 : i32
    %dma_start3A_196 = arith.constant 28672 : i32
    %dma_start3A_197 = tpu.memref_slice %arg5[%dma_start3A_196] : memref<38912xf32, #tpu.memory_space<vmem>> -> memref<2048xf32, #tpu.memory_space<vmem>>
    %dma_start3A_198 = tpu.memref_slice %arg2[%add3A_195] : memref<19922944xf32, #tpu.memory_space<hbm>> -> memref<2048xf32, #tpu.memory_space<hbm>>
    %dma_start3A_199 = arith.constant 28672 : i32
    %dma_start3A_200 = tpu.memref_slice %arg5[%dma_start3A_199] : memref<38912xf32, #tpu.memory_space<vmem>> -> memref<2048xf32, #tpu.memory_space<vmem>>
    %dma_start3A_201 = tpu.memref_slice %arg2[%add3A_195] : memref<19922944xf32, #tpu.memory_space<hbm>> -> memref<2048xf32, #tpu.memory_space<hbm>>
    tpu.enqueue_dma source(%dma_start3A_201 : memref<2048xf32, #tpu.memory_space<hbm>>) target(%dma_start3A_200 : memref<2048xf32, #tpu.memory_space<vmem>>) target_semaphore(%arg10 : memref<!tpu.dma_semaphore, #tpu.memory_space<semaphore_mem>>)
    %add3A_202 = arith.constant 15 : i32
    %add3A_203 = arith.addi %mul3A_34, %add3A_202 : i32
    %mul3A_204 = arith.constant 262144 : i32
    %mul3A_205 = arith.muli %add3A_203, %mul3A_204 : i32
    %add3A_206 = arith.addi %mul3A_205, %mul3A_32 : i32
    %dma_start3A_207 = arith.constant 30720 : i32
    %dma_start3A_208 = tpu.memref_slice %arg5[%dma_start3A_207] : memref<38912xf32, #tpu.memory_space<vmem>> -> memref<2048xf32, #tpu.memory_space<vmem>>
    %dma_start3A_209 = tpu.memref_slice %arg2[%add3A_206] : memref<19922944xf32, #tpu.memory_space<hbm>> -> memref<2048xf32, #tpu.memory_space<hbm>>
    %dma_start3A_210 = arith.constant 30720 : i32
    %dma_start3A_211 = tpu.memref_slice %arg5[%dma_start3A_210] : memref<38912xf32, #tpu.memory_space<vmem>> -> memref<2048xf32, #tpu.memory_space<vmem>>
    %dma_start3A_212 = tpu.memref_slice %arg2[%add3A_206] : memref<19922944xf32, #tpu.memory_space<hbm>> -> memref<2048xf32, #tpu.memory_space<hbm>>
    tpu.enqueue_dma source(%dma_start3A_212 : memref<2048xf32, #tpu.memory_space<hbm>>) target(%dma_start3A_211 : memref<2048xf32, #tpu.memory_space<vmem>>) target_semaphore(%arg10 : memref<!tpu.dma_semaphore, #tpu.memory_space<semaphore_mem>>)
    %add3A_213 = arith.constant 16 : i32
    %add3A_214 = arith.addi %mul3A_34, %add3A_213 : i32
    %mul3A_215 = arith.constant 262144 : i32
    %mul3A_216 = arith.muli %add3A_214, %mul3A_215 : i32
    %add3A_217 = arith.addi %mul3A_216, %mul3A_32 : i32
    %dma_start3A_218 = arith.constant 32768 : i32
    %dma_start3A_219 = tpu.memref_slice %arg5[%dma_start3A_218] : memref<38912xf32, #tpu.memory_space<vmem>> -> memref<2048xf32, #tpu.memory_space<vmem>>
    %dma_start3A_220 = tpu.memref_slice %arg2[%add3A_217] : memref<19922944xf32, #tpu.memory_space<hbm>> -> memref<2048xf32, #tpu.memory_space<hbm>>
    %dma_start3A_221 = arith.constant 32768 : i32
    %dma_start3A_222 = tpu.memref_slice %arg5[%dma_start3A_221] : memref<38912xf32, #tpu.memory_space<vmem>> -> memref<2048xf32, #tpu.memory_space<vmem>>
    %dma_start3A_223 = tpu.memref_slice %arg2[%add3A_217] : memref<19922944xf32, #tpu.memory_space<hbm>> -> memref<2048xf32, #tpu.memory_space<hbm>>
    tpu.enqueue_dma source(%dma_start3A_223 : memref<2048xf32, #tpu.memory_space<hbm>>) target(%dma_start3A_222 : memref<2048xf32, #tpu.memory_space<vmem>>) target_semaphore(%arg10 : memref<!tpu.dma_semaphore, #tpu.memory_space<semaphore_mem>>)
    %add3A_224 = arith.constant 17 : i32
    %add3A_225 = arith.addi %mul3A_34, %add3A_224 : i32
    %mul3A_226 = arith.constant 262144 : i32
    %mul3A_227 = arith.muli %add3A_225, %mul3A_226 : i32
    %add3A_228 = arith.addi %mul3A_227, %mul3A_32 : i32
    %dma_start3A_229 = arith.constant 34816 : i32
    %dma_start3A_230 = tpu.memref_slice %arg5[%dma_start3A_229] : memref<38912xf32, #tpu.memory_space<vmem>> -> memref<2048xf32, #tpu.memory_space<vmem>>
    %dma_start3A_231 = tpu.memref_slice %arg2[%add3A_228] : memref<19922944xf32, #tpu.memory_space<hbm>> -> memref<2048xf32, #tpu.memory_space<hbm>>
    %dma_start3A_232 = arith.constant 34816 : i32
    %dma_start3A_233 = tpu.memref_slice %arg5[%dma_start3A_232] : memref<38912xf32, #tpu.memory_space<vmem>> -> memref<2048xf32, #tpu.memory_space<vmem>>
    %dma_start3A_234 = tpu.memref_slice %arg2[%add3A_228] : memref<19922944xf32, #tpu.memory_space<hbm>> -> memref<2048xf32, #tpu.memory_space<hbm>>
    tpu.enqueue_dma source(%dma_start3A_234 : memref<2048xf32, #tpu.memory_space<hbm>>) target(%dma_start3A_233 : memref<2048xf32, #tpu.memory_space<vmem>>) target_semaphore(%arg10 : memref<!tpu.dma_semaphore, #tpu.memory_space<semaphore_mem>>)
    %add3A_235 = arith.constant 18 : i32
    %add3A_236 = arith.addi %mul3A_34, %add3A_235 : i32
    %mul3A_237 = arith.constant 262144 : i32
    %mul3A_238 = arith.muli %add3A_236, %mul3A_237 : i32
    %add3A_239 = arith.addi %mul3A_238, %mul3A_32 : i32
    %dma_start3A_240 = arith.constant 36864 : i32
    %dma_start3A_241 = tpu.memref_slice %arg5[%dma_start3A_240] : memref<38912xf32, #tpu.memory_space<vmem>> -> memref<2048xf32, #tpu.memory_space<vmem>>
    %dma_start3A_242 = tpu.memref_slice %arg2[%add3A_239] : memref<19922944xf32, #tpu.memory_space<hbm>> -> memref<2048xf32, #tpu.memory_space<hbm>>
    %dma_start3A_243 = arith.constant 36864 : i32
    %dma_start3A_244 = tpu.memref_slice %arg5[%dma_start3A_243] : memref<38912xf32, #tpu.memory_space<vmem>> -> memref<2048xf32, #tpu.memory_space<vmem>>
    %dma_start3A_245 = tpu.memref_slice %arg2[%add3A_239] : memref<19922944xf32, #tpu.memory_space<hbm>> -> memref<2048xf32, #tpu.memory_space<hbm>>
    tpu.enqueue_dma source(%dma_start3A_245 : memref<2048xf32, #tpu.memory_space<hbm>>) target(%dma_start3A_244 : memref<2048xf32, #tpu.memory_space<vmem>>) target_semaphore(%arg10 : memref<!tpu.dma_semaphore, #tpu.memory_space<semaphore_mem>>)
    %dma_start3A_246 = tpu.memref_slice %arg3[%add3A_37] : memref<1048576xi32, #tpu.memory_space<hbm>> -> memref<2048xi32, #tpu.memory_space<hbm>>
    %dma_start3A_247 = tpu.memref_slice %arg3[%add3A_37] : memref<1048576xi32, #tpu.memory_space<hbm>> -> memref<2048xi32, #tpu.memory_space<hbm>>
    tpu.enqueue_dma source(%dma_start3A_247 : memref<2048xi32, #tpu.memory_space<hbm>>) target(%arg7 : memref<2048xi32, #tpu.memory_space<vmem>>) target_semaphore(%arg10 : memref<!tpu.dma_semaphore, #tpu.memory_space<semaphore_mem>>)
    %broadcast_in_dim3A = arith.constant 0.000000e+00 : f32
    %broadcast_in_dim3A_248 = vector.broadcast %broadcast_in_dim3A : f32 to vector<16xf32>
    %scan3A = arith.constant 0 : i32
    %scan3A_249 = arith.constant 8 : i32
    %scan3A_250 = arith.addi %scan3A, %scan3A_249 : i32
    %scan3A_251 = arith.constant 1 : i32
    %scan3A_252:3 = scf.for %scan3A_263 = %scan3A to %scan3A_250 step %scan3A_251 iter_args(%scan3A_264 = %broadcast_in_dim3A_248, %scan3A_265 = %broadcast_in_dim3A_248, %scan3A_266 = %broadcast_in_dim3A_248) -> (vector<16xf32>, vector<16xf32>, vector<16xf32>)  : i32 {
      %mul3A_267 = arith.constant 2 : i32
      %mul3A_268 = arith.muli %mul3A_267, %scan3A_263 : i32
      %mul3A_269 = arith.constant 2048 : i32
      %mul3A_270 = arith.muli %mul3A_268, %mul3A_269 : i32
      %add3A_271 = arith.addi %mul3A_32, %mul3A_270 : i32
      %add3A_272 = arith.addi %add3A_37, %add3A_271 : i32
      %sub3A_273 = arith.subi %add3A_272, %mul3A_32 : i32
      %add3A_274 = arith.constant 2048 : i32
      %add3A_275 = arith.addi %sub3A_273, %add3A_274 : i32
      %add3A_276 = arith.constant 2048 : i32
      %add3A_277 = arith.addi %add3A_271, %add3A_276 : i32
      %add3A_278 = arith.constant 0 : i32
      %add3A_279 = arith.addi %mul3A_34, %add3A_278 : i32
      %mul3A_280 = arith.constant 262144 : i32
      %mul3A_281 = arith.muli %add3A_279, %mul3A_280 : i32
      %add3A_282 = arith.addi %mul3A_281, %add3A_277 : i32
      %dma_start3A_283 = arith.constant 0 : i32
      %dma_start3A_284 = tpu.memref_slice %arg6[%dma_start3A_283] : memref<38912xf32, #tpu.memory_space<vmem>> -> memref<2048xf32, #tpu.memory_space<vmem>>
      %dma_start3A_285 = tpu.memref_slice %arg2[%add3A_282] : memref<19922944xf32, #tpu.memory_space<hbm>> -> memref<2048xf32, #tpu.memory_space<hbm>>
      %dma_start3A_286 = arith.constant 0 : i32
      %dma_start3A_287 = tpu.memref_slice %arg6[%dma_start3A_286] : memref<38912xf32, #tpu.memory_space<vmem>> -> memref<2048xf32, #tpu.memory_space<vmem>>
      %dma_start3A_288 = tpu.memref_slice %arg2[%add3A_282] : memref<19922944xf32, #tpu.memory_space<hbm>> -> memref<2048xf32, #tpu.memory_space<hbm>>
      tpu.enqueue_dma source(%dma_start3A_288 : memref<2048xf32, #tpu.memory_space<hbm>>) target(%dma_start3A_287 : memref<2048xf32, #tpu.memory_space<vmem>>) target_semaphore(%arg11 : memref<!tpu.dma_semaphore, #tpu.memory_space<semaphore_mem>>)
      %add3A_289 = arith.constant 1 : i32
      %add3A_290 = arith.addi %mul3A_34, %add3A_289 : i32
      %mul3A_291 = arith.constant 262144 : i32
      %mul3A_292 = arith.muli %add3A_290, %mul3A_291 : i32
      %add3A_293 = arith.addi %mul3A_292, %add3A_277 : i32
      %dma_start3A_294 = arith.constant 2048 : i32
      %dma_start3A_295 = tpu.memref_slice %arg6[%dma_start3A_294] : memref<38912xf32, #tpu.memory_space<vmem>> -> memref<2048xf32, #tpu.memory_space<vmem>>
      %dma_start3A_296 = tpu.memref_slice %arg2[%add3A_293] : memref<19922944xf32, #tpu.memory_space<hbm>> -> memref<2048xf32, #tpu.memory_space<hbm>>
      %dma_start3A_297 = arith.constant 2048 : i32
      %dma_start3A_298 = tpu.memref_slice %arg6[%dma_start3A_297] : memref<38912xf32, #tpu.memory_space<vmem>> -> memref<2048xf32, #tpu.memory_space<vmem>>
      %dma_start3A_299 = tpu.memref_slice %arg2[%add3A_293] : memref<19922944xf32, #tpu.memory_space<hbm>> -> memref<2048xf32, #tpu.memory_space<hbm>>
      tpu.enqueue_dma source(%dma_start3A_299 : memref<2048xf32, #tpu.memory_space<hbm>>) target(%dma_start3A_298 : memref<2048xf32, #tpu.memory_space<vmem>>) target_semaphore(%arg11 : memref<!tpu.dma_semaphore, #tpu.memory_space<semaphore_mem>>)
      %add3A_300 = arith.constant 2 : i32
      %add3A_301 = arith.addi %mul3A_34, %add3A_300 : i32
      %mul3A_302 = arith.constant 262144 : i32
      %mul3A_303 = arith.muli %add3A_301, %mul3A_302 : i32
      %add3A_304 = arith.addi %mul3A_303, %add3A_277 : i32
      %dma_start3A_305 = arith.constant 4096 : i32
      %dma_start3A_306 = tpu.memref_slice %arg6[%dma_start3A_305] : memref<38912xf32, #tpu.memory_space<vmem>> -> memref<2048xf32, #tpu.memory_space<vmem>>
      %dma_start3A_307 = tpu.memref_slice %arg2[%add3A_304] : memref<19922944xf32, #tpu.memory_space<hbm>> -> memref<2048xf32, #tpu.memory_space<hbm>>
      %dma_start3A_308 = arith.constant 4096 : i32
      %dma_start3A_309 = tpu.memref_slice %arg6[%dma_start3A_308] : memref<38912xf32, #tpu.memory_space<vmem>> -> memref<2048xf32, #tpu.memory_space<vmem>>
      %dma_start3A_310 = tpu.memref_slice %arg2[%add3A_304] : memref<19922944xf32, #tpu.memory_space<hbm>> -> memref<2048xf32, #tpu.memory_space<hbm>>
      tpu.enqueue_dma source(%dma_start3A_310 : memref<2048xf32, #tpu.memory_space<hbm>>) target(%dma_start3A_309 : memref<2048xf32, #tpu.memory_space<vmem>>) target_semaphore(%arg11 : memref<!tpu.dma_semaphore, #tpu.memory_space<semaphore_mem>>)
      %add3A_311 = arith.constant 3 : i32
      %add3A_312 = arith.addi %mul3A_34, %add3A_311 : i32
      %mul3A_313 = arith.constant 262144 : i32
      %mul3A_314 = arith.muli %add3A_312, %mul3A_313 : i32
      %add3A_315 = arith.addi %mul3A_314, %add3A_277 : i32
      %dma_start3A_316 = arith.constant 6144 : i32
      %dma_start3A_317 = tpu.memref_slice %arg6[%dma_start3A_316] : memref<38912xf32, #tpu.memory_space<vmem>> -> memref<2048xf32, #tpu.memory_space<vmem>>
      %dma_start3A_318 = tpu.memref_slice %arg2[%add3A_315] : memref<19922944xf32, #tpu.memory_space<hbm>> -> memref<2048xf32, #tpu.memory_space<hbm>>
      %dma_start3A_319 = arith.constant 6144 : i32
      %dma_start3A_320 = tpu.memref_slice %arg6[%dma_start3A_319] : memref<38912xf32, #tpu.memory_space<vmem>> -> memref<2048xf32, #tpu.memory_space<vmem>>
      %dma_start3A_321 = tpu.memref_slice %arg2[%add3A_315] : memref<19922944xf32, #tpu.memory_space<hbm>> -> memref<2048xf32, #tpu.memory_space<hbm>>
      tpu.enqueue_dma source(%dma_start3A_321 : memref<2048xf32, #tpu.memory_space<hbm>>) target(%dma_start3A_320 : memref<2048xf32, #tpu.memory_space<vmem>>) target_semaphore(%arg11 : memref<!tpu.dma_semaphore, #tpu.memory_space<semaphore_mem>>)
      %add3A_322 = arith.constant 4 : i32
      %add3A_323 = arith.addi %mul3A_34, %add3A_322 : i32
      %mul3A_324 = arith.constant 262144 : i32
      %mul3A_325 = arith.muli %add3A_323, %mul3A_324 : i32
      %add3A_326 = arith.addi %mul3A_325, %add3A_277 : i32
      %dma_start3A_327 = arith.constant 8192 : i32
      %dma_start3A_328 = tpu.memref_slice %arg6[%dma_start3A_327] : memref<38912xf32, #tpu.memory_space<vmem>> -> memref<2048xf32, #tpu.memory_space<vmem>>
      %dma_start3A_329 = tpu.memref_slice %arg2[%add3A_326] : memref<19922944xf32, #tpu.memory_space<hbm>> -> memref<2048xf32, #tpu.memory_space<hbm>>
      %dma_start3A_330 = arith.constant 8192 : i32
      %dma_start3A_331 = tpu.memref_slice %arg6[%dma_start3A_330] : memref<38912xf32, #tpu.memory_space<vmem>> -> memref<2048xf32, #tpu.memory_space<vmem>>
      %dma_start3A_332 = tpu.memref_slice %arg2[%add3A_326] : memref<19922944xf32, #tpu.memory_space<hbm>> -> memref<2048xf32, #tpu.memory_space<hbm>>
      tpu.enqueue_dma source(%dma_start3A_332 : memref<2048xf32, #tpu.memory_space<hbm>>) target(%dma_start3A_331 : memref<2048xf32, #tpu.memory_space<vmem>>) target_semaphore(%arg11 : memref<!tpu.dma_semaphore, #tpu.memory_space<semaphore_mem>>)
      %add3A_333 = arith.constant 5 : i32
      %add3A_334 = arith.addi %mul3A_34, %add3A_333 : i32
      %mul3A_335 = arith.constant 262144 : i32
      %mul3A_336 = arith.muli %add3A_334, %mul3A_335 : i32
      %add3A_337 = arith.addi %mul3A_336, %add3A_277 : i32
      %dma_start3A_338 = arith.constant 10240 : i32
      %dma_start3A_339 = tpu.memref_slice %arg6[%dma_start3A_338] : memref<38912xf32, #tpu.memory_space<vmem>> -> memref<2048xf32, #tpu.memory_space<vmem>>
      %dma_start3A_340 = tpu.memref_slice %arg2[%add3A_337] : memref<19922944xf32, #tpu.memory_space<hbm>> -> memref<2048xf32, #tpu.memory_space<hbm>>
      %dma_start3A_341 = arith.constant 10240 : i32
      %dma_start3A_342 = tpu.memref_slice %arg6[%dma_start3A_341] : memref<38912xf32, #tpu.memory_space<vmem>> -> memref<2048xf32, #tpu.memory_space<vmem>>
      %dma_start3A_343 = tpu.memref_slice %arg2[%add3A_337] : memref<19922944xf32, #tpu.memory_space<hbm>> -> memref<2048xf32, #tpu.memory_space<hbm>>
      tpu.enqueue_dma source(%dma_start3A_343 : memref<2048xf32, #tpu.memory_space<hbm>>) target(%dma_start3A_342 : memref<2048xf32, #tpu.memory_space<vmem>>) target_semaphore(%arg11 : memref<!tpu.dma_semaphore, #tpu.memory_space<semaphore_mem>>)
      %add3A_344 = arith.constant 6 : i32
      %add3A_345 = arith.addi %mul3A_34, %add3A_344 : i32
      %mul3A_346 = arith.constant 262144 : i32
      %mul3A_347 = arith.muli %add3A_345, %mul3A_346 : i32
      %add3A_348 = arith.addi %mul3A_347, %add3A_277 : i32
      %dma_start3A_349 = arith.constant 12288 : i32
      %dma_start3A_350 = tpu.memref_slice %arg6[%dma_start3A_349] : memref<38912xf32, #tpu.memory_space<vmem>> -> memref<2048xf32, #tpu.memory_space<vmem>>
      %dma_start3A_351 = tpu.memref_slice %arg2[%add3A_348] : memref<19922944xf32, #tpu.memory_space<hbm>> -> memref<2048xf32, #tpu.memory_space<hbm>>
      %dma_start3A_352 = arith.constant 12288 : i32
      %dma_start3A_353 = tpu.memref_slice %arg6[%dma_start3A_352] : memref<38912xf32, #tpu.memory_space<vmem>> -> memref<2048xf32, #tpu.memory_space<vmem>>
      %dma_start3A_354 = tpu.memref_slice %arg2[%add3A_348] : memref<19922944xf32, #tpu.memory_space<hbm>> -> memref<2048xf32, #tpu.memory_space<hbm>>
      tpu.enqueue_dma source(%dma_start3A_354 : memref<2048xf32, #tpu.memory_space<hbm>>) target(%dma_start3A_353 : memref<2048xf32, #tpu.memory_space<vmem>>) target_semaphore(%arg11 : memref<!tpu.dma_semaphore, #tpu.memory_space<semaphore_mem>>)
      %add3A_355 = arith.constant 7 : i32
      %add3A_356 = arith.addi %mul3A_34, %add3A_355 : i32
      %mul3A_357 = arith.constant 262144 : i32
      %mul3A_358 = arith.muli %add3A_356, %mul3A_357 : i32
      %add3A_359 = arith.addi %mul3A_358, %add3A_277 : i32
      %dma_start3A_360 = arith.constant 14336 : i32
      %dma_start3A_361 = tpu.memref_slice %arg6[%dma_start3A_360] : memref<38912xf32, #tpu.memory_space<vmem>> -> memref<2048xf32, #tpu.memory_space<vmem>>
      %dma_start3A_362 = tpu.memref_slice %arg2[%add3A_359] : memref<19922944xf32, #tpu.memory_space<hbm>> -> memref<2048xf32, #tpu.memory_space<hbm>>
      %dma_start3A_363 = arith.constant 14336 : i32
      %dma_start3A_364 = tpu.memref_slice %arg6[%dma_start3A_363] : memref<38912xf32, #tpu.memory_space<vmem>> -> memref<2048xf32, #tpu.memory_space<vmem>>
      %dma_start3A_365 = tpu.memref_slice %arg2[%add3A_359] : memref<19922944xf32, #tpu.memory_space<hbm>> -> memref<2048xf32, #tpu.memory_space<hbm>>
      tpu.enqueue_dma source(%dma_start3A_365 : memref<2048xf32, #tpu.memory_space<hbm>>) target(%dma_start3A_364 : memref<2048xf32, #tpu.memory_space<vmem>>) target_semaphore(%arg11 : memref<!tpu.dma_semaphore, #tpu.memory_space<semaphore_mem>>)
      %add3A_366 = arith.constant 8 : i32
      %add3A_367 = arith.addi %mul3A_34, %add3A_366 : i32
      %mul3A_368 = arith.constant 262144 : i32
      %mul3A_369 = arith.muli %add3A_367, %mul3A_368 : i32
      %add3A_370 = arith.addi %mul3A_369, %add3A_277 : i32
      %dma_start3A_371 = arith.constant 16384 : i32
      %dma_start3A_372 = tpu.memref_slice %arg6[%dma_start3A_371] : memref<38912xf32, #tpu.memory_space<vmem>> -> memref<2048xf32, #tpu.memory_space<vmem>>
      %dma_start3A_373 = tpu.memref_slice %arg2[%add3A_370] : memref<19922944xf32, #tpu.memory_space<hbm>> -> memref<2048xf32, #tpu.memory_space<hbm>>
      %dma_start3A_374 = arith.constant 16384 : i32
      %dma_start3A_375 = tpu.memref_slice %arg6[%dma_start3A_374] : memref<38912xf32, #tpu.memory_space<vmem>> -> memref<2048xf32, #tpu.memory_space<vmem>>
      %dma_start3A_376 = tpu.memref_slice %arg2[%add3A_370] : memref<19922944xf32, #tpu.memory_space<hbm>> -> memref<2048xf32, #tpu.memory_space<hbm>>
      tpu.enqueue_dma source(%dma_start3A_376 : memref<2048xf32, #tpu.memory_space<hbm>>) target(%dma_start3A_375 : memref<2048xf32, #tpu.memory_space<vmem>>) target_semaphore(%arg11 : memref<!tpu.dma_semaphore, #tpu.memory_space<semaphore_mem>>)
      %add3A_377 = arith.constant 9 : i32
      %add3A_378 = arith.addi %mul3A_34, %add3A_377 : i32
      %mul3A_379 = arith.constant 262144 : i32
      %mul3A_380 = arith.muli %add3A_378, %mul3A_379 : i32
      %add3A_381 = arith.addi %mul3A_380, %add3A_277 : i32
      %dma_start3A_382 = arith.constant 18432 : i32
      %dma_start3A_383 = tpu.memref_slice %arg6[%dma_start3A_382] : memref<38912xf32, #tpu.memory_space<vmem>> -> memref<2048xf32, #tpu.memory_space<vmem>>
      %dma_start3A_384 = tpu.memref_slice %arg2[%add3A_381] : memref<19922944xf32, #tpu.memory_space<hbm>> -> memref<2048xf32, #tpu.memory_space<hbm>>
      %dma_start3A_385 = arith.constant 18432 : i32
      %dma_start3A_386 = tpu.memref_slice %arg6[%dma_start3A_385] : memref<38912xf32, #tpu.memory_space<vmem>> -> memref<2048xf32, #tpu.memory_space<vmem>>
      %dma_start3A_387 = tpu.memref_slice %arg2[%add3A_381] : memref<19922944xf32, #tpu.memory_space<hbm>> -> memref<2048xf32, #tpu.memory_space<hbm>>
      tpu.enqueue_dma source(%dma_start3A_387 : memref<2048xf32, #tpu.memory_space<hbm>>) target(%dma_start3A_386 : memref<2048xf32, #tpu.memory_space<vmem>>) target_semaphore(%arg11 : memref<!tpu.dma_semaphore, #tpu.memory_space<semaphore_mem>>)
      %add3A_388 = arith.constant 10 : i32
      %add3A_389 = arith.addi %mul3A_34, %add3A_388 : i32
      %mul3A_390 = arith.constant 262144 : i32
      %mul3A_391 = arith.muli %add3A_389, %mul3A_390 : i32
      %add3A_392 = arith.addi %mul3A_391, %add3A_277 : i32
      %dma_start3A_393 = arith.constant 20480 : i32
      %dma_start3A_394 = tpu.memref_slice %arg6[%dma_start3A_393] : memref<38912xf32, #tpu.memory_space<vmem>> -> memref<2048xf32, #tpu.memory_space<vmem>>
      %dma_start3A_395 = tpu.memref_slice %arg2[%add3A_392] : memref<19922944xf32, #tpu.memory_space<hbm>> -> memref<2048xf32, #tpu.memory_space<hbm>>
      %dma_start3A_396 = arith.constant 20480 : i32
      %dma_start3A_397 = tpu.memref_slice %arg6[%dma_start3A_396] : memref<38912xf32, #tpu.memory_space<vmem>> -> memref<2048xf32, #tpu.memory_space<vmem>>
      %dma_start3A_398 = tpu.memref_slice %arg2[%add3A_392] : memref<19922944xf32, #tpu.memory_space<hbm>> -> memref<2048xf32, #tpu.memory_space<hbm>>
      tpu.enqueue_dma source(%dma_start3A_398 : memref<2048xf32, #tpu.memory_space<hbm>>) target(%dma_start3A_397 : memref<2048xf32, #tpu.memory_space<vmem>>) target_semaphore(%arg11 : memref<!tpu.dma_semaphore, #tpu.memory_space<semaphore_mem>>)
      %add3A_399 = arith.constant 11 : i32
      %add3A_400 = arith.addi %mul3A_34, %add3A_399 : i32
      %mul3A_401 = arith.constant 262144 : i32
      %mul3A_402 = arith.muli %add3A_400, %mul3A_401 : i32
      %add3A_403 = arith.addi %mul3A_402, %add3A_277 : i32
      %dma_start3A_404 = arith.constant 22528 : i32
      %dma_start3A_405 = tpu.memref_slice %arg6[%dma_start3A_404] : memref<38912xf32, #tpu.memory_space<vmem>> -> memref<2048xf32, #tpu.memory_space<vmem>>
      %dma_start3A_406 = tpu.memref_slice %arg2[%add3A_403] : memref<19922944xf32, #tpu.memory_space<hbm>> -> memref<2048xf32, #tpu.memory_space<hbm>>
      %dma_start3A_407 = arith.constant 22528 : i32
      %dma_start3A_408 = tpu.memref_slice %arg6[%dma_start3A_407] : memref<38912xf32, #tpu.memory_space<vmem>> -> memref<2048xf32, #tpu.memory_space<vmem>>
      %dma_start3A_409 = tpu.memref_slice %arg2[%add3A_403] : memref<19922944xf32, #tpu.memory_space<hbm>> -> memref<2048xf32, #tpu.memory_space<hbm>>
      tpu.enqueue_dma source(%dma_start3A_409 : memref<2048xf32, #tpu.memory_space<hbm>>) target(%dma_start3A_408 : memref<2048xf32, #tpu.memory_space<vmem>>) target_semaphore(%arg11 : memref<!tpu.dma_semaphore, #tpu.memory_space<semaphore_mem>>)
      %add3A_410 = arith.constant 12 : i32
      %add3A_411 = arith.addi %mul3A_34, %add3A_410 : i32
      %mul3A_412 = arith.constant 262144 : i32
      %mul3A_413 = arith.muli %add3A_411, %mul3A_412 : i32
      %add3A_414 = arith.addi %mul3A_413, %add3A_277 : i32
      %dma_start3A_415 = arith.constant 24576 : i32
      %dma_start3A_416 = tpu.memref_slice %arg6[%dma_start3A_415] : memref<38912xf32, #tpu.memory_space<vmem>> -> memref<2048xf32, #tpu.memory_space<vmem>>
      %dma_start3A_417 = tpu.memref_slice %arg2[%add3A_414] : memref<19922944xf32, #tpu.memory_space<hbm>> -> memref<2048xf32, #tpu.memory_space<hbm>>
      %dma_start3A_418 = arith.constant 24576 : i32
      %dma_start3A_419 = tpu.memref_slice %arg6[%dma_start3A_418] : memref<38912xf32, #tpu.memory_space<vmem>> -> memref<2048xf32, #tpu.memory_space<vmem>>
      %dma_start3A_420 = tpu.memref_slice %arg2[%add3A_414] : memref<19922944xf32, #tpu.memory_space<hbm>> -> memref<2048xf32, #tpu.memory_space<hbm>>
      tpu.enqueue_dma source(%dma_start3A_420 : memref<2048xf32, #tpu.memory_space<hbm>>) target(%dma_start3A_419 : memref<2048xf32, #tpu.memory_space<vmem>>) target_semaphore(%arg11 : memref<!tpu.dma_semaphore, #tpu.memory_space<semaphore_mem>>)
      %add3A_421 = arith.constant 13 : i32
      %add3A_422 = arith.addi %mul3A_34, %add3A_421 : i32
      %mul3A_423 = arith.constant 262144 : i32
      %mul3A_424 = arith.muli %add3A_422, %mul3A_423 : i32
      %add3A_425 = arith.addi %mul3A_424, %add3A_277 : i32
      %dma_start3A_426 = arith.constant 26624 : i32
      %dma_start3A_427 = tpu.memref_slice %arg6[%dma_start3A_426] : memref<38912xf32, #tpu.memory_space<vmem>> -> memref<2048xf32, #tpu.memory_space<vmem>>
      %dma_start3A_428 = tpu.memref_slice %arg2[%add3A_425] : memref<19922944xf32, #tpu.memory_space<hbm>> -> memref<2048xf32, #tpu.memory_space<hbm>>
      %dma_start3A_429 = arith.constant 26624 : i32
      %dma_start3A_430 = tpu.memref_slice %arg6[%dma_start3A_429] : memref<38912xf32, #tpu.memory_space<vmem>> -> memref<2048xf32, #tpu.memory_space<vmem>>
      %dma_start3A_431 = tpu.memref_slice %arg2[%add3A_425] : memref<19922944xf32, #tpu.memory_space<hbm>> -> memref<2048xf32, #tpu.memory_space<hbm>>
      tpu.enqueue_dma source(%dma_start3A_431 : memref<2048xf32, #tpu.memory_space<hbm>>) target(%dma_start3A_430 : memref<2048xf32, #tpu.memory_space<vmem>>) target_semaphore(%arg11 : memref<!tpu.dma_semaphore, #tpu.memory_space<semaphore_mem>>)
      %add3A_432 = arith.constant 14 : i32
      %add3A_433 = arith.addi %mul3A_34, %add3A_432 : i32
      %mul3A_434 = arith.constant 262144 : i32
      %mul3A_435 = arith.muli %add3A_433, %mul3A_434 : i32
      %add3A_436 = arith.addi %mul3A_435, %add3A_277 : i32
      %dma_start3A_437 = arith.constant 28672 : i32
      %dma_start3A_438 = tpu.memref_slice %arg6[%dma_start3A_437] : memref<38912xf32, #tpu.memory_space<vmem>> -> memref<2048xf32, #tpu.memory_space<vmem>>
      %dma_start3A_439 = tpu.memref_slice %arg2[%add3A_436] : memref<19922944xf32, #tpu.memory_space<hbm>> -> memref<2048xf32, #tpu.memory_space<hbm>>
      %dma_start3A_440 = arith.constant 28672 : i32
      %dma_start3A_441 = tpu.memref_slice %arg6[%dma_start3A_440] : memref<38912xf32, #tpu.memory_space<vmem>> -> memref<2048xf32, #tpu.memory_space<vmem>>
      %dma_start3A_442 = tpu.memref_slice %arg2[%add3A_436] : memref<19922944xf32, #tpu.memory_space<hbm>> -> memref<2048xf32, #tpu.memory_space<hbm>>
      tpu.enqueue_dma source(%dma_start3A_442 : memref<2048xf32, #tpu.memory_space<hbm>>) target(%dma_start3A_441 : memref<2048xf32, #tpu.memory_space<vmem>>) target_semaphore(%arg11 : memref<!tpu.dma_semaphore, #tpu.memory_space<semaphore_mem>>)
      %add3A_443 = arith.constant 15 : i32
      %add3A_444 = arith.addi %mul3A_34, %add3A_443 : i32
      %mul3A_445 = arith.constant 262144 : i32
      %mul3A_446 = arith.muli %add3A_444, %mul3A_445 : i32
      %add3A_447 = arith.addi %mul3A_446, %add3A_277 : i32
      %dma_start3A_448 = arith.constant 30720 : i32
      %dma_start3A_449 = tpu.memref_slice %arg6[%dma_start3A_448] : memref<38912xf32, #tpu.memory_space<vmem>> -> memref<2048xf32, #tpu.memory_space<vmem>>
      %dma_start3A_450 = tpu.memref_slice %arg2[%add3A_447] : memref<19922944xf32, #tpu.memory_space<hbm>> -> memref<2048xf32, #tpu.memory_space<hbm>>
      %dma_start3A_451 = arith.constant 30720 : i32
      %dma_start3A_452 = tpu.memref_slice %arg6[%dma_start3A_451] : memref<38912xf32, #tpu.memory_space<vmem>> -> memref<2048xf32, #tpu.memory_space<vmem>>
      %dma_start3A_453 = tpu.memref_slice %arg2[%add3A_447] : memref<19922944xf32, #tpu.memory_space<hbm>> -> memref<2048xf32, #tpu.memory_space<hbm>>
      tpu.enqueue_dma source(%dma_start3A_453 : memref<2048xf32, #tpu.memory_space<hbm>>) target(%dma_start3A_452 : memref<2048xf32, #tpu.memory_space<vmem>>) target_semaphore(%arg11 : memref<!tpu.dma_semaphore, #tpu.memory_space<semaphore_mem>>)
      %add3A_454 = arith.constant 16 : i32
      %add3A_455 = arith.addi %mul3A_34, %add3A_454 : i32
      %mul3A_456 = arith.constant 262144 : i32
      %mul3A_457 = arith.muli %add3A_455, %mul3A_456 : i32
      %add3A_458 = arith.addi %mul3A_457, %add3A_277 : i32
      %dma_start3A_459 = arith.constant 32768 : i32
      %dma_start3A_460 = tpu.memref_slice %arg6[%dma_start3A_459] : memref<38912xf32, #tpu.memory_space<vmem>> -> memref<2048xf32, #tpu.memory_space<vmem>>
      %dma_start3A_461 = tpu.memref_slice %arg2[%add3A_458] : memref<19922944xf32, #tpu.memory_space<hbm>> -> memref<2048xf32, #tpu.memory_space<hbm>>
      %dma_start3A_462 = arith.constant 32768 : i32
      %dma_start3A_463 = tpu.memref_slice %arg6[%dma_start3A_462] : memref<38912xf32, #tpu.memory_space<vmem>> -> memref<2048xf32, #tpu.memory_space<vmem>>
      %dma_start3A_464 = tpu.memref_slice %arg2[%add3A_458] : memref<19922944xf32, #tpu.memory_space<hbm>> -> memref<2048xf32, #tpu.memory_space<hbm>>
      tpu.enqueue_dma source(%dma_start3A_464 : memref<2048xf32, #tpu.memory_space<hbm>>) target(%dma_start3A_463 : memref<2048xf32, #tpu.memory_space<vmem>>) target_semaphore(%arg11 : memref<!tpu.dma_semaphore, #tpu.memory_space<semaphore_mem>>)
      %add3A_465 = arith.constant 17 : i32
      %add3A_466 = arith.addi %mul3A_34, %add3A_465 : i32
      %mul3A_467 = arith.constant 262144 : i32
      %mul3A_468 = arith.muli %add3A_466, %mul3A_467 : i32
      %add3A_469 = arith.addi %mul3A_468, %add3A_277 : i32
      %dma_start3A_470 = arith.constant 34816 : i32
      %dma_start3A_471 = tpu.memref_slice %arg6[%dma_start3A_470] : memref<38912xf32, #tpu.memory_space<vmem>> -> memref<2048xf32, #tpu.memory_space<vmem>>
      %dma_start3A_472 = tpu.memref_slice %arg2[%add3A_469] : memref<19922944xf32, #tpu.memory_space<hbm>> -> memref<2048xf32, #tpu.memory_space<hbm>>
      %dma_start3A_473 = arith.constant 34816 : i32
      %dma_start3A_474 = tpu.memref_slice %arg6[%dma_start3A_473] : memref<38912xf32, #tpu.memory_space<vmem>> -> memref<2048xf32, #tpu.memory_space<vmem>>
      %dma_start3A_475 = tpu.memref_slice %arg2[%add3A_469] : memref<19922944xf32, #tpu.memory_space<hbm>> -> memref<2048xf32, #tpu.memory_space<hbm>>
      tpu.enqueue_dma source(%dma_start3A_475 : memref<2048xf32, #tpu.memory_space<hbm>>) target(%dma_start3A_474 : memref<2048xf32, #tpu.memory_space<vmem>>) target_semaphore(%arg11 : memref<!tpu.dma_semaphore, #tpu.memory_space<semaphore_mem>>)
      %add3A_476 = arith.constant 18 : i32
      %add3A_477 = arith.addi %mul3A_34, %add3A_476 : i32
      %mul3A_478 = arith.constant 262144 : i32
      %mul3A_479 = arith.muli %add3A_477, %mul3A_478 : i32
      %add3A_480 = arith.addi %mul3A_479, %add3A_277 : i32
      %dma_start3A_481 = arith.constant 36864 : i32
      %dma_start3A_482 = tpu.memref_slice %arg6[%dma_start3A_481] : memref<38912xf32, #tpu.memory_space<vmem>> -> memref<2048xf32, #tpu.memory_space<vmem>>
      %dma_start3A_483 = tpu.memref_slice %arg2[%add3A_480] : memref<19922944xf32, #tpu.memory_space<hbm>> -> memref<2048xf32, #tpu.memory_space<hbm>>
      %dma_start3A_484 = arith.constant 36864 : i32
      %dma_start3A_485 = tpu.memref_slice %arg6[%dma_start3A_484] : memref<38912xf32, #tpu.memory_space<vmem>> -> memref<2048xf32, #tpu.memory_space<vmem>>
      %dma_start3A_486 = tpu.memref_slice %arg2[%add3A_480] : memref<19922944xf32, #tpu.memory_space<hbm>> -> memref<2048xf32, #tpu.memory_space<hbm>>
      tpu.enqueue_dma source(%dma_start3A_486 : memref<2048xf32, #tpu.memory_space<hbm>>) target(%dma_start3A_485 : memref<2048xf32, #tpu.memory_space<vmem>>) target_semaphore(%arg11 : memref<!tpu.dma_semaphore, #tpu.memory_space<semaphore_mem>>)
      %dma_start3A_487 = tpu.memref_slice %arg3[%add3A_275] : memref<1048576xi32, #tpu.memory_space<hbm>> -> memref<2048xi32, #tpu.memory_space<hbm>>
      %dma_start3A_488 = tpu.memref_slice %arg3[%add3A_275] : memref<1048576xi32, #tpu.memory_space<hbm>> -> memref<2048xi32, #tpu.memory_space<hbm>>
      tpu.enqueue_dma source(%dma_start3A_488 : memref<2048xi32, #tpu.memory_space<hbm>>) target(%arg8 : memref<2048xi32, #tpu.memory_space<vmem>>) target_semaphore(%arg11 : memref<!tpu.dma_semaphore, #tpu.memory_space<semaphore_mem>>)
      %dma_wait3A = arith.constant 0 : i32
      %dma_wait3A_489 = tpu.memref_slice %arg5[%dma_wait3A] : memref<38912xf32, #tpu.memory_space<vmem>> -> memref<2048xf32, #tpu.memory_space<vmem>>
      %dma_wait3A_490 = arith.constant 0 : i32
      %dma_wait3A_491 = tpu.memref_slice %arg2[%dma_wait3A_490] : memref<19922944xf32, #tpu.memory_space<hbm>> -> memref<2048xf32, #tpu.memory_space<hbm>>
      %dma_wait3A_492 = arith.constant 0 : i32
      %dma_wait3A_493 = tpu.memref_slice %arg5[%dma_wait3A_492] : memref<38912xf32, #tpu.memory_space<vmem>> -> memref<2048xf32, #tpu.memory_space<vmem>>
      %dma_wait3A_494 = arith.constant 0 : i32
      %dma_wait3A_495 = tpu.memref_slice %arg2[%dma_wait3A_494] : memref<19922944xf32, #tpu.memory_space<hbm>> -> memref<2048xf32, #tpu.memory_space<hbm>>
      tpu.wait_dma2 semaphore(%arg10 : memref<!tpu.dma_semaphore, #tpu.memory_space<semaphore_mem>>) src(%dma_wait3A_495 : memref<2048xf32, #tpu.memory_space<hbm>>) dst(%dma_wait3A_493 : memref<2048xf32, #tpu.memory_space<vmem>>)
      %dma_wait3A_496 = arith.constant 2048 : i32
      %dma_wait3A_497 = tpu.memref_slice %arg5[%dma_wait3A_496] : memref<38912xf32, #tpu.memory_space<vmem>> -> memref<2048xf32, #tpu.memory_space<vmem>>
      %dma_wait3A_498 = arith.constant 0 : i32
      %dma_wait3A_499 = tpu.memref_slice %arg2[%dma_wait3A_498] : memref<19922944xf32, #tpu.memory_space<hbm>> -> memref<2048xf32, #tpu.memory_space<hbm>>
      %dma_wait3A_500 = arith.constant 2048 : i32
      %dma_wait3A_501 = tpu.memref_slice %arg5[%dma_wait3A_500] : memref<38912xf32, #tpu.memory_space<vmem>> -> memref<2048xf32, #tpu.memory_space<vmem>>
      %dma_wait3A_502 = arith.constant 0 : i32
      %dma_wait3A_503 = tpu.memref_slice %arg2[%dma_wait3A_502] : memref<19922944xf32, #tpu.memory_space<hbm>> -> memref<2048xf32, #tpu.memory_space<hbm>>
      tpu.wait_dma2 semaphore(%arg10 : memref<!tpu.dma_semaphore, #tpu.memory_space<semaphore_mem>>) src(%dma_wait3A_503 : memref<2048xf32, #tpu.memory_space<hbm>>) dst(%dma_wait3A_501 : memref<2048xf32, #tpu.memory_space<vmem>>)
      %dma_wait3A_504 = arith.constant 4096 : i32
      %dma_wait3A_505 = tpu.memref_slice %arg5[%dma_wait3A_504] : memref<38912xf32, #tpu.memory_space<vmem>> -> memref<2048xf32, #tpu.memory_space<vmem>>
      %dma_wait3A_506 = arith.constant 0 : i32
      %dma_wait3A_507 = tpu.memref_slice %arg2[%dma_wait3A_506] : memref<19922944xf32, #tpu.memory_space<hbm>> -> memref<2048xf32, #tpu.memory_space<hbm>>
      %dma_wait3A_508 = arith.constant 4096 : i32
      %dma_wait3A_509 = tpu.memref_slice %arg5[%dma_wait3A_508] : memref<38912xf32, #tpu.memory_space<vmem>> -> memref<2048xf32, #tpu.memory_space<vmem>>
      %dma_wait3A_510 = arith.constant 0 : i32
      %dma_wait3A_511 = tpu.memref_slice %arg2[%dma_wait3A_510] : memref<19922944xf32, #tpu.memory_space<hbm>> -> memref<2048xf32, #tpu.memory_space<hbm>>
      tpu.wait_dma2 semaphore(%arg10 : memref<!tpu.dma_semaphore, #tpu.memory_space<semaphore_mem>>) src(%dma_wait3A_511 : memref<2048xf32, #tpu.memory_space<hbm>>) dst(%dma_wait3A_509 : memref<2048xf32, #tpu.memory_space<vmem>>)
      %dma_wait3A_512 = arith.constant 6144 : i32
      %dma_wait3A_513 = tpu.memref_slice %arg5[%dma_wait3A_512] : memref<38912xf32, #tpu.memory_space<vmem>> -> memref<2048xf32, #tpu.memory_space<vmem>>
      %dma_wait3A_514 = arith.constant 0 : i32
      %dma_wait3A_515 = tpu.memref_slice %arg2[%dma_wait3A_514] : memref<19922944xf32, #tpu.memory_space<hbm>> -> memref<2048xf32, #tpu.memory_space<hbm>>
      %dma_wait3A_516 = arith.constant 6144 : i32
      %dma_wait3A_517 = tpu.memref_slice %arg5[%dma_wait3A_516] : memref<38912xf32, #tpu.memory_space<vmem>> -> memref<2048xf32, #tpu.memory_space<vmem>>
      %dma_wait3A_518 = arith.constant 0 : i32
      %dma_wait3A_519 = tpu.memref_slice %arg2[%dma_wait3A_518] : memref<19922944xf32, #tpu.memory_space<hbm>> -> memref<2048xf32, #tpu.memory_space<hbm>>
      tpu.wait_dma2 semaphore(%arg10 : memref<!tpu.dma_semaphore, #tpu.memory_space<semaphore_mem>>) src(%dma_wait3A_519 : memref<2048xf32, #tpu.memory_space<hbm>>) dst(%dma_wait3A_517 : memref<2048xf32, #tpu.memory_space<vmem>>)
      %dma_wait3A_520 = arith.constant 8192 : i32
      %dma_wait3A_521 = tpu.memref_slice %arg5[%dma_wait3A_520] : memref<38912xf32, #tpu.memory_space<vmem>> -> memref<2048xf32, #tpu.memory_space<vmem>>
      %dma_wait3A_522 = arith.constant 0 : i32
      %dma_wait3A_523 = tpu.memref_slice %arg2[%dma_wait3A_522] : memref<19922944xf32, #tpu.memory_space<hbm>> -> memref<2048xf32, #tpu.memory_space<hbm>>
      %dma_wait3A_524 = arith.constant 8192 : i32
      %dma_wait3A_525 = tpu.memref_slice %arg5[%dma_wait3A_524] : memref<38912xf32, #tpu.memory_space<vmem>> -> memref<2048xf32, #tpu.memory_space<vmem>>
      %dma_wait3A_526 = arith.constant 0 : i32
      %dma_wait3A_527 = tpu.memref_slice %arg2[%dma_wait3A_526] : memref<19922944xf32, #tpu.memory_space<hbm>> -> memref<2048xf32, #tpu.memory_space<hbm>>
      tpu.wait_dma2 semaphore(%arg10 : memref<!tpu.dma_semaphore, #tpu.memory_space<semaphore_mem>>) src(%dma_wait3A_527 : memref<2048xf32, #tpu.memory_space<hbm>>) dst(%dma_wait3A_525 : memref<2048xf32, #tpu.memory_space<vmem>>)
      %dma_wait3A_528 = arith.constant 10240 : i32
      %dma_wait3A_529 = tpu.memref_slice %arg5[%dma_wait3A_528] : memref<38912xf32, #tpu.memory_space<vmem>> -> memref<2048xf32, #tpu.memory_space<vmem>>
      %dma_wait3A_530 = arith.constant 0 : i32
      %dma_wait3A_531 = tpu.memref_slice %arg2[%dma_wait3A_530] : memref<19922944xf32, #tpu.memory_space<hbm>> -> memref<2048xf32, #tpu.memory_space<hbm>>
      %dma_wait3A_532 = arith.constant 10240 : i32
      %dma_wait3A_533 = tpu.memref_slice %arg5[%dma_wait3A_532] : memref<38912xf32, #tpu.memory_space<vmem>> -> memref<2048xf32, #tpu.memory_space<vmem>>
      %dma_wait3A_534 = arith.constant 0 : i32
      %dma_wait3A_535 = tpu.memref_slice %arg2[%dma_wait3A_534] : memref<19922944xf32, #tpu.memory_space<hbm>> -> memref<2048xf32, #tpu.memory_space<hbm>>
      tpu.wait_dma2 semaphore(%arg10 : memref<!tpu.dma_semaphore, #tpu.memory_space<semaphore_mem>>) src(%dma_wait3A_535 : memref<2048xf32, #tpu.memory_space<hbm>>) dst(%dma_wait3A_533 : memref<2048xf32, #tpu.memory_space<vmem>>)
      %dma_wait3A_536 = arith.constant 12288 : i32
      %dma_wait3A_537 = tpu.memref_slice %arg5[%dma_wait3A_536] : memref<38912xf32, #tpu.memory_space<vmem>> -> memref<2048xf32, #tpu.memory_space<vmem>>
      %dma_wait3A_538 = arith.constant 0 : i32
      %dma_wait3A_539 = tpu.memref_slice %arg2[%dma_wait3A_538] : memref<19922944xf32, #tpu.memory_space<hbm>> -> memref<2048xf32, #tpu.memory_space<hbm>>
      %dma_wait3A_540 = arith.constant 12288 : i32
      %dma_wait3A_541 = tpu.memref_slice %arg5[%dma_wait3A_540] : memref<38912xf32, #tpu.memory_space<vmem>> -> memref<2048xf32, #tpu.memory_space<vmem>>
      %dma_wait3A_542 = arith.constant 0 : i32
      %dma_wait3A_543 = tpu.memref_slice %arg2[%dma_wait3A_542] : memref<19922944xf32, #tpu.memory_space<hbm>> -> memref<2048xf32, #tpu.memory_space<hbm>>
      tpu.wait_dma2 semaphore(%arg10 : memref<!tpu.dma_semaphore, #tpu.memory_space<semaphore_mem>>) src(%dma_wait3A_543 : memref<2048xf32, #tpu.memory_space<hbm>>) dst(%dma_wait3A_541 : memref<2048xf32, #tpu.memory_space<vmem>>)
      %dma_wait3A_544 = arith.constant 14336 : i32
      %dma_wait3A_545 = tpu.memref_slice %arg5[%dma_wait3A_544] : memref<38912xf32, #tpu.memory_space<vmem>> -> memref<2048xf32, #tpu.memory_space<vmem>>
      %dma_wait3A_546 = arith.constant 0 : i32
      %dma_wait3A_547 = tpu.memref_slice %arg2[%dma_wait3A_546] : memref<19922944xf32, #tpu.memory_space<hbm>> -> memref<2048xf32, #tpu.memory_space<hbm>>
      %dma_wait3A_548 = arith.constant 14336 : i32
      %dma_wait3A_549 = tpu.memref_slice %arg5[%dma_wait3A_548] : memref<38912xf32, #tpu.memory_space<vmem>> -> memref<2048xf32, #tpu.memory_space<vmem>>
      %dma_wait3A_550 = arith.constant 0 : i32
      %dma_wait3A_551 = tpu.memref_slice %arg2[%dma_wait3A_550] : memref<19922944xf32, #tpu.memory_space<hbm>> -> memref<2048xf32, #tpu.memory_space<hbm>>
      tpu.wait_dma2 semaphore(%arg10 : memref<!tpu.dma_semaphore, #tpu.memory_space<semaphore_mem>>) src(%dma_wait3A_551 : memref<2048xf32, #tpu.memory_space<hbm>>) dst(%dma_wait3A_549 : memref<2048xf32, #tpu.memory_space<vmem>>)
      %dma_wait3A_552 = arith.constant 16384 : i32
      %dma_wait3A_553 = tpu.memref_slice %arg5[%dma_wait3A_552] : memref<38912xf32, #tpu.memory_space<vmem>> -> memref<2048xf32, #tpu.memory_space<vmem>>
      %dma_wait3A_554 = arith.constant 0 : i32
      %dma_wait3A_555 = tpu.memref_slice %arg2[%dma_wait3A_554] : memref<19922944xf32, #tpu.memory_space<hbm>> -> memref<2048xf32, #tpu.memory_space<hbm>>
      %dma_wait3A_556 = arith.constant 16384 : i32
      %dma_wait3A_557 = tpu.memref_slice %arg5[%dma_wait3A_556] : memref<38912xf32, #tpu.memory_space<vmem>> -> memref<2048xf32, #tpu.memory_space<vmem>>
      %dma_wait3A_558 = arith.constant 0 : i32
      %dma_wait3A_559 = tpu.memref_slice %arg2[%dma_wait3A_558] : memref<19922944xf32, #tpu.memory_space<hbm>> -> memref<2048xf32, #tpu.memory_space<hbm>>
      tpu.wait_dma2 semaphore(%arg10 : memref<!tpu.dma_semaphore, #tpu.memory_space<semaphore_mem>>) src(%dma_wait3A_559 : memref<2048xf32, #tpu.memory_space<hbm>>) dst(%dma_wait3A_557 : memref<2048xf32, #tpu.memory_space<vmem>>)
      %dma_wait3A_560 = arith.constant 18432 : i32
      %dma_wait3A_561 = tpu.memref_slice %arg5[%dma_wait3A_560] : memref<38912xf32, #tpu.memory_space<vmem>> -> memref<2048xf32, #tpu.memory_space<vmem>>
      %dma_wait3A_562 = arith.constant 0 : i32
      %dma_wait3A_563 = tpu.memref_slice %arg2[%dma_wait3A_562] : memref<19922944xf32, #tpu.memory_space<hbm>> -> memref<2048xf32, #tpu.memory_space<hbm>>
      %dma_wait3A_564 = arith.constant 18432 : i32
      %dma_wait3A_565 = tpu.memref_slice %arg5[%dma_wait3A_564] : memref<38912xf32, #tpu.memory_space<vmem>> -> memref<2048xf32, #tpu.memory_space<vmem>>
      %dma_wait3A_566 = arith.constant 0 : i32
      %dma_wait3A_567 = tpu.memref_slice %arg2[%dma_wait3A_566] : memref<19922944xf32, #tpu.memory_space<hbm>> -> memref<2048xf32, #tpu.memory_space<hbm>>
      tpu.wait_dma2 semaphore(%arg10 : memref<!tpu.dma_semaphore, #tpu.memory_space<semaphore_mem>>) src(%dma_wait3A_567 : memref<2048xf32, #tpu.memory_space<hbm>>) dst(%dma_wait3A_565 : memref<2048xf32, #tpu.memory_space<vmem>>)
      %dma_wait3A_568 = arith.constant 20480 : i32
      %dma_wait3A_569 = tpu.memref_slice %arg5[%dma_wait3A_568] : memref<38912xf32, #tpu.memory_space<vmem>> -> memref<2048xf32, #tpu.memory_space<vmem>>
      %dma_wait3A_570 = arith.constant 0 : i32
      %dma_wait3A_571 = tpu.memref_slice %arg2[%dma_wait3A_570] : memref<19922944xf32, #tpu.memory_space<hbm>> -> memref<2048xf32, #tpu.memory_space<hbm>>
      %dma_wait3A_572 = arith.constant 20480 : i32
      %dma_wait3A_573 = tpu.memref_slice %arg5[%dma_wait3A_572] : memref<38912xf32, #tpu.memory_space<vmem>> -> memref<2048xf32, #tpu.memory_space<vmem>>
      %dma_wait3A_574 = arith.constant 0 : i32
      %dma_wait3A_575 = tpu.memref_slice %arg2[%dma_wait3A_574] : memref<19922944xf32, #tpu.memory_space<hbm>> -> memref<2048xf32, #tpu.memory_space<hbm>>
      tpu.wait_dma2 semaphore(%arg10 : memref<!tpu.dma_semaphore, #tpu.memory_space<semaphore_mem>>) src(%dma_wait3A_575 : memref<2048xf32, #tpu.memory_space<hbm>>) dst(%dma_wait3A_573 : memref<2048xf32, #tpu.memory_space<vmem>>)
      %dma_wait3A_576 = arith.constant 22528 : i32
      %dma_wait3A_577 = tpu.memref_slice %arg5[%dma_wait3A_576] : memref<38912xf32, #tpu.memory_space<vmem>> -> memref<2048xf32, #tpu.memory_space<vmem>>
      %dma_wait3A_578 = arith.constant 0 : i32
      %dma_wait3A_579 = tpu.memref_slice %arg2[%dma_wait3A_578] : memref<19922944xf32, #tpu.memory_space<hbm>> -> memref<2048xf32, #tpu.memory_space<hbm>>
      %dma_wait3A_580 = arith.constant 22528 : i32
      %dma_wait3A_581 = tpu.memref_slice %arg5[%dma_wait3A_580] : memref<38912xf32, #tpu.memory_space<vmem>> -> memref<2048xf32, #tpu.memory_space<vmem>>
      %dma_wait3A_582 = arith.constant 0 : i32
      %dma_wait3A_583 = tpu.memref_slice %arg2[%dma_wait3A_582] : memref<19922944xf32, #tpu.memory_space<hbm>> -> memref<2048xf32, #tpu.memory_space<hbm>>
      tpu.wait_dma2 semaphore(%arg10 : memref<!tpu.dma_semaphore, #tpu.memory_space<semaphore_mem>>) src(%dma_wait3A_583 : memref<2048xf32, #tpu.memory_space<hbm>>) dst(%dma_wait3A_581 : memref<2048xf32, #tpu.memory_space<vmem>>)
      %dma_wait3A_584 = arith.constant 24576 : i32
      %dma_wait3A_585 = tpu.memref_slice %arg5[%dma_wait3A_584] : memref<38912xf32, #tpu.memory_space<vmem>> -> memref<2048xf32, #tpu.memory_space<vmem>>
      %dma_wait3A_586 = arith.constant 0 : i32
      %dma_wait3A_587 = tpu.memref_slice %arg2[%dma_wait3A_586] : memref<19922944xf32, #tpu.memory_space<hbm>> -> memref<2048xf32, #tpu.memory_space<hbm>>
      %dma_wait3A_588 = arith.constant 24576 : i32
      %dma_wait3A_589 = tpu.memref_slice %arg5[%dma_wait3A_588] : memref<38912xf32, #tpu.memory_space<vmem>> -> memref<2048xf32, #tpu.memory_space<vmem>>
      %dma_wait3A_590 = arith.constant 0 : i32
      %dma_wait3A_591 = tpu.memref_slice %arg2[%dma_wait3A_590] : memref<19922944xf32, #tpu.memory_space<hbm>> -> memref<2048xf32, #tpu.memory_space<hbm>>
      tpu.wait_dma2 semaphore(%arg10 : memref<!tpu.dma_semaphore, #tpu.memory_space<semaphore_mem>>) src(%dma_wait3A_591 : memref<2048xf32, #tpu.memory_space<hbm>>) dst(%dma_wait3A_589 : memref<2048xf32, #tpu.memory_space<vmem>>)
      %dma_wait3A_592 = arith.constant 26624 : i32
      %dma_wait3A_593 = tpu.memref_slice %arg5[%dma_wait3A_592] : memref<38912xf32, #tpu.memory_space<vmem>> -> memref<2048xf32, #tpu.memory_space<vmem>>
      %dma_wait3A_594 = arith.constant 0 : i32
      %dma_wait3A_595 = tpu.memref_slice %arg2[%dma_wait3A_594] : memref<19922944xf32, #tpu.memory_space<hbm>> -> memref<2048xf32, #tpu.memory_space<hbm>>
      %dma_wait3A_596 = arith.constant 26624 : i32
      %dma_wait3A_597 = tpu.memref_slice %arg5[%dma_wait3A_596] : memref<38912xf32, #tpu.memory_space<vmem>> -> memref<2048xf32, #tpu.memory_space<vmem>>
      %dma_wait3A_598 = arith.constant 0 : i32
      %dma_wait3A_599 = tpu.memref_slice %arg2[%dma_wait3A_598] : memref<19922944xf32, #tpu.memory_space<hbm>> -> memref<2048xf32, #tpu.memory_space<hbm>>
      tpu.wait_dma2 semaphore(%arg10 : memref<!tpu.dma_semaphore, #tpu.memory_space<semaphore_mem>>) src(%dma_wait3A_599 : memref<2048xf32, #tpu.memory_space<hbm>>) dst(%dma_wait3A_597 : memref<2048xf32, #tpu.memory_space<vmem>>)
      %dma_wait3A_600 = arith.constant 28672 : i32
      %dma_wait3A_601 = tpu.memref_slice %arg5[%dma_wait3A_600] : memref<38912xf32, #tpu.memory_space<vmem>> -> memref<2048xf32, #tpu.memory_space<vmem>>
      %dma_wait3A_602 = arith.constant 0 : i32
      %dma_wait3A_603 = tpu.memref_slice %arg2[%dma_wait3A_602] : memref<19922944xf32, #tpu.memory_space<hbm>> -> memref<2048xf32, #tpu.memory_space<hbm>>
      %dma_wait3A_604 = arith.constant 28672 : i32
      %dma_wait3A_605 = tpu.memref_slice %arg5[%dma_wait3A_604] : memref<38912xf32, #tpu.memory_space<vmem>> -> memref<2048xf32, #tpu.memory_space<vmem>>
      %dma_wait3A_606 = arith.constant 0 : i32
      %dma_wait3A_607 = tpu.memref_slice %arg2[%dma_wait3A_606] : memref<19922944xf32, #tpu.memory_space<hbm>> -> memref<2048xf32, #tpu.memory_space<hbm>>
      tpu.wait_dma2 semaphore(%arg10 : memref<!tpu.dma_semaphore, #tpu.memory_space<semaphore_mem>>) src(%dma_wait3A_607 : memref<2048xf32, #tpu.memory_space<hbm>>) dst(%dma_wait3A_605 : memref<2048xf32, #tpu.memory_space<vmem>>)
      %dma_wait3A_608 = arith.constant 30720 : i32
      %dma_wait3A_609 = tpu.memref_slice %arg5[%dma_wait3A_608] : memref<38912xf32, #tpu.memory_space<vmem>> -> memref<2048xf32, #tpu.memory_space<vmem>>
      %dma_wait3A_610 = arith.constant 0 : i32
      %dma_wait3A_611 = tpu.memref_slice %arg2[%dma_wait3A_610] : memref<19922944xf32, #tpu.memory_space<hbm>> -> memref<2048xf32, #tpu.memory_space<hbm>>
      %dma_wait3A_612 = arith.constant 30720 : i32
      %dma_wait3A_613 = tpu.memref_slice %arg5[%dma_wait3A_612] : memref<38912xf32, #tpu.memory_space<vmem>> -> memref<2048xf32, #tpu.memory_space<vmem>>
      %dma_wait3A_614 = arith.constant 0 : i32
      %dma_wait3A_615 = tpu.memref_slice %arg2[%dma_wait3A_614] : memref<19922944xf32, #tpu.memory_space<hbm>> -> memref<2048xf32, #tpu.memory_space<hbm>>
      tpu.wait_dma2 semaphore(%arg10 : memref<!tpu.dma_semaphore, #tpu.memory_space<semaphore_mem>>) src(%dma_wait3A_615 : memref<2048xf32, #tpu.memory_space<hbm>>) dst(%dma_wait3A_613 : memref<2048xf32, #tpu.memory_space<vmem>>)
      %dma_wait3A_616 = arith.constant 32768 : i32
      %dma_wait3A_617 = tpu.memref_slice %arg5[%dma_wait3A_616] : memref<38912xf32, #tpu.memory_space<vmem>> -> memref<2048xf32, #tpu.memory_space<vmem>>
      %dma_wait3A_618 = arith.constant 0 : i32
      %dma_wait3A_619 = tpu.memref_slice %arg2[%dma_wait3A_618] : memref<19922944xf32, #tpu.memory_space<hbm>> -> memref<2048xf32, #tpu.memory_space<hbm>>
      %dma_wait3A_620 = arith.constant 32768 : i32
      %dma_wait3A_621 = tpu.memref_slice %arg5[%dma_wait3A_620] : memref<38912xf32, #tpu.memory_space<vmem>> -> memref<2048xf32, #tpu.memory_space<vmem>>
      %dma_wait3A_622 = arith.constant 0 : i32
      %dma_wait3A_623 = tpu.memref_slice %arg2[%dma_wait3A_622] : memref<19922944xf32, #tpu.memory_space<hbm>> -> memref<2048xf32, #tpu.memory_space<hbm>>
      tpu.wait_dma2 semaphore(%arg10 : memref<!tpu.dma_semaphore, #tpu.memory_space<semaphore_mem>>) src(%dma_wait3A_623 : memref<2048xf32, #tpu.memory_space<hbm>>) dst(%dma_wait3A_621 : memref<2048xf32, #tpu.memory_space<vmem>>)
      %dma_wait3A_624 = arith.constant 34816 : i32
      %dma_wait3A_625 = tpu.memref_slice %arg5[%dma_wait3A_624] : memref<38912xf32, #tpu.memory_space<vmem>> -> memref<2048xf32, #tpu.memory_space<vmem>>
      %dma_wait3A_626 = arith.constant 0 : i32
      %dma_wait3A_627 = tpu.memref_slice %arg2[%dma_wait3A_626] : memref<19922944xf32, #tpu.memory_space<hbm>> -> memref<2048xf32, #tpu.memory_space<hbm>>
      %dma_wait3A_628 = arith.constant 34816 : i32
      %dma_wait3A_629 = tpu.memref_slice %arg5[%dma_wait3A_628] : memref<38912xf32, #tpu.memory_space<vmem>> -> memref<2048xf32, #tpu.memory_space<vmem>>
      %dma_wait3A_630 = arith.constant 0 : i32
      %dma_wait3A_631 = tpu.memref_slice %arg2[%dma_wait3A_630] : memref<19922944xf32, #tpu.memory_space<hbm>> -> memref<2048xf32, #tpu.memory_space<hbm>>
      tpu.wait_dma2 semaphore(%arg10 : memref<!tpu.dma_semaphore, #tpu.memory_space<semaphore_mem>>) src(%dma_wait3A_631 : memref<2048xf32, #tpu.memory_space<hbm>>) dst(%dma_wait3A_629 : memref<2048xf32, #tpu.memory_space<vmem>>)
      %dma_wait3A_632 = arith.constant 36864 : i32
      %dma_wait3A_633 = tpu.memref_slice %arg5[%dma_wait3A_632] : memref<38912xf32, #tpu.memory_space<vmem>> -> memref<2048xf32, #tpu.memory_space<vmem>>
      %dma_wait3A_634 = arith.constant 0 : i32
      %dma_wait3A_635 = tpu.memref_slice %arg2[%dma_wait3A_634] : memref<19922944xf32, #tpu.memory_space<hbm>> -> memref<2048xf32, #tpu.memory_space<hbm>>
      %dma_wait3A_636 = arith.constant 36864 : i32
      %dma_wait3A_637 = tpu.memref_slice %arg5[%dma_wait3A_636] : memref<38912xf32, #tpu.memory_space<vmem>> -> memref<2048xf32, #tpu.memory_space<vmem>>
      %dma_wait3A_638 = arith.constant 0 : i32
      %dma_wait3A_639 = tpu.memref_slice %arg2[%dma_wait3A_638] : memref<19922944xf32, #tpu.memory_space<hbm>> -> memref<2048xf32, #tpu.memory_space<hbm>>
      tpu.wait_dma2 semaphore(%arg10 : memref<!tpu.dma_semaphore, #tpu.memory_space<semaphore_mem>>) src(%dma_wait3A_639 : memref<2048xf32, #tpu.memory_space<hbm>>) dst(%dma_wait3A_637 : memref<2048xf32, #tpu.memory_space<vmem>>)
      %dma_wait3A_640 = arith.constant 0 : i32
      %dma_wait3A_641 = tpu.memref_slice %arg3[%dma_wait3A_640] : memref<1048576xi32, #tpu.memory_space<hbm>> -> memref<2048xi32, #tpu.memory_space<hbm>>
      %dma_wait3A_642 = arith.constant 0 : i32
      %dma_wait3A_643 = tpu.memref_slice %arg3[%dma_wait3A_642] : memref<1048576xi32, #tpu.memory_space<hbm>> -> memref<2048xi32, #tpu.memory_space<hbm>>
      tpu.wait_dma2 semaphore(%arg10 : memref<!tpu.dma_semaphore, #tpu.memory_space<semaphore_mem>>) src(%dma_wait3A_643 : memref<2048xi32, #tpu.memory_space<hbm>>) dst(%arg7 : memref<2048xi32, #tpu.memory_space<vmem>>)
      %scan3A_644 = arith.constant 0 : i32
      %scan3A_645 = arith.constant 128 : i32
      %scan3A_646 = arith.addi %scan3A_644, %scan3A_645 : i32
      %scan3A_647 = arith.constant 1 : i32
      %scan3A_648:3 = scf.for %scan3A_815 = %scan3A_644 to %scan3A_646 step %scan3A_647 iter_args(%scan3A_816 = %scan3A_264, %scan3A_817 = %scan3A_265, %scan3A_818 = %scan3A_266) -> (vector<16xf32>, vector<16xf32>, vector<16xf32>)  : i32 {
        %mul3A_819 = arith.constant 16 : i32
        %mul3A_820 = arith.muli %scan3A_815, %mul3A_819 : i32
        %get3A = arith.index_cast %mul3A_820 : i32 to index
        %get3A_821 = tpu.vector_load %arg7[%get3A] {strides = array<i32>} : memref<2048xi32, #tpu.memory_space<vmem>>, vector<16xi32>,
        %ne3A_822 = arith.constant 255 : i32
        %ne3A_823 = vector.broadcast %ne3A_822 : i32 to vector<16xi32>
        %ne3A_824 = arith.cmpi ne, %get3A_821, %ne3A_823 : vector<16xi32>
        %jit3A_825 = arith.constant 0 : i32
        %broadcast_in_dim3A_826 = vector.broadcast %jit3A_825 : i32 to vector<16xi32>
        %select_n3A_827 = arith.select %ne3A_824, %get3A_821, %broadcast_in_dim3A_826 : vector<16xi1>, vector<16xi32>
        %ne3A_828 = arith.constant 0 : i32
        %ne3A_829 = vector.broadcast %ne3A_828 : i32 to vector<16xi32>
        %ne3A_830 = arith.cmpi ne, %get3A_821, %ne3A_829 : vector<16xi32>
        %and3A_831 = arith.andi %ne3A_824, %ne3A_830 : vector<16xi1>
        %get3A_832 = arith.index_cast %mul3A_820 : i32 to index
        %get3A_833 = tpu.vector_load %arg5[%get3A_832] {strides = array<i32>} : memref<38912xf32, #tpu.memory_space<vmem>>, vector<16xf32>,
        %exp3A = math.exp %get3A_833 : vector<16xf32>
        %add3A_834 = arith.constant 2048 : i32
        %add3A_835 = arith.addi %add3A_834, %mul3A_820 : i32
        %get3A_836 = arith.index_cast %add3A_835 : i32 to index
        %get3A_837 = tpu.vector_load %arg5[%get3A_836] {strides = array<i32>} : memref<38912xf32, #tpu.memory_space<vmem>>, vector<16xf32>,
        %exp3A_838 = math.exp %get3A_837 : vector<16xf32>
        %add3A_839 = arith.addf %exp3A, %exp3A_838 : vector<16xf32>
        %add3A_840 = arith.constant 4096 : i32
        %add3A_841 = arith.addi %add3A_840, %mul3A_820 : i32
        %get3A_842 = arith.index_cast %add3A_841 : i32 to index
        %get3A_843 = tpu.vector_load %arg5[%get3A_842] {strides = array<i32>} : memref<38912xf32, #tpu.memory_space<vmem>>, vector<16xf32>,
        %exp3A_844 = math.exp %get3A_843 : vector<16xf32>
        %add3A_845 = arith.addf %add3A_839, %exp3A_844 : vector<16xf32>
        %add3A_846 = arith.constant 6144 : i32
        %add3A_847 = arith.addi %add3A_846, %mul3A_820 : i32
        %get3A_848 = arith.index_cast %add3A_847 : i32 to index
        %get3A_849 = tpu.vector_load %arg5[%get3A_848] {strides = array<i32>} : memref<38912xf32, #tpu.memory_space<vmem>>, vector<16xf32>,
        %exp3A_850 = math.exp %get3A_849 : vector<16xf32>
        %add3A_851 = arith.addf %add3A_845, %exp3A_850 : vector<16xf32>
        %add3A_852 = arith.constant 8192 : i32
        %add3A_853 = arith.addi %add3A_852, %mul3A_820 : i32
        %get3A_854 = arith.index_cast %add3A_853 : i32 to index
        %get3A_855 = tpu.vector_load %arg5[%get3A_854] {strides = array<i32>} : memref<38912xf32, #tpu.memory_space<vmem>>, vector<16xf32>,
        %exp3A_856 = math.exp %get3A_855 : vector<16xf32>
        %add3A_857 = arith.addf %add3A_851, %exp3A_856 : vector<16xf32>
        %add3A_858 = arith.constant 10240 : i32
        %add3A_859 = arith.addi %add3A_858, %mul3A_820 : i32
        %get3A_860 = arith.index_cast %add3A_859 : i32 to index
        %get3A_861 = tpu.vector_load %arg5[%get3A_860] {strides = array<i32>} : memref<38912xf32, #tpu.memory_space<vmem>>, vector<16xf32>,
        %exp3A_862 = math.exp %get3A_861 : vector<16xf32>
        %add3A_863 = arith.addf %add3A_857, %exp3A_862 : vector<16xf32>
        %add3A_864 = arith.constant 12288 : i32
        %add3A_865 = arith.addi %add3A_864, %mul3A_820 : i32
        %get3A_866 = arith.index_cast %add3A_865 : i32 to index
        %get3A_867 = tpu.vector_load %arg5[%get3A_866] {strides = array<i32>} : memref<38912xf32, #tpu.memory_space<vmem>>, vector<16xf32>,
        %exp3A_868 = math.exp %get3A_867 : vector<16xf32>
        %add3A_869 = arith.addf %add3A_863, %exp3A_868 : vector<16xf32>
        %add3A_870 = arith.constant 14336 : i32
        %add3A_871 = arith.addi %add3A_870, %mul3A_820 : i32
        %get3A_872 = arith.index_cast %add3A_871 : i32 to index
        %get3A_873 = tpu.vector_load %arg5[%get3A_872] {strides = array<i32>} : memref<38912xf32, #tpu.memory_space<vmem>>, vector<16xf32>,
        %exp3A_874 = math.exp %get3A_873 : vector<16xf32>
        %add3A_875 = arith.addf %add3A_869, %exp3A_874 : vector<16xf32>
        %add3A_876 = arith.constant 16384 : i32
        %add3A_877 = arith.addi %add3A_876, %mul3A_820 : i32
        %get3A_878 = arith.index_cast %add3A_877 : i32 to index
        %get3A_879 = tpu.vector_load %arg5[%get3A_878] {strides = array<i32>} : memref<38912xf32, #tpu.memory_space<vmem>>, vector<16xf32>,
        %exp3A_880 = math.exp %get3A_879 : vector<16xf32>
        %add3A_881 = arith.addf %add3A_875, %exp3A_880 : vector<16xf32>
        %add3A_882 = arith.constant 18432 : i32
        %add3A_883 = arith.addi %add3A_882, %mul3A_820 : i32
        %get3A_884 = arith.index_cast %add3A_883 : i32 to index
        %get3A_885 = tpu.vector_load %arg5[%get3A_884] {strides = array<i32>} : memref<38912xf32, #tpu.memory_space<vmem>>, vector<16xf32>,
        %exp3A_886 = math.exp %get3A_885 : vector<16xf32>
        %add3A_887 = arith.addf %add3A_881, %exp3A_886 : vector<16xf32>
        %add3A_888 = arith.constant 20480 : i32
        %add3A_889 = arith.addi %add3A_888, %mul3A_820 : i32
        %get3A_890 = arith.index_cast %add3A_889 : i32 to index
        %get3A_891 = tpu.vector_load %arg5[%get3A_890] {strides = array<i32>} : memref<38912xf32, #tpu.memory_space<vmem>>, vector<16xf32>,
        %exp3A_892 = math.exp %get3A_891 : vector<16xf32>
        %add3A_893 = arith.addf %add3A_887, %exp3A_892 : vector<16xf32>
        %add3A_894 = arith.constant 22528 : i32
        %add3A_895 = arith.addi %add3A_894, %mul3A_820 : i32
        %get3A_896 = arith.index_cast %add3A_895 : i32 to index
        %get3A_897 = tpu.vector_load %arg5[%get3A_896] {strides = array<i32>} : memref<38912xf32, #tpu.memory_space<vmem>>, vector<16xf32>,
        %exp3A_898 = math.exp %get3A_897 : vector<16xf32>
        %add3A_899 = arith.addf %add3A_893, %exp3A_898 : vector<16xf32>
        %add3A_900 = arith.constant 24576 : i32
        %add3A_901 = arith.addi %add3A_900, %mul3A_820 : i32
        %get3A_902 = arith.index_cast %add3A_901 : i32 to index
        %get3A_903 = tpu.vector_load %arg5[%get3A_902] {strides = array<i32>} : memref<38912xf32, #tpu.memory_space<vmem>>, vector<16xf32>,
        %exp3A_904 = math.exp %get3A_903 : vector<16xf32>
        %add3A_905 = arith.addf %add3A_899, %exp3A_904 : vector<16xf32>
        %add3A_906 = arith.constant 26624 : i32
        %add3A_907 = arith.addi %add3A_906, %mul3A_820 : i32
        %get3A_908 = arith.index_cast %add3A_907 : i32 to index
        %get3A_909 = tpu.vector_load %arg5[%get3A_908] {strides = array<i32>} : memref<38912xf32, #tpu.memory_space<vmem>>, vector<16xf32>,
        %exp3A_910 = math.exp %get3A_909 : vector<16xf32>
        %add3A_911 = arith.addf %add3A_905, %exp3A_910 : vector<16xf32>
        %add3A_912 = arith.constant 28672 : i32
        %add3A_913 = arith.addi %add3A_912, %mul3A_820 : i32
        %get3A_914 = arith.index_cast %add3A_913 : i32 to index
        %get3A_915 = tpu.vector_load %arg5[%get3A_914] {strides = array<i32>} : memref<38912xf32, #tpu.memory_space<vmem>>, vector<16xf32>,
        %exp3A_916 = math.exp %get3A_915 : vector<16xf32>
        %add3A_917 = arith.addf %add3A_911, %exp3A_916 : vector<16xf32>
        %add3A_918 = arith.constant 30720 : i32
        %add3A_919 = arith.addi %add3A_918, %mul3A_820 : i32
        %get3A_920 = arith.index_cast %add3A_919 : i32 to index
        %get3A_921 = tpu.vector_load %arg5[%get3A_920] {strides = array<i32>} : memref<38912xf32, #tpu.memory_space<vmem>>, vector<16xf32>,
        %exp3A_922 = math.exp %get3A_921 : vector<16xf32>
        %add3A_923 = arith.addf %add3A_917, %exp3A_922 : vector<16xf32>
        %add3A_924 = arith.constant 32768 : i32
        %add3A_925 = arith.addi %add3A_924, %mul3A_820 : i32
        %get3A_926 = arith.index_cast %add3A_925 : i32 to index
        %get3A_927 = tpu.vector_load %arg5[%get3A_926] {strides = array<i32>} : memref<38912xf32, #tpu.memory_space<vmem>>, vector<16xf32>,
        %exp3A_928 = math.exp %get3A_927 : vector<16xf32>
        %add3A_929 = arith.addf %add3A_923, %exp3A_928 : vector<16xf32>
        %add3A_930 = arith.constant 34816 : i32
        %add3A_931 = arith.addi %add3A_930, %mul3A_820 : i32
        %get3A_932 = arith.index_cast %add3A_931 : i32 to index
        %get3A_933 = tpu.vector_load %arg5[%get3A_932] {strides = array<i32>} : memref<38912xf32, #tpu.memory_space<vmem>>, vector<16xf32>,
        %exp3A_934 = math.exp %get3A_933 : vector<16xf32>
        %add3A_935 = arith.addf %add3A_929, %exp3A_934 : vector<16xf32>
        %add3A_936 = arith.constant 36864 : i32
        %add3A_937 = arith.addi %add3A_936, %mul3A_820 : i32
        %get3A_938 = arith.index_cast %add3A_937 : i32 to index
        %get3A_939 = tpu.vector_load %arg5[%get3A_938] {strides = array<i32>} : memref<38912xf32, #tpu.memory_space<vmem>>, vector<16xf32>,
        %exp3A_940 = math.exp %get3A_939 : vector<16xf32>
        %add3A_941 = arith.addf %add3A_935, %exp3A_940 : vector<16xf32>
        %mul3A_942 = arith.constant 2048 : i32
        %mul3A_943 = vector.broadcast %mul3A_942 : i32 to vector<16xi32>
        %mul3A_944 = arith.muli %select_n3A_827, %mul3A_943 : vector<16xi32>
        %add3A_945 = vector.broadcast %mul3A_820 : i32 to vector<16xi32>
        %add3A_946 = arith.addi %iota3A, %add3A_945 : vector<16xi32>
        %add3A_947 = arith.addi %mul3A_944, %add3A_946 : vector<16xi32>
        %gather3A = tpu.vector_load_idx %arg5[%add3A_947] : memref<38912xf32, #tpu.memory_space<vmem>>[vector<16xi32>], vector<16xf32>,
        %exp3A_948 = math.exp %gather3A : vector<16xf32>
        %div3A_949 = arith.constant 1.000000e+00 : f32
        %div3A_950 = vector.broadcast %div3A_949 : f32 to vector<16xf32>
        %div3A_951 = arith.divf %div3A_950, %add3A_941 : vector<16xf32>
        %jit3A_952 = arith.constant 1.000000e+00 : f32
        %jit3A_953 = arith.constant 0.000000e+00 : f32
        %broadcast_in_dim3A_954 = vector.broadcast %jit3A_952 : f32 to vector<16xf32>
        %broadcast_in_dim3A_955 = vector.broadcast %jit3A_953 : f32 to vector<16xf32>
        %select_n3A_956 = arith.select %and3A_831, %broadcast_in_dim3A_954, %broadcast_in_dim3A_955 : vector<16xi1>, vector<16xf32>
        %mul3A_957 = arith.mulf %select_n3A_956, %exp3A_948 : vector<16xf32>
        %mul3A_958 = arith.mulf %mul3A_957, %div3A_951 : vector<16xf32>
        %add3A_959 = arith.addf %scan3A_816, %mul3A_958 : vector<16xf32>
        %sub3A_960 = arith.subf %add3A_941, %exp3A : vector<16xf32>
        %mul3A_961 = arith.mulf %sub3A_960, %div3A_951 : vector<16xf32>
        %jit3A_962 = arith.constant 0.000000e+00 : f32
        %broadcast_in_dim3A_963 = vector.broadcast %jit3A_962 : f32 to vector<16xf32>
        %select_n3A_964 = arith.select %ne3A_824, %mul3A_961, %broadcast_in_dim3A_963 : vector<16xi1>, vector<16xf32>
        %add3A_965 = arith.addf %scan3A_817, %select_n3A_964 : vector<16xf32>
        %add3A_966 = arith.addf %scan3A_818, %select_n3A_956 : vector<16xf32>
        scf.yield %add3A_959, %add3A_965, %add3A_966 : vector<16xf32>, vector<16xf32>, vector<16xf32>
      }
      %scan3A_649 = arith.constant 128 : i32
      %lt3A_650 = arith.constant 7 : i32
      %lt3A_651 = arith.cmpi slt, %scan3A_263, %lt3A_650 : i32
      %convert_element_type3A = arith.extui %lt3A_651 : i1 to i32
      %cond3A = arith.constant 0 : i32
      %cond3A_652 = arith.cmpi ne, %convert_element_type3A, %cond3A : i32
      scf.if %cond3A_652 {
        %add3A_815 = arith.addi %add3A_37, %add3A_271 : i32
        %sub3A_816 = arith.subi %add3A_815, %mul3A_32 : i32
        %add3A_817 = arith.constant 4096 : i32
        %add3A_818 = arith.addi %sub3A_816, %add3A_817 : i32
        %add3A_819 = arith.constant 4096 : i32
        %add3A_820 = arith.addi %add3A_271, %add3A_819 : i32
        %add3A_821 = arith.constant 0 : i32
        %add3A_822 = arith.addi %mul3A_34, %add3A_821 : i32
        %mul3A_823 = arith.constant 262144 : i32
        %mul3A_824 = arith.muli %add3A_822, %mul3A_823 : i32
        %add3A_825 = arith.addi %mul3A_824, %add3A_820 : i32
        %dma_start3A_826 = arith.constant 0 : i32
        %dma_start3A_827 = tpu.memref_slice %arg5[%dma_start3A_826] : memref<38912xf32, #tpu.memory_space<vmem>> -> memref<2048xf32, #tpu.memory_space<vmem>>
        %dma_start3A_828 = tpu.memref_slice %arg2[%add3A_825] : memref<19922944xf32, #tpu.memory_space<hbm>> -> memref<2048xf32, #tpu.memory_space<hbm>>
        %dma_start3A_829 = arith.constant 0 : i32
        %dma_start3A_830 = tpu.memref_slice %arg5[%dma_start3A_829] : memref<38912xf32, #tpu.memory_space<vmem>> -> memref<2048xf32, #tpu.memory_space<vmem>>
        %dma_start3A_831 = tpu.memref_slice %arg2[%add3A_825] : memref<19922944xf32, #tpu.memory_space<hbm>> -> memref<2048xf32, #tpu.memory_space<hbm>>
        tpu.enqueue_dma source(%dma_start3A_831 : memref<2048xf32, #tpu.memory_space<hbm>>) target(%dma_start3A_830 : memref<2048xf32, #tpu.memory_space<vmem>>) target_semaphore(%arg10 : memref<!tpu.dma_semaphore, #tpu.memory_space<semaphore_mem>>)
        %add3A_832 = arith.constant 1 : i32
        %add3A_833 = arith.addi %mul3A_34, %add3A_832 : i32
        %mul3A_834 = arith.constant 262144 : i32
        %mul3A_835 = arith.muli %add3A_833, %mul3A_834 : i32
        %add3A_836 = arith.addi %mul3A_835, %add3A_820 : i32
        %dma_start3A_837 = arith.constant 2048 : i32
        %dma_start3A_838 = tpu.memref_slice %arg5[%dma_start3A_837] : memref<38912xf32, #tpu.memory_space<vmem>> -> memref<2048xf32, #tpu.memory_space<vmem>>
        %dma_start3A_839 = tpu.memref_slice %arg2[%add3A_836] : memref<19922944xf32, #tpu.memory_space<hbm>> -> memref<2048xf32, #tpu.memory_space<hbm>>
        %dma_start3A_840 = arith.constant 2048 : i32
        %dma_start3A_841 = tpu.memref_slice %arg5[%dma_start3A_840] : memref<38912xf32, #tpu.memory_space<vmem>> -> memref<2048xf32, #tpu.memory_space<vmem>>
        %dma_start3A_842 = tpu.memref_slice %arg2[%add3A_836] : memref<19922944xf32, #tpu.memory_space<hbm>> -> memref<2048xf32, #tpu.memory_space<hbm>>
        tpu.enqueue_dma source(%dma_start3A_842 : memref<2048xf32, #tpu.memory_space<hbm>>) target(%dma_start3A_841 : memref<2048xf32, #tpu.memory_space<vmem>>) target_semaphore(%arg10 : memref<!tpu.dma_semaphore, #tpu.memory_space<semaphore_mem>>)
        %add3A_843 = arith.constant 2 : i32
        %add3A_844 = arith.addi %mul3A_34, %add3A_843 : i32
        %mul3A_845 = arith.constant 262144 : i32
        %mul3A_846 = arith.muli %add3A_844, %mul3A_845 : i32
        %add3A_847 = arith.addi %mul3A_846, %add3A_820 : i32
        %dma_start3A_848 = arith.constant 4096 : i32
        %dma_start3A_849 = tpu.memref_slice %arg5[%dma_start3A_848] : memref<38912xf32, #tpu.memory_space<vmem>> -> memref<2048xf32, #tpu.memory_space<vmem>>
        %dma_start3A_850 = tpu.memref_slice %arg2[%add3A_847] : memref<19922944xf32, #tpu.memory_space<hbm>> -> memref<2048xf32, #tpu.memory_space<hbm>>
        %dma_start3A_851 = arith.constant 4096 : i32
        %dma_start3A_852 = tpu.memref_slice %arg5[%dma_start3A_851] : memref<38912xf32, #tpu.memory_space<vmem>> -> memref<2048xf32, #tpu.memory_space<vmem>>
        %dma_start3A_853 = tpu.memref_slice %arg2[%add3A_847] : memref<19922944xf32, #tpu.memory_space<hbm>> -> memref<2048xf32, #tpu.memory_space<hbm>>
        tpu.enqueue_dma source(%dma_start3A_853 : memref<2048xf32, #tpu.memory_space<hbm>>) target(%dma_start3A_852 : memref<2048xf32, #tpu.memory_space<vmem>>) target_semaphore(%arg10 : memref<!tpu.dma_semaphore, #tpu.memory_space<semaphore_mem>>)
        %add3A_854 = arith.constant 3 : i32
        %add3A_855 = arith.addi %mul3A_34, %add3A_854 : i32
        %mul3A_856 = arith.constant 262144 : i32
        %mul3A_857 = arith.muli %add3A_855, %mul3A_856 : i32
        %add3A_858 = arith.addi %mul3A_857, %add3A_820 : i32
        %dma_start3A_859 = arith.constant 6144 : i32
        %dma_start3A_860 = tpu.memref_slice %arg5[%dma_start3A_859] : memref<38912xf32, #tpu.memory_space<vmem>> -> memref<2048xf32, #tpu.memory_space<vmem>>
        %dma_start3A_861 = tpu.memref_slice %arg2[%add3A_858] : memref<19922944xf32, #tpu.memory_space<hbm>> -> memref<2048xf32, #tpu.memory_space<hbm>>
        %dma_start3A_862 = arith.constant 6144 : i32
        %dma_start3A_863 = tpu.memref_slice %arg5[%dma_start3A_862] : memref<38912xf32, #tpu.memory_space<vmem>> -> memref<2048xf32, #tpu.memory_space<vmem>>
        %dma_start3A_864 = tpu.memref_slice %arg2[%add3A_858] : memref<19922944xf32, #tpu.memory_space<hbm>> -> memref<2048xf32, #tpu.memory_space<hbm>>
        tpu.enqueue_dma source(%dma_start3A_864 : memref<2048xf32, #tpu.memory_space<hbm>>) target(%dma_start3A_863 : memref<2048xf32, #tpu.memory_space<vmem>>) target_semaphore(%arg10 : memref<!tpu.dma_semaphore, #tpu.memory_space<semaphore_mem>>)
        %add3A_865 = arith.constant 4 : i32
        %add3A_866 = arith.addi %mul3A_34, %add3A_865 : i32
        %mul3A_867 = arith.constant 262144 : i32
        %mul3A_868 = arith.muli %add3A_866, %mul3A_867 : i32
        %add3A_869 = arith.addi %mul3A_868, %add3A_820 : i32
        %dma_start3A_870 = arith.constant 8192 : i32
        %dma_start3A_871 = tpu.memref_slice %arg5[%dma_start3A_870] : memref<38912xf32, #tpu.memory_space<vmem>> -> memref<2048xf32, #tpu.memory_space<vmem>>
        %dma_start3A_872 = tpu.memref_slice %arg2[%add3A_869] : memref<19922944xf32, #tpu.memory_space<hbm>> -> memref<2048xf32, #tpu.memory_space<hbm>>
        %dma_start3A_873 = arith.constant 8192 : i32
        %dma_start3A_874 = tpu.memref_slice %arg5[%dma_start3A_873] : memref<38912xf32, #tpu.memory_space<vmem>> -> memref<2048xf32, #tpu.memory_space<vmem>>
        %dma_start3A_875 = tpu.memref_slice %arg2[%add3A_869] : memref<19922944xf32, #tpu.memory_space<hbm>> -> memref<2048xf32, #tpu.memory_space<hbm>>
        tpu.enqueue_dma source(%dma_start3A_875 : memref<2048xf32, #tpu.memory_space<hbm>>) target(%dma_start3A_874 : memref<2048xf32, #tpu.memory_space<vmem>>) target_semaphore(%arg10 : memref<!tpu.dma_semaphore, #tpu.memory_space<semaphore_mem>>)
        %add3A_876 = arith.constant 5 : i32
        %add3A_877 = arith.addi %mul3A_34, %add3A_876 : i32
        %mul3A_878 = arith.constant 262144 : i32
        %mul3A_879 = arith.muli %add3A_877, %mul3A_878 : i32
        %add3A_880 = arith.addi %mul3A_879, %add3A_820 : i32
        %dma_start3A_881 = arith.constant 10240 : i32
        %dma_start3A_882 = tpu.memref_slice %arg5[%dma_start3A_881] : memref<38912xf32, #tpu.memory_space<vmem>> -> memref<2048xf32, #tpu.memory_space<vmem>>
        %dma_start3A_883 = tpu.memref_slice %arg2[%add3A_880] : memref<19922944xf32, #tpu.memory_space<hbm>> -> memref<2048xf32, #tpu.memory_space<hbm>>
        %dma_start3A_884 = arith.constant 10240 : i32
        %dma_start3A_885 = tpu.memref_slice %arg5[%dma_start3A_884] : memref<38912xf32, #tpu.memory_space<vmem>> -> memref<2048xf32, #tpu.memory_space<vmem>>
        %dma_start3A_886 = tpu.memref_slice %arg2[%add3A_880] : memref<19922944xf32, #tpu.memory_space<hbm>> -> memref<2048xf32, #tpu.memory_space<hbm>>
        tpu.enqueue_dma source(%dma_start3A_886 : memref<2048xf32, #tpu.memory_space<hbm>>) target(%dma_start3A_885 : memref<2048xf32, #tpu.memory_space<vmem>>) target_semaphore(%arg10 : memref<!tpu.dma_semaphore, #tpu.memory_space<semaphore_mem>>)
        %add3A_887 = arith.constant 6 : i32
        %add3A_888 = arith.addi %mul3A_34, %add3A_887 : i32
        %mul3A_889 = arith.constant 262144 : i32
        %mul3A_890 = arith.muli %add3A_888, %mul3A_889 : i32
        %add3A_891 = arith.addi %mul3A_890, %add3A_820 : i32
        %dma_start3A_892 = arith.constant 12288 : i32
        %dma_start3A_893 = tpu.memref_slice %arg5[%dma_start3A_892] : memref<38912xf32, #tpu.memory_space<vmem>> -> memref<2048xf32, #tpu.memory_space<vmem>>
        %dma_start3A_894 = tpu.memref_slice %arg2[%add3A_891] : memref<19922944xf32, #tpu.memory_space<hbm>> -> memref<2048xf32, #tpu.memory_space<hbm>>
        %dma_start3A_895 = arith.constant 12288 : i32
        %dma_start3A_896 = tpu.memref_slice %arg5[%dma_start3A_895] : memref<38912xf32, #tpu.memory_space<vmem>> -> memref<2048xf32, #tpu.memory_space<vmem>>
        %dma_start3A_897 = tpu.memref_slice %arg2[%add3A_891] : memref<19922944xf32, #tpu.memory_space<hbm>> -> memref<2048xf32, #tpu.memory_space<hbm>>
        tpu.enqueue_dma source(%dma_start3A_897 : memref<2048xf32, #tpu.memory_space<hbm>>) target(%dma_start3A_896 : memref<2048xf32, #tpu.memory_space<vmem>>) target_semaphore(%arg10 : memref<!tpu.dma_semaphore, #tpu.memory_space<semaphore_mem>>)
        %add3A_898 = arith.constant 7 : i32
        %add3A_899 = arith.addi %mul3A_34, %add3A_898 : i32
        %mul3A_900 = arith.constant 262144 : i32
        %mul3A_901 = arith.muli %add3A_899, %mul3A_900 : i32
        %add3A_902 = arith.addi %mul3A_901, %add3A_820 : i32
        %dma_start3A_903 = arith.constant 14336 : i32
        %dma_start3A_904 = tpu.memref_slice %arg5[%dma_start3A_903] : memref<38912xf32, #tpu.memory_space<vmem>> -> memref<2048xf32, #tpu.memory_space<vmem>>
        %dma_start3A_905 = tpu.memref_slice %arg2[%add3A_902] : memref<19922944xf32, #tpu.memory_space<hbm>> -> memref<2048xf32, #tpu.memory_space<hbm>>
        %dma_start3A_906 = arith.constant 14336 : i32
        %dma_start3A_907 = tpu.memref_slice %arg5[%dma_start3A_906] : memref<38912xf32, #tpu.memory_space<vmem>> -> memref<2048xf32, #tpu.memory_space<vmem>>
        %dma_start3A_908 = tpu.memref_slice %arg2[%add3A_902] : memref<19922944xf32, #tpu.memory_space<hbm>> -> memref<2048xf32, #tpu.memory_space<hbm>>
        tpu.enqueue_dma source(%dma_start3A_908 : memref<2048xf32, #tpu.memory_space<hbm>>) target(%dma_start3A_907 : memref<2048xf32, #tpu.memory_space<vmem>>) target_semaphore(%arg10 : memref<!tpu.dma_semaphore, #tpu.memory_space<semaphore_mem>>)
        %add3A_909 = arith.constant 8 : i32
        %add3A_910 = arith.addi %mul3A_34, %add3A_909 : i32
        %mul3A_911 = arith.constant 262144 : i32
        %mul3A_912 = arith.muli %add3A_910, %mul3A_911 : i32
        %add3A_913 = arith.addi %mul3A_912, %add3A_820 : i32
        %dma_start3A_914 = arith.constant 16384 : i32
        %dma_start3A_915 = tpu.memref_slice %arg5[%dma_start3A_914] : memref<38912xf32, #tpu.memory_space<vmem>> -> memref<2048xf32, #tpu.memory_space<vmem>>
        %dma_start3A_916 = tpu.memref_slice %arg2[%add3A_913] : memref<19922944xf32, #tpu.memory_space<hbm>> -> memref<2048xf32, #tpu.memory_space<hbm>>
        %dma_start3A_917 = arith.constant 16384 : i32
        %dma_start3A_918 = tpu.memref_slice %arg5[%dma_start3A_917] : memref<38912xf32, #tpu.memory_space<vmem>> -> memref<2048xf32, #tpu.memory_space<vmem>>
        %dma_start3A_919 = tpu.memref_slice %arg2[%add3A_913] : memref<19922944xf32, #tpu.memory_space<hbm>> -> memref<2048xf32, #tpu.memory_space<hbm>>
        tpu.enqueue_dma source(%dma_start3A_919 : memref<2048xf32, #tpu.memory_space<hbm>>) target(%dma_start3A_918 : memref<2048xf32, #tpu.memory_space<vmem>>) target_semaphore(%arg10 : memref<!tpu.dma_semaphore, #tpu.memory_space<semaphore_mem>>)
        %add3A_920 = arith.constant 9 : i32
        %add3A_921 = arith.addi %mul3A_34, %add3A_920 : i32
        %mul3A_922 = arith.constant 262144 : i32
        %mul3A_923 = arith.muli %add3A_921, %mul3A_922 : i32
        %add3A_924 = arith.addi %mul3A_923, %add3A_820 : i32
        %dma_start3A_925 = arith.constant 18432 : i32
        %dma_start3A_926 = tpu.memref_slice %arg5[%dma_start3A_925] : memref<38912xf32, #tpu.memory_space<vmem>> -> memref<2048xf32, #tpu.memory_space<vmem>>
        %dma_start3A_927 = tpu.memref_slice %arg2[%add3A_924] : memref<19922944xf32, #tpu.memory_space<hbm>> -> memref<2048xf32, #tpu.memory_space<hbm>>
        %dma_start3A_928 = arith.constant 18432 : i32
        %dma_start3A_929 = tpu.memref_slice %arg5[%dma_start3A_928] : memref<38912xf32, #tpu.memory_space<vmem>> -> memref<2048xf32, #tpu.memory_space<vmem>>
        %dma_start3A_930 = tpu.memref_slice %arg2[%add3A_924] : memref<19922944xf32, #tpu.memory_space<hbm>> -> memref<2048xf32, #tpu.memory_space<hbm>>
        tpu.enqueue_dma source(%dma_start3A_930 : memref<2048xf32, #tpu.memory_space<hbm>>) target(%dma_start3A_929 : memref<2048xf32, #tpu.memory_space<vmem>>) target_semaphore(%arg10 : memref<!tpu.dma_semaphore, #tpu.memory_space<semaphore_mem>>)
        %add3A_931 = arith.constant 10 : i32
        %add3A_932 = arith.addi %mul3A_34, %add3A_931 : i32
        %mul3A_933 = arith.constant 262144 : i32
        %mul3A_934 = arith.muli %add3A_932, %mul3A_933 : i32
        %add3A_935 = arith.addi %mul3A_934, %add3A_820 : i32
        %dma_start3A_936 = arith.constant 20480 : i32
        %dma_start3A_937 = tpu.memref_slice %arg5[%dma_start3A_936] : memref<38912xf32, #tpu.memory_space<vmem>> -> memref<2048xf32, #tpu.memory_space<vmem>>
        %dma_start3A_938 = tpu.memref_slice %arg2[%add3A_935] : memref<19922944xf32, #tpu.memory_space<hbm>> -> memref<2048xf32, #tpu.memory_space<hbm>>
        %dma_start3A_939 = arith.constant 20480 : i32
        %dma_start3A_940 = tpu.memref_slice %arg5[%dma_start3A_939] : memref<38912xf32, #tpu.memory_space<vmem>> -> memref<2048xf32, #tpu.memory_space<vmem>>
        %dma_start3A_941 = tpu.memref_slice %arg2[%add3A_935] : memref<19922944xf32, #tpu.memory_space<hbm>> -> memref<2048xf32, #tpu.memory_space<hbm>>
        tpu.enqueue_dma source(%dma_start3A_941 : memref<2048xf32, #tpu.memory_space<hbm>>) target(%dma_start3A_940 : memref<2048xf32, #tpu.memory_space<vmem>>) target_semaphore(%arg10 : memref<!tpu.dma_semaphore, #tpu.memory_space<semaphore_mem>>)
        %add3A_942 = arith.constant 11 : i32
        %add3A_943 = arith.addi %mul3A_34, %add3A_942 : i32
        %mul3A_944 = arith.constant 262144 : i32
        %mul3A_945 = arith.muli %add3A_943, %mul3A_944 : i32
        %add3A_946 = arith.addi %mul3A_945, %add3A_820 : i32
        %dma_start3A_947 = arith.constant 22528 : i32
        %dma_start3A_948 = tpu.memref_slice %arg5[%dma_start3A_947] : memref<38912xf32, #tpu.memory_space<vmem>> -> memref<2048xf32, #tpu.memory_space<vmem>>
        %dma_start3A_949 = tpu.memref_slice %arg2[%add3A_946] : memref<19922944xf32, #tpu.memory_space<hbm>> -> memref<2048xf32, #tpu.memory_space<hbm>>
        %dma_start3A_950 = arith.constant 22528 : i32
        %dma_start3A_951 = tpu.memref_slice %arg5[%dma_start3A_950] : memref<38912xf32, #tpu.memory_space<vmem>> -> memref<2048xf32, #tpu.memory_space<vmem>>
        %dma_start3A_952 = tpu.memref_slice %arg2[%add3A_946] : memref<19922944xf32, #tpu.memory_space<hbm>> -> memref<2048xf32, #tpu.memory_space<hbm>>
        tpu.enqueue_dma source(%dma_start3A_952 : memref<2048xf32, #tpu.memory_space<hbm>>) target(%dma_start3A_951 : memref<2048xf32, #tpu.memory_space<vmem>>) target_semaphore(%arg10 : memref<!tpu.dma_semaphore, #tpu.memory_space<semaphore_mem>>)
        %add3A_953 = arith.constant 12 : i32
        %add3A_954 = arith.addi %mul3A_34, %add3A_953 : i32
        %mul3A_955 = arith.constant 262144 : i32
        %mul3A_956 = arith.muli %add3A_954, %mul3A_955 : i32
        %add3A_957 = arith.addi %mul3A_956, %add3A_820 : i32
        %dma_start3A_958 = arith.constant 24576 : i32
        %dma_start3A_959 = tpu.memref_slice %arg5[%dma_start3A_958] : memref<38912xf32, #tpu.memory_space<vmem>> -> memref<2048xf32, #tpu.memory_space<vmem>>
        %dma_start3A_960 = tpu.memref_slice %arg2[%add3A_957] : memref<19922944xf32, #tpu.memory_space<hbm>> -> memref<2048xf32, #tpu.memory_space<hbm>>
        %dma_start3A_961 = arith.constant 24576 : i32
        %dma_start3A_962 = tpu.memref_slice %arg5[%dma_start3A_961] : memref<38912xf32, #tpu.memory_space<vmem>> -> memref<2048xf32, #tpu.memory_space<vmem>>
        %dma_start3A_963 = tpu.memref_slice %arg2[%add3A_957] : memref<19922944xf32, #tpu.memory_space<hbm>> -> memref<2048xf32, #tpu.memory_space<hbm>>
        tpu.enqueue_dma source(%dma_start3A_963 : memref<2048xf32, #tpu.memory_space<hbm>>) target(%dma_start3A_962 : memref<2048xf32, #tpu.memory_space<vmem>>) target_semaphore(%arg10 : memref<!tpu.dma_semaphore, #tpu.memory_space<semaphore_mem>>)
        %add3A_964 = arith.constant 13 : i32
        %add3A_965 = arith.addi %mul3A_34, %add3A_964 : i32
        %mul3A_966 = arith.constant 262144 : i32
        %mul3A_967 = arith.muli %add3A_965, %mul3A_966 : i32
        %add3A_968 = arith.addi %mul3A_967, %add3A_820 : i32
        %dma_start3A_969 = arith.constant 26624 : i32
        %dma_start3A_970 = tpu.memref_slice %arg5[%dma_start3A_969] : memref<38912xf32, #tpu.memory_space<vmem>> -> memref<2048xf32, #tpu.memory_space<vmem>>
        %dma_start3A_971 = tpu.memref_slice %arg2[%add3A_968] : memref<19922944xf32, #tpu.memory_space<hbm>> -> memref<2048xf32, #tpu.memory_space<hbm>>
        %dma_start3A_972 = arith.constant 26624 : i32
        %dma_start3A_973 = tpu.memref_slice %arg5[%dma_start3A_972] : memref<38912xf32, #tpu.memory_space<vmem>> -> memref<2048xf32, #tpu.memory_space<vmem>>
        %dma_start3A_974 = tpu.memref_slice %arg2[%add3A_968] : memref<19922944xf32, #tpu.memory_space<hbm>> -> memref<2048xf32, #tpu.memory_space<hbm>>
        tpu.enqueue_dma source(%dma_start3A_974 : memref<2048xf32, #tpu.memory_space<hbm>>) target(%dma_start3A_973 : memref<2048xf32, #tpu.memory_space<vmem>>) target_semaphore(%arg10 : memref<!tpu.dma_semaphore, #tpu.memory_space<semaphore_mem>>)
        %add3A_975 = arith.constant 14 : i32
        %add3A_976 = arith.addi %mul3A_34, %add3A_975 : i32
        %mul3A_977 = arith.constant 262144 : i32
        %mul3A_978 = arith.muli %add3A_976, %mul3A_977 : i32
        %add3A_979 = arith.addi %mul3A_978, %add3A_820 : i32
        %dma_start3A_980 = arith.constant 28672 : i32
        %dma_start3A_981 = tpu.memref_slice %arg5[%dma_start3A_980] : memref<38912xf32, #tpu.memory_space<vmem>> -> memref<2048xf32, #tpu.memory_space<vmem>>
        %dma_start3A_982 = tpu.memref_slice %arg2[%add3A_979] : memref<19922944xf32, #tpu.memory_space<hbm>> -> memref<2048xf32, #tpu.memory_space<hbm>>
        %dma_start3A_983 = arith.constant 28672 : i32
        %dma_start3A_984 = tpu.memref_slice %arg5[%dma_start3A_983] : memref<38912xf32, #tpu.memory_space<vmem>> -> memref<2048xf32, #tpu.memory_space<vmem>>
        %dma_start3A_985 = tpu.memref_slice %arg2[%add3A_979] : memref<19922944xf32, #tpu.memory_space<hbm>> -> memref<2048xf32, #tpu.memory_space<hbm>>
        tpu.enqueue_dma source(%dma_start3A_985 : memref<2048xf32, #tpu.memory_space<hbm>>) target(%dma_start3A_984 : memref<2048xf32, #tpu.memory_space<vmem>>) target_semaphore(%arg10 : memref<!tpu.dma_semaphore, #tpu.memory_space<semaphore_mem>>)
        %add3A_986 = arith.constant 15 : i32
        %add3A_987 = arith.addi %mul3A_34, %add3A_986 : i32
        %mul3A_988 = arith.constant 262144 : i32
        %mul3A_989 = arith.muli %add3A_987, %mul3A_988 : i32
        %add3A_990 = arith.addi %mul3A_989, %add3A_820 : i32
        %dma_start3A_991 = arith.constant 30720 : i32
        %dma_start3A_992 = tpu.memref_slice %arg5[%dma_start3A_991] : memref<38912xf32, #tpu.memory_space<vmem>> -> memref<2048xf32, #tpu.memory_space<vmem>>
        %dma_start3A_993 = tpu.memref_slice %arg2[%add3A_990] : memref<19922944xf32, #tpu.memory_space<hbm>> -> memref<2048xf32, #tpu.memory_space<hbm>>
        %dma_start3A_994 = arith.constant 30720 : i32
        %dma_start3A_995 = tpu.memref_slice %arg5[%dma_start3A_994] : memref<38912xf32, #tpu.memory_space<vmem>> -> memref<2048xf32, #tpu.memory_space<vmem>>
        %dma_start3A_996 = tpu.memref_slice %arg2[%add3A_990] : memref<19922944xf32, #tpu.memory_space<hbm>> -> memref<2048xf32, #tpu.memory_space<hbm>>
        tpu.enqueue_dma source(%dma_start3A_996 : memref<2048xf32, #tpu.memory_space<hbm>>) target(%dma_start3A_995 : memref<2048xf32, #tpu.memory_space<vmem>>) target_semaphore(%arg10 : memref<!tpu.dma_semaphore, #tpu.memory_space<semaphore_mem>>)
        %add3A_997 = arith.constant 16 : i32
        %add3A_998 = arith.addi %mul3A_34, %add3A_997 : i32
        %mul3A_999 = arith.constant 262144 : i32
        %mul3A_1000 = arith.muli %add3A_998, %mul3A_999 : i32
        %add3A_1001 = arith.addi %mul3A_1000, %add3A_820 : i32
        %dma_start3A_1002 = arith.constant 32768 : i32
        %dma_start3A_1003 = tpu.memref_slice %arg5[%dma_start3A_1002] : memref<38912xf32, #tpu.memory_space<vmem>> -> memref<2048xf32, #tpu.memory_space<vmem>>
        %dma_start3A_1004 = tpu.memref_slice %arg2[%add3A_1001] : memref<19922944xf32, #tpu.memory_space<hbm>> -> memref<2048xf32, #tpu.memory_space<hbm>>
        %dma_start3A_1005 = arith.constant 32768 : i32
        %dma_start3A_1006 = tpu.memref_slice %arg5[%dma_start3A_1005] : memref<38912xf32, #tpu.memory_space<vmem>> -> memref<2048xf32, #tpu.memory_space<vmem>>
        %dma_start3A_1007 = tpu.memref_slice %arg2[%add3A_1001] : memref<19922944xf32, #tpu.memory_space<hbm>> -> memref<2048xf32, #tpu.memory_space<hbm>>
        tpu.enqueue_dma source(%dma_start3A_1007 : memref<2048xf32, #tpu.memory_space<hbm>>) target(%dma_start3A_1006 : memref<2048xf32, #tpu.memory_space<vmem>>) target_semaphore(%arg10 : memref<!tpu.dma_semaphore, #tpu.memory_space<semaphore_mem>>)
        %add3A_1008 = arith.constant 17 : i32
        %add3A_1009 = arith.addi %mul3A_34, %add3A_1008 : i32
        %mul3A_1010 = arith.constant 262144 : i32
        %mul3A_1011 = arith.muli %add3A_1009, %mul3A_1010 : i32
        %add3A_1012 = arith.addi %mul3A_1011, %add3A_820 : i32
        %dma_start3A_1013 = arith.constant 34816 : i32
        %dma_start3A_1014 = tpu.memref_slice %arg5[%dma_start3A_1013] : memref<38912xf32, #tpu.memory_space<vmem>> -> memref<2048xf32, #tpu.memory_space<vmem>>
        %dma_start3A_1015 = tpu.memref_slice %arg2[%add3A_1012] : memref<19922944xf32, #tpu.memory_space<hbm>> -> memref<2048xf32, #tpu.memory_space<hbm>>
        %dma_start3A_1016 = arith.constant 34816 : i32
        %dma_start3A_1017 = tpu.memref_slice %arg5[%dma_start3A_1016] : memref<38912xf32, #tpu.memory_space<vmem>> -> memref<2048xf32, #tpu.memory_space<vmem>>
        %dma_start3A_1018 = tpu.memref_slice %arg2[%add3A_1012] : memref<19922944xf32, #tpu.memory_space<hbm>> -> memref<2048xf32, #tpu.memory_space<hbm>>
        tpu.enqueue_dma source(%dma_start3A_1018 : memref<2048xf32, #tpu.memory_space<hbm>>) target(%dma_start3A_1017 : memref<2048xf32, #tpu.memory_space<vmem>>) target_semaphore(%arg10 : memref<!tpu.dma_semaphore, #tpu.memory_space<semaphore_mem>>)
        %add3A_1019 = arith.constant 18 : i32
        %add3A_1020 = arith.addi %mul3A_34, %add3A_1019 : i32
        %mul3A_1021 = arith.constant 262144 : i32
        %mul3A_1022 = arith.muli %add3A_1020, %mul3A_1021 : i32
        %add3A_1023 = arith.addi %mul3A_1022, %add3A_820 : i32
        %dma_start3A_1024 = arith.constant 36864 : i32
        %dma_start3A_1025 = tpu.memref_slice %arg5[%dma_start3A_1024] : memref<38912xf32, #tpu.memory_space<vmem>> -> memref<2048xf32, #tpu.memory_space<vmem>>
        %dma_start3A_1026 = tpu.memref_slice %arg2[%add3A_1023] : memref<19922944xf32, #tpu.memory_space<hbm>> -> memref<2048xf32, #tpu.memory_space<hbm>>
        %dma_start3A_1027 = arith.constant 36864 : i32
        %dma_start3A_1028 = tpu.memref_slice %arg5[%dma_start3A_1027] : memref<38912xf32, #tpu.memory_space<vmem>> -> memref<2048xf32, #tpu.memory_space<vmem>>
        %dma_start3A_1029 = tpu.memref_slice %arg2[%add3A_1023] : memref<19922944xf32, #tpu.memory_space<hbm>> -> memref<2048xf32, #tpu.memory_space<hbm>>
        tpu.enqueue_dma source(%dma_start3A_1029 : memref<2048xf32, #tpu.memory_space<hbm>>) target(%dma_start3A_1028 : memref<2048xf32, #tpu.memory_space<vmem>>) target_semaphore(%arg10 : memref<!tpu.dma_semaphore, #tpu.memory_space<semaphore_mem>>)
        %dma_start3A_1030 = tpu.memref_slice %arg3[%add3A_818] : memref<1048576xi32, #tpu.memory_space<hbm>> -> memref<2048xi32, #tpu.memory_space<hbm>>
        %dma_start3A_1031 = tpu.memref_slice %arg3[%add3A_818] : memref<1048576xi32, #tpu.memory_space<hbm>> -> memref<2048xi32, #tpu.memory_space<hbm>>
        tpu.enqueue_dma source(%dma_start3A_1031 : memref<2048xi32, #tpu.memory_space<hbm>>) target(%arg7 : memref<2048xi32, #tpu.memory_space<vmem>>) target_semaphore(%arg10 : memref<!tpu.dma_semaphore, #tpu.memory_space<semaphore_mem>>)
      } else {
      }
      %dma_wait3A_653 = arith.constant 0 : i32
      %dma_wait3A_654 = tpu.memref_slice %arg6[%dma_wait3A_653] : memref<38912xf32, #tpu.memory_space<vmem>> -> memref<2048xf32, #tpu.memory_space<vmem>>
      %dma_wait3A_655 = arith.constant 0 : i32
      %dma_wait3A_656 = tpu.memref_slice %arg2[%dma_wait3A_655] : memref<19922944xf32, #tpu.memory_space<hbm>> -> memref<2048xf32, #tpu.memory_space<hbm>>
      %dma_wait3A_657 = arith.constant 0 : i32
      %dma_wait3A_658 = tpu.memref_slice %arg6[%dma_wait3A_657] : memref<38912xf32, #tpu.memory_space<vmem>> -> memref<2048xf32, #tpu.memory_space<vmem>>
      %dma_wait3A_659 = arith.constant 0 : i32
      %dma_wait3A_660 = tpu.memref_slice %arg2[%dma_wait3A_659] : memref<19922944xf32, #tpu.memory_space<hbm>> -> memref<2048xf32, #tpu.memory_space<hbm>>
      tpu.wait_dma2 semaphore(%arg11 : memref<!tpu.dma_semaphore, #tpu.memory_space<semaphore_mem>>) src(%dma_wait3A_660 : memref<2048xf32, #tpu.memory_space<hbm>>) dst(%dma_wait3A_658 : memref<2048xf32, #tpu.memory_space<vmem>>)
      %dma_wait3A_661 = arith.constant 2048 : i32
      %dma_wait3A_662 = tpu.memref_slice %arg6[%dma_wait3A_661] : memref<38912xf32, #tpu.memory_space<vmem>> -> memref<2048xf32, #tpu.memory_space<vmem>>
      %dma_wait3A_663 = arith.constant 0 : i32
      %dma_wait3A_664 = tpu.memref_slice %arg2[%dma_wait3A_663] : memref<19922944xf32, #tpu.memory_space<hbm>> -> memref<2048xf32, #tpu.memory_space<hbm>>
      %dma_wait3A_665 = arith.constant 2048 : i32
      %dma_wait3A_666 = tpu.memref_slice %arg6[%dma_wait3A_665] : memref<38912xf32, #tpu.memory_space<vmem>> -> memref<2048xf32, #tpu.memory_space<vmem>>
      %dma_wait3A_667 = arith.constant 0 : i32
      %dma_wait3A_668 = tpu.memref_slice %arg2[%dma_wait3A_667] : memref<19922944xf32, #tpu.memory_space<hbm>> -> memref<2048xf32, #tpu.memory_space<hbm>>
      tpu.wait_dma2 semaphore(%arg11 : memref<!tpu.dma_semaphore, #tpu.memory_space<semaphore_mem>>) src(%dma_wait3A_668 : memref<2048xf32, #tpu.memory_space<hbm>>) dst(%dma_wait3A_666 : memref<2048xf32, #tpu.memory_space<vmem>>)
      %dma_wait3A_669 = arith.constant 4096 : i32
      %dma_wait3A_670 = tpu.memref_slice %arg6[%dma_wait3A_669] : memref<38912xf32, #tpu.memory_space<vmem>> -> memref<2048xf32, #tpu.memory_space<vmem>>
      %dma_wait3A_671 = arith.constant 0 : i32
      %dma_wait3A_672 = tpu.memref_slice %arg2[%dma_wait3A_671] : memref<19922944xf32, #tpu.memory_space<hbm>> -> memref<2048xf32, #tpu.memory_space<hbm>>
      %dma_wait3A_673 = arith.constant 4096 : i32
      %dma_wait3A_674 = tpu.memref_slice %arg6[%dma_wait3A_673] : memref<38912xf32, #tpu.memory_space<vmem>> -> memref<2048xf32, #tpu.memory_space<vmem>>
      %dma_wait3A_675 = arith.constant 0 : i32
      %dma_wait3A_676 = tpu.memref_slice %arg2[%dma_wait3A_675] : memref<19922944xf32, #tpu.memory_space<hbm>> -> memref<2048xf32, #tpu.memory_space<hbm>>
      tpu.wait_dma2 semaphore(%arg11 : memref<!tpu.dma_semaphore, #tpu.memory_space<semaphore_mem>>) src(%dma_wait3A_676 : memref<2048xf32, #tpu.memory_space<hbm>>) dst(%dma_wait3A_674 : memref<2048xf32, #tpu.memory_space<vmem>>)
      %dma_wait3A_677 = arith.constant 6144 : i32
      %dma_wait3A_678 = tpu.memref_slice %arg6[%dma_wait3A_677] : memref<38912xf32, #tpu.memory_space<vmem>> -> memref<2048xf32, #tpu.memory_space<vmem>>
      %dma_wait3A_679 = arith.constant 0 : i32
      %dma_wait3A_680 = tpu.memref_slice %arg2[%dma_wait3A_679] : memref<19922944xf32, #tpu.memory_space<hbm>> -> memref<2048xf32, #tpu.memory_space<hbm>>
      %dma_wait3A_681 = arith.constant 6144 : i32
      %dma_wait3A_682 = tpu.memref_slice %arg6[%dma_wait3A_681] : memref<38912xf32, #tpu.memory_space<vmem>> -> memref<2048xf32, #tpu.memory_space<vmem>>
      %dma_wait3A_683 = arith.constant 0 : i32
      %dma_wait3A_684 = tpu.memref_slice %arg2[%dma_wait3A_683] : memref<19922944xf32, #tpu.memory_space<hbm>> -> memref<2048xf32, #tpu.memory_space<hbm>>
      tpu.wait_dma2 semaphore(%arg11 : memref<!tpu.dma_semaphore, #tpu.memory_space<semaphore_mem>>) src(%dma_wait3A_684 : memref<2048xf32, #tpu.memory_space<hbm>>) dst(%dma_wait3A_682 : memref<2048xf32, #tpu.memory_space<vmem>>)
      %dma_wait3A_685 = arith.constant 8192 : i32
      %dma_wait3A_686 = tpu.memref_slice %arg6[%dma_wait3A_685] : memref<38912xf32, #tpu.memory_space<vmem>> -> memref<2048xf32, #tpu.memory_space<vmem>>
      %dma_wait3A_687 = arith.constant 0 : i32
      %dma_wait3A_688 = tpu.memref_slice %arg2[%dma_wait3A_687] : memref<19922944xf32, #tpu.memory_space<hbm>> -> memref<2048xf32, #tpu.memory_space<hbm>>
      %dma_wait3A_689 = arith.constant 8192 : i32
      %dma_wait3A_690 = tpu.memref_slice %arg6[%dma_wait3A_689] : memref<38912xf32, #tpu.memory_space<vmem>> -> memref<2048xf32, #tpu.memory_space<vmem>>
      %dma_wait3A_691 = arith.constant 0 : i32
      %dma_wait3A_692 = tpu.memref_slice %arg2[%dma_wait3A_691] : memref<19922944xf32, #tpu.memory_space<hbm>> -> memref<2048xf32, #tpu.memory_space<hbm>>
      tpu.wait_dma2 semaphore(%arg11 : memref<!tpu.dma_semaphore, #tpu.memory_space<semaphore_mem>>) src(%dma_wait3A_692 : memref<2048xf32, #tpu.memory_space<hbm>>) dst(%dma_wait3A_690 : memref<2048xf32, #tpu.memory_space<vmem>>)
      %dma_wait3A_693 = arith.constant 10240 : i32
      %dma_wait3A_694 = tpu.memref_slice %arg6[%dma_wait3A_693] : memref<38912xf32, #tpu.memory_space<vmem>> -> memref<2048xf32, #tpu.memory_space<vmem>>
      %dma_wait3A_695 = arith.constant 0 : i32
      %dma_wait3A_696 = tpu.memref_slice %arg2[%dma_wait3A_695] : memref<19922944xf32, #tpu.memory_space<hbm>> -> memref<2048xf32, #tpu.memory_space<hbm>>
      %dma_wait3A_697 = arith.constant 10240 : i32
      %dma_wait3A_698 = tpu.memref_slice %arg6[%dma_wait3A_697] : memref<38912xf32, #tpu.memory_space<vmem>> -> memref<2048xf32, #tpu.memory_space<vmem>>
      %dma_wait3A_699 = arith.constant 0 : i32
      %dma_wait3A_700 = tpu.memref_slice %arg2[%dma_wait3A_699] : memref<19922944xf32, #tpu.memory_space<hbm>> -> memref<2048xf32, #tpu.memory_space<hbm>>
      tpu.wait_dma2 semaphore(%arg11 : memref<!tpu.dma_semaphore, #tpu.memory_space<semaphore_mem>>) src(%dma_wait3A_700 : memref<2048xf32, #tpu.memory_space<hbm>>) dst(%dma_wait3A_698 : memref<2048xf32, #tpu.memory_space<vmem>>)
      %dma_wait3A_701 = arith.constant 12288 : i32
      %dma_wait3A_702 = tpu.memref_slice %arg6[%dma_wait3A_701] : memref<38912xf32, #tpu.memory_space<vmem>> -> memref<2048xf32, #tpu.memory_space<vmem>>
      %dma_wait3A_703 = arith.constant 0 : i32
      %dma_wait3A_704 = tpu.memref_slice %arg2[%dma_wait3A_703] : memref<19922944xf32, #tpu.memory_space<hbm>> -> memref<2048xf32, #tpu.memory_space<hbm>>
      %dma_wait3A_705 = arith.constant 12288 : i32
      %dma_wait3A_706 = tpu.memref_slice %arg6[%dma_wait3A_705] : memref<38912xf32, #tpu.memory_space<vmem>> -> memref<2048xf32, #tpu.memory_space<vmem>>
      %dma_wait3A_707 = arith.constant 0 : i32
      %dma_wait3A_708 = tpu.memref_slice %arg2[%dma_wait3A_707] : memref<19922944xf32, #tpu.memory_space<hbm>> -> memref<2048xf32, #tpu.memory_space<hbm>>
      tpu.wait_dma2 semaphore(%arg11 : memref<!tpu.dma_semaphore, #tpu.memory_space<semaphore_mem>>) src(%dma_wait3A_708 : memref<2048xf32, #tpu.memory_space<hbm>>) dst(%dma_wait3A_706 : memref<2048xf32, #tpu.memory_space<vmem>>)
      %dma_wait3A_709 = arith.constant 14336 : i32
      %dma_wait3A_710 = tpu.memref_slice %arg6[%dma_wait3A_709] : memref<38912xf32, #tpu.memory_space<vmem>> -> memref<2048xf32, #tpu.memory_space<vmem>>
      %dma_wait3A_711 = arith.constant 0 : i32
      %dma_wait3A_712 = tpu.memref_slice %arg2[%dma_wait3A_711] : memref<19922944xf32, #tpu.memory_space<hbm>> -> memref<2048xf32, #tpu.memory_space<hbm>>
      %dma_wait3A_713 = arith.constant 14336 : i32
      %dma_wait3A_714 = tpu.memref_slice %arg6[%dma_wait3A_713] : memref<38912xf32, #tpu.memory_space<vmem>> -> memref<2048xf32, #tpu.memory_space<vmem>>
      %dma_wait3A_715 = arith.constant 0 : i32
      %dma_wait3A_716 = tpu.memref_slice %arg2[%dma_wait3A_715] : memref<19922944xf32, #tpu.memory_space<hbm>> -> memref<2048xf32, #tpu.memory_space<hbm>>
      tpu.wait_dma2 semaphore(%arg11 : memref<!tpu.dma_semaphore, #tpu.memory_space<semaphore_mem>>) src(%dma_wait3A_716 : memref<2048xf32, #tpu.memory_space<hbm>>) dst(%dma_wait3A_714 : memref<2048xf32, #tpu.memory_space<vmem>>)
      %dma_wait3A_717 = arith.constant 16384 : i32
      %dma_wait3A_718 = tpu.memref_slice %arg6[%dma_wait3A_717] : memref<38912xf32, #tpu.memory_space<vmem>> -> memref<2048xf32, #tpu.memory_space<vmem>>
      %dma_wait3A_719 = arith.constant 0 : i32
      %dma_wait3A_720 = tpu.memref_slice %arg2[%dma_wait3A_719] : memref<19922944xf32, #tpu.memory_space<hbm>> -> memref<2048xf32, #tpu.memory_space<hbm>>
      %dma_wait3A_721 = arith.constant 16384 : i32
      %dma_wait3A_722 = tpu.memref_slice %arg6[%dma_wait3A_721] : memref<38912xf32, #tpu.memory_space<vmem>> -> memref<2048xf32, #tpu.memory_space<vmem>>
      %dma_wait3A_723 = arith.constant 0 : i32
      %dma_wait3A_724 = tpu.memref_slice %arg2[%dma_wait3A_723] : memref<19922944xf32, #tpu.memory_space<hbm>> -> memref<2048xf32, #tpu.memory_space<hbm>>
      tpu.wait_dma2 semaphore(%arg11 : memref<!tpu.dma_semaphore, #tpu.memory_space<semaphore_mem>>) src(%dma_wait3A_724 : memref<2048xf32, #tpu.memory_space<hbm>>) dst(%dma_wait3A_722 : memref<2048xf32, #tpu.memory_space<vmem>>)
      %dma_wait3A_725 = arith.constant 18432 : i32
      %dma_wait3A_726 = tpu.memref_slice %arg6[%dma_wait3A_725] : memref<38912xf32, #tpu.memory_space<vmem>> -> memref<2048xf32, #tpu.memory_space<vmem>>
      %dma_wait3A_727 = arith.constant 0 : i32
      %dma_wait3A_728 = tpu.memref_slice %arg2[%dma_wait3A_727] : memref<19922944xf32, #tpu.memory_space<hbm>> -> memref<2048xf32, #tpu.memory_space<hbm>>
      %dma_wait3A_729 = arith.constant 18432 : i32
      %dma_wait3A_730 = tpu.memref_slice %arg6[%dma_wait3A_729] : memref<38912xf32, #tpu.memory_space<vmem>> -> memref<2048xf32, #tpu.memory_space<vmem>>
      %dma_wait3A_731 = arith.constant 0 : i32
      %dma_wait3A_732 = tpu.memref_slice %arg2[%dma_wait3A_731] : memref<19922944xf32, #tpu.memory_space<hbm>> -> memref<2048xf32, #tpu.memory_space<hbm>>
      tpu.wait_dma2 semaphore(%arg11 : memref<!tpu.dma_semaphore, #tpu.memory_space<semaphore_mem>>) src(%dma_wait3A_732 : memref<2048xf32, #tpu.memory_space<hbm>>) dst(%dma_wait3A_730 : memref<2048xf32, #tpu.memory_space<vmem>>)
      %dma_wait3A_733 = arith.constant 20480 : i32
      %dma_wait3A_734 = tpu.memref_slice %arg6[%dma_wait3A_733] : memref<38912xf32, #tpu.memory_space<vmem>> -> memref<2048xf32, #tpu.memory_space<vmem>>
      %dma_wait3A_735 = arith.constant 0 : i32
      %dma_wait3A_736 = tpu.memref_slice %arg2[%dma_wait3A_735] : memref<19922944xf32, #tpu.memory_space<hbm>> -> memref<2048xf32, #tpu.memory_space<hbm>>
      %dma_wait3A_737 = arith.constant 20480 : i32
      %dma_wait3A_738 = tpu.memref_slice %arg6[%dma_wait3A_737] : memref<38912xf32, #tpu.memory_space<vmem>> -> memref<2048xf32, #tpu.memory_space<vmem>>
      %dma_wait3A_739 = arith.constant 0 : i32
      %dma_wait3A_740 = tpu.memref_slice %arg2[%dma_wait3A_739] : memref<19922944xf32, #tpu.memory_space<hbm>> -> memref<2048xf32, #tpu.memory_space<hbm>>
      tpu.wait_dma2 semaphore(%arg11 : memref<!tpu.dma_semaphore, #tpu.memory_space<semaphore_mem>>) src(%dma_wait3A_740 : memref<2048xf32, #tpu.memory_space<hbm>>) dst(%dma_wait3A_738 : memref<2048xf32, #tpu.memory_space<vmem>>)
      %dma_wait3A_741 = arith.constant 22528 : i32
      %dma_wait3A_742 = tpu.memref_slice %arg6[%dma_wait3A_741] : memref<38912xf32, #tpu.memory_space<vmem>> -> memref<2048xf32, #tpu.memory_space<vmem>>
      %dma_wait3A_743 = arith.constant 0 : i32
      %dma_wait3A_744 = tpu.memref_slice %arg2[%dma_wait3A_743] : memref<19922944xf32, #tpu.memory_space<hbm>> -> memref<2048xf32, #tpu.memory_space<hbm>>
      %dma_wait3A_745 = arith.constant 22528 : i32
      %dma_wait3A_746 = tpu.memref_slice %arg6[%dma_wait3A_745] : memref<38912xf32, #tpu.memory_space<vmem>> -> memref<2048xf32, #tpu.memory_space<vmem>>
      %dma_wait3A_747 = arith.constant 0 : i32
      %dma_wait3A_748 = tpu.memref_slice %arg2[%dma_wait3A_747] : memref<19922944xf32, #tpu.memory_space<hbm>> -> memref<2048xf32, #tpu.memory_space<hbm>>
      tpu.wait_dma2 semaphore(%arg11 : memref<!tpu.dma_semaphore, #tpu.memory_space<semaphore_mem>>) src(%dma_wait3A_748 : memref<2048xf32, #tpu.memory_space<hbm>>) dst(%dma_wait3A_746 : memref<2048xf32, #tpu.memory_space<vmem>>)
      %dma_wait3A_749 = arith.constant 24576 : i32
      %dma_wait3A_750 = tpu.memref_slice %arg6[%dma_wait3A_749] : memref<38912xf32, #tpu.memory_space<vmem>> -> memref<2048xf32, #tpu.memory_space<vmem>>
      %dma_wait3A_751 = arith.constant 0 : i32
      %dma_wait3A_752 = tpu.memref_slice %arg2[%dma_wait3A_751] : memref<19922944xf32, #tpu.memory_space<hbm>> -> memref<2048xf32, #tpu.memory_space<hbm>>
      %dma_wait3A_753 = arith.constant 24576 : i32
      %dma_wait3A_754 = tpu.memref_slice %arg6[%dma_wait3A_753] : memref<38912xf32, #tpu.memory_space<vmem>> -> memref<2048xf32, #tpu.memory_space<vmem>>
      %dma_wait3A_755 = arith.constant 0 : i32
      %dma_wait3A_756 = tpu.memref_slice %arg2[%dma_wait3A_755] : memref<19922944xf32, #tpu.memory_space<hbm>> -> memref<2048xf32, #tpu.memory_space<hbm>>
      tpu.wait_dma2 semaphore(%arg11 : memref<!tpu.dma_semaphore, #tpu.memory_space<semaphore_mem>>) src(%dma_wait3A_756 : memref<2048xf32, #tpu.memory_space<hbm>>) dst(%dma_wait3A_754 : memref<2048xf32, #tpu.memory_space<vmem>>)
      %dma_wait3A_757 = arith.constant 26624 : i32
      %dma_wait3A_758 = tpu.memref_slice %arg6[%dma_wait3A_757] : memref<38912xf32, #tpu.memory_space<vmem>> -> memref<2048xf32, #tpu.memory_space<vmem>>
      %dma_wait3A_759 = arith.constant 0 : i32
      %dma_wait3A_760 = tpu.memref_slice %arg2[%dma_wait3A_759] : memref<19922944xf32, #tpu.memory_space<hbm>> -> memref<2048xf32, #tpu.memory_space<hbm>>
      %dma_wait3A_761 = arith.constant 26624 : i32
      %dma_wait3A_762 = tpu.memref_slice %arg6[%dma_wait3A_761] : memref<38912xf32, #tpu.memory_space<vmem>> -> memref<2048xf32, #tpu.memory_space<vmem>>
      %dma_wait3A_763 = arith.constant 0 : i32
      %dma_wait3A_764 = tpu.memref_slice %arg2[%dma_wait3A_763] : memref<19922944xf32, #tpu.memory_space<hbm>> -> memref<2048xf32, #tpu.memory_space<hbm>>
      tpu.wait_dma2 semaphore(%arg11 : memref<!tpu.dma_semaphore, #tpu.memory_space<semaphore_mem>>) src(%dma_wait3A_764 : memref<2048xf32, #tpu.memory_space<hbm>>) dst(%dma_wait3A_762 : memref<2048xf32, #tpu.memory_space<vmem>>)
      %dma_wait3A_765 = arith.constant 28672 : i32
      %dma_wait3A_766 = tpu.memref_slice %arg6[%dma_wait3A_765] : memref<38912xf32, #tpu.memory_space<vmem>> -> memref<2048xf32, #tpu.memory_space<vmem>>
      %dma_wait3A_767 = arith.constant 0 : i32
      %dma_wait3A_768 = tpu.memref_slice %arg2[%dma_wait3A_767] : memref<19922944xf32, #tpu.memory_space<hbm>> -> memref<2048xf32, #tpu.memory_space<hbm>>
      %dma_wait3A_769 = arith.constant 28672 : i32
      %dma_wait3A_770 = tpu.memref_slice %arg6[%dma_wait3A_769] : memref<38912xf32, #tpu.memory_space<vmem>> -> memref<2048xf32, #tpu.memory_space<vmem>>
      %dma_wait3A_771 = arith.constant 0 : i32
      %dma_wait3A_772 = tpu.memref_slice %arg2[%dma_wait3A_771] : memref<19922944xf32, #tpu.memory_space<hbm>> -> memref<2048xf32, #tpu.memory_space<hbm>>
      tpu.wait_dma2 semaphore(%arg11 : memref<!tpu.dma_semaphore, #tpu.memory_space<semaphore_mem>>) src(%dma_wait3A_772 : memref<2048xf32, #tpu.memory_space<hbm>>) dst(%dma_wait3A_770 : memref<2048xf32, #tpu.memory_space<vmem>>)
      %dma_wait3A_773 = arith.constant 30720 : i32
      %dma_wait3A_774 = tpu.memref_slice %arg6[%dma_wait3A_773] : memref<38912xf32, #tpu.memory_space<vmem>> -> memref<2048xf32, #tpu.memory_space<vmem>>
      %dma_wait3A_775 = arith.constant 0 : i32
      %dma_wait3A_776 = tpu.memref_slice %arg2[%dma_wait3A_775] : memref<19922944xf32, #tpu.memory_space<hbm>> -> memref<2048xf32, #tpu.memory_space<hbm>>
      %dma_wait3A_777 = arith.constant 30720 : i32
      %dma_wait3A_778 = tpu.memref_slice %arg6[%dma_wait3A_777] : memref<38912xf32, #tpu.memory_space<vmem>> -> memref<2048xf32, #tpu.memory_space<vmem>>
      %dma_wait3A_779 = arith.constant 0 : i32
      %dma_wait3A_780 = tpu.memref_slice %arg2[%dma_wait3A_779] : memref<19922944xf32, #tpu.memory_space<hbm>> -> memref<2048xf32, #tpu.memory_space<hbm>>
      tpu.wait_dma2 semaphore(%arg11 : memref<!tpu.dma_semaphore, #tpu.memory_space<semaphore_mem>>) src(%dma_wait3A_780 : memref<2048xf32, #tpu.memory_space<hbm>>) dst(%dma_wait3A_778 : memref<2048xf32, #tpu.memory_space<vmem>>)
      %dma_wait3A_781 = arith.constant 32768 : i32
      %dma_wait3A_782 = tpu.memref_slice %arg6[%dma_wait3A_781] : memref<38912xf32, #tpu.memory_space<vmem>> -> memref<2048xf32, #tpu.memory_space<vmem>>
      %dma_wait3A_783 = arith.constant 0 : i32
      %dma_wait3A_784 = tpu.memref_slice %arg2[%dma_wait3A_783] : memref<19922944xf32, #tpu.memory_space<hbm>> -> memref<2048xf32, #tpu.memory_space<hbm>>
      %dma_wait3A_785 = arith.constant 32768 : i32
      %dma_wait3A_786 = tpu.memref_slice %arg6[%dma_wait3A_785] : memref<38912xf32, #tpu.memory_space<vmem>> -> memref<2048xf32, #tpu.memory_space<vmem>>
      %dma_wait3A_787 = arith.constant 0 : i32
      %dma_wait3A_788 = tpu.memref_slice %arg2[%dma_wait3A_787] : memref<19922944xf32, #tpu.memory_space<hbm>> -> memref<2048xf32, #tpu.memory_space<hbm>>
      tpu.wait_dma2 semaphore(%arg11 : memref<!tpu.dma_semaphore, #tpu.memory_space<semaphore_mem>>) src(%dma_wait3A_788 : memref<2048xf32, #tpu.memory_space<hbm>>) dst(%dma_wait3A_786 : memref<2048xf32, #tpu.memory_space<vmem>>)
      %dma_wait3A_789 = arith.constant 34816 : i32
      %dma_wait3A_790 = tpu.memref_slice %arg6[%dma_wait3A_789] : memref<38912xf32, #tpu.memory_space<vmem>> -> memref<2048xf32, #tpu.memory_space<vmem>>
      %dma_wait3A_791 = arith.constant 0 : i32
      %dma_wait3A_792 = tpu.memref_slice %arg2[%dma_wait3A_791] : memref<19922944xf32, #tpu.memory_space<hbm>> -> memref<2048xf32, #tpu.memory_space<hbm>>
      %dma_wait3A_793 = arith.constant 34816 : i32
      %dma_wait3A_794 = tpu.memref_slice %arg6[%dma_wait3A_793] : memref<38912xf32, #tpu.memory_space<vmem>> -> memref<2048xf32, #tpu.memory_space<vmem>>
      %dma_wait3A_795 = arith.constant 0 : i32
      %dma_wait3A_796 = tpu.memref_slice %arg2[%dma_wait3A_795] : memref<19922944xf32, #tpu.memory_space<hbm>> -> memref<2048xf32, #tpu.memory_space<hbm>>
      tpu.wait_dma2 semaphore(%arg11 : memref<!tpu.dma_semaphore, #tpu.memory_space<semaphore_mem>>) src(%dma_wait3A_796 : memref<2048xf32, #tpu.memory_space<hbm>>) dst(%dma_wait3A_794 : memref<2048xf32, #tpu.memory_space<vmem>>)
      %dma_wait3A_797 = arith.constant 36864 : i32
      %dma_wait3A_798 = tpu.memref_slice %arg6[%dma_wait3A_797] : memref<38912xf32, #tpu.memory_space<vmem>> -> memref<2048xf32, #tpu.memory_space<vmem>>
      %dma_wait3A_799 = arith.constant 0 : i32
      %dma_wait3A_800 = tpu.memref_slice %arg2[%dma_wait3A_799] : memref<19922944xf32, #tpu.memory_space<hbm>> -> memref<2048xf32, #tpu.memory_space<hbm>>
      %dma_wait3A_801 = arith.constant 36864 : i32
      %dma_wait3A_802 = tpu.memref_slice %arg6[%dma_wait3A_801] : memref<38912xf32, #tpu.memory_space<vmem>> -> memref<2048xf32, #tpu.memory_space<vmem>>
      %dma_wait3A_803 = arith.constant 0 : i32
      %dma_wait3A_804 = tpu.memref_slice %arg2[%dma_wait3A_803] : memref<19922944xf32, #tpu.memory_space<hbm>> -> memref<2048xf32, #tpu.memory_space<hbm>>
      tpu.wait_dma2 semaphore(%arg11 : memref<!tpu.dma_semaphore, #tpu.memory_space<semaphore_mem>>) src(%dma_wait3A_804 : memref<2048xf32, #tpu.memory_space<hbm>>) dst(%dma_wait3A_802 : memref<2048xf32, #tpu.memory_space<vmem>>)
      %dma_wait3A_805 = arith.constant 0 : i32
      %dma_wait3A_806 = tpu.memref_slice %arg3[%dma_wait3A_805] : memref<1048576xi32, #tpu.memory_space<hbm>> -> memref<2048xi32, #tpu.memory_space<hbm>>
      %dma_wait3A_807 = arith.constant 0 : i32
      %dma_wait3A_808 = tpu.memref_slice %arg3[%dma_wait3A_807] : memref<1048576xi32, #tpu.memory_space<hbm>> -> memref<2048xi32, #tpu.memory_space<hbm>>
      tpu.wait_dma2 semaphore(%arg11 : memref<!tpu.dma_semaphore, #tpu.memory_space<semaphore_mem>>) src(%dma_wait3A_808 : memref<2048xi32, #tpu.memory_space<hbm>>) dst(%arg8 : memref<2048xi32, #tpu.memory_space<vmem>>)
      %scan3A_809 = arith.constant 0 : i32
      %scan3A_810 = arith.constant 128 : i32
      %scan3A_811 = arith.addi %scan3A_809, %scan3A_810 : i32
      %scan3A_812 = arith.constant 1 : i32
      %scan3A_813:3 = scf.for %scan3A_815 = %scan3A_809 to %scan3A_811 step %scan3A_812 iter_args(%scan3A_816 = %scan3A_648#0, %scan3A_817 = %scan3A_648#1, %scan3A_818 = %scan3A_648#2) -> (vector<16xf32>, vector<16xf32>, vector<16xf32>)  : i32 {
        %mul3A_819 = arith.constant 16 : i32
        %mul3A_820 = arith.muli %scan3A_815, %mul3A_819 : i32
        %get3A = arith.index_cast %mul3A_820 : i32 to index
        %get3A_821 = tpu.vector_load %arg8[%get3A] {strides = array<i32>} : memref<2048xi32, #tpu.memory_space<vmem>>, vector<16xi32>,
        %ne3A_822 = arith.constant 255 : i32
        %ne3A_823 = vector.broadcast %ne3A_822 : i32 to vector<16xi32>
        %ne3A_824 = arith.cmpi ne, %get3A_821, %ne3A_823 : vector<16xi32>
        %jit3A_825 = arith.constant 0 : i32
        %broadcast_in_dim3A_826 = vector.broadcast %jit3A_825 : i32 to vector<16xi32>
        %select_n3A_827 = arith.select %ne3A_824, %get3A_821, %broadcast_in_dim3A_826 : vector<16xi1>, vector<16xi32>
        %ne3A_828 = arith.constant 0 : i32
        %ne3A_829 = vector.broadcast %ne3A_828 : i32 to vector<16xi32>
        %ne3A_830 = arith.cmpi ne, %get3A_821, %ne3A_829 : vector<16xi32>
        %and3A_831 = arith.andi %ne3A_824, %ne3A_830 : vector<16xi1>
        %get3A_832 = arith.index_cast %mul3A_820 : i32 to index
        %get3A_833 = tpu.vector_load %arg6[%get3A_832] {strides = array<i32>} : memref<38912xf32, #tpu.memory_space<vmem>>, vector<16xf32>,
        %exp3A = math.exp %get3A_833 : vector<16xf32>
        %add3A_834 = arith.constant 2048 : i32
        %add3A_835 = arith.addi %add3A_834, %mul3A_820 : i32
        %get3A_836 = arith.index_cast %add3A_835 : i32 to index
        %get3A_837 = tpu.vector_load %arg6[%get3A_836] {strides = array<i32>} : memref<38912xf32, #tpu.memory_space<vmem>>, vector<16xf32>,
        %exp3A_838 = math.exp %get3A_837 : vector<16xf32>
        %add3A_839 = arith.addf %exp3A, %exp3A_838 : vector<16xf32>
        %add3A_840 = arith.constant 4096 : i32
        %add3A_841 = arith.addi %add3A_840, %mul3A_820 : i32
        %get3A_842 = arith.index_cast %add3A_841 : i32 to index
        %get3A_843 = tpu.vector_load %arg6[%get3A_842] {strides = array<i32>} : memref<38912xf32, #tpu.memory_space<vmem>>, vector<16xf32>,
        %exp3A_844 = math.exp %get3A_843 : vector<16xf32>
        %add3A_845 = arith.addf %add3A_839, %exp3A_844 : vector<16xf32>
        %add3A_846 = arith.constant 6144 : i32
        %add3A_847 = arith.addi %add3A_846, %mul3A_820 : i32
        %get3A_848 = arith.index_cast %add3A_847 : i32 to index
        %get3A_849 = tpu.vector_load %arg6[%get3A_848] {strides = array<i32>} : memref<38912xf32, #tpu.memory_space<vmem>>, vector<16xf32>,
        %exp3A_850 = math.exp %get3A_849 : vector<16xf32>
        %add3A_851 = arith.addf %add3A_845, %exp3A_850 : vector<16xf32>
        %add3A_852 = arith.constant 8192 : i32
        %add3A_853 = arith.addi %add3A_852, %mul3A_820 : i32
        %get3A_854 = arith.index_cast %add3A_853 : i32 to index
        %get3A_855 = tpu.vector_load %arg6[%get3A_854] {strides = array<i32>} : memref<38912xf32, #tpu.memory_space<vmem>>, vector<16xf32>,
        %exp3A_856 = math.exp %get3A_855 : vector<16xf32>
        %add3A_857 = arith.addf %add3A_851, %exp3A_856 : vector<16xf32>
        %add3A_858 = arith.constant 10240 : i32
        %add3A_859 = arith.addi %add3A_858, %mul3A_820 : i32
        %get3A_860 = arith.index_cast %add3A_859 : i32 to index
        %get3A_861 = tpu.vector_load %arg6[%get3A_860] {strides = array<i32>} : memref<38912xf32, #tpu.memory_space<vmem>>, vector<16xf32>,
        %exp3A_862 = math.exp %get3A_861 : vector<16xf32>
        %add3A_863 = arith.addf %add3A_857, %exp3A_862 : vector<16xf32>
        %add3A_864 = arith.constant 12288 : i32
        %add3A_865 = arith.addi %add3A_864, %mul3A_820 : i32
        %get3A_866 = arith.index_cast %add3A_865 : i32 to index
        %get3A_867 = tpu.vector_load %arg6[%get3A_866] {strides = array<i32>} : memref<38912xf32, #tpu.memory_space<vmem>>, vector<16xf32>,
        %exp3A_868 = math.exp %get3A_867 : vector<16xf32>
        %add3A_869 = arith.addf %add3A_863, %exp3A_868 : vector<16xf32>
        %add3A_870 = arith.constant 14336 : i32
        %add3A_871 = arith.addi %add3A_870, %mul3A_820 : i32
        %get3A_872 = arith.index_cast %add3A_871 : i32 to index
        %get3A_873 = tpu.vector_load %arg6[%get3A_872] {strides = array<i32>} : memref<38912xf32, #tpu.memory_space<vmem>>, vector<16xf32>,
        %exp3A_874 = math.exp %get3A_873 : vector<16xf32>
        %add3A_875 = arith.addf %add3A_869, %exp3A_874 : vector<16xf32>
        %add3A_876 = arith.constant 16384 : i32
        %add3A_877 = arith.addi %add3A_876, %mul3A_820 : i32
        %get3A_878 = arith.index_cast %add3A_877 : i32 to index
        %get3A_879 = tpu.vector_load %arg6[%get3A_878] {strides = array<i32>} : memref<38912xf32, #tpu.memory_space<vmem>>, vector<16xf32>,
        %exp3A_880 = math.exp %get3A_879 : vector<16xf32>
        %add3A_881 = arith.addf %add3A_875, %exp3A_880 : vector<16xf32>
        %add3A_882 = arith.constant 18432 : i32
        %add3A_883 = arith.addi %add3A_882, %mul3A_820 : i32
        %get3A_884 = arith.index_cast %add3A_883 : i32 to index
        %get3A_885 = tpu.vector_load %arg6[%get3A_884] {strides = array<i32>} : memref<38912xf32, #tpu.memory_space<vmem>>, vector<16xf32>,
        %exp3A_886 = math.exp %get3A_885 : vector<16xf32>
        %add3A_887 = arith.addf %add3A_881, %exp3A_886 : vector<16xf32>
        %add3A_888 = arith.constant 20480 : i32
        %add3A_889 = arith.addi %add3A_888, %mul3A_820 : i32
        %get3A_890 = arith.index_cast %add3A_889 : i32 to index
        %get3A_891 = tpu.vector_load %arg6[%get3A_890] {strides = array<i32>} : memref<38912xf32, #tpu.memory_space<vmem>>, vector<16xf32>,
        %exp3A_892 = math.exp %get3A_891 : vector<16xf32>
        %add3A_893 = arith.addf %add3A_887, %exp3A_892 : vector<16xf32>
        %add3A_894 = arith.constant 22528 : i32
        %add3A_895 = arith.addi %add3A_894, %mul3A_820 : i32
        %get3A_896 = arith.index_cast %add3A_895 : i32 to index
        %get3A_897 = tpu.vector_load %arg6[%get3A_896] {strides = array<i32>} : memref<38912xf32, #tpu.memory_space<vmem>>, vector<16xf32>,
        %exp3A_898 = math.exp %get3A_897 : vector<16xf32>
        %add3A_899 = arith.addf %add3A_893, %exp3A_898 : vector<16xf32>
        %add3A_900 = arith.constant 24576 : i32
        %add3A_901 = arith.addi %add3A_900, %mul3A_820 : i32
        %get3A_902 = arith.index_cast %add3A_901 : i32 to index
        %get3A_903 = tpu.vector_load %arg6[%get3A_902] {strides = array<i32>} : memref<38912xf32, #tpu.memory_space<vmem>>, vector<16xf32>,
        %exp3A_904 = math.exp %get3A_903 : vector<16xf32>
        %add3A_905 = arith.addf %add3A_899, %exp3A_904 : vector<16xf32>
        %add3A_906 = arith.constant 26624 : i32
        %add3A_907 = arith.addi %add3A_906, %mul3A_820 : i32
        %get3A_908 = arith.index_cast %add3A_907 : i32 to index
        %get3A_909 = tpu.vector_load %arg6[%get3A_908] {strides = array<i32>} : memref<38912xf32, #tpu.memory_space<vmem>>, vector<16xf32>,
        %exp3A_910 = math.exp %get3A_909 : vector<16xf32>
        %add3A_911 = arith.addf %add3A_905, %exp3A_910 : vector<16xf32>
        %add3A_912 = arith.constant 28672 : i32
        %add3A_913 = arith.addi %add3A_912, %mul3A_820 : i32
        %get3A_914 = arith.index_cast %add3A_913 : i32 to index
        %get3A_915 = tpu.vector_load %arg6[%get3A_914] {strides = array<i32>} : memref<38912xf32, #tpu.memory_space<vmem>>, vector<16xf32>,
        %exp3A_916 = math.exp %get3A_915 : vector<16xf32>
        %add3A_917 = arith.addf %add3A_911, %exp3A_916 : vector<16xf32>
        %add3A_918 = arith.constant 30720 : i32
        %add3A_919 = arith.addi %add3A_918, %mul3A_820 : i32
        %get3A_920 = arith.index_cast %add3A_919 : i32 to index
        %get3A_921 = tpu.vector_load %arg6[%get3A_920] {strides = array<i32>} : memref<38912xf32, #tpu.memory_space<vmem>>, vector<16xf32>,
        %exp3A_922 = math.exp %get3A_921 : vector<16xf32>
        %add3A_923 = arith.addf %add3A_917, %exp3A_922 : vector<16xf32>
        %add3A_924 = arith.constant 32768 : i32
        %add3A_925 = arith.addi %add3A_924, %mul3A_820 : i32
        %get3A_926 = arith.index_cast %add3A_925 : i32 to index
        %get3A_927 = tpu.vector_load %arg6[%get3A_926] {strides = array<i32>} : memref<38912xf32, #tpu.memory_space<vmem>>, vector<16xf32>,
        %exp3A_928 = math.exp %get3A_927 : vector<16xf32>
        %add3A_929 = arith.addf %add3A_923, %exp3A_928 : vector<16xf32>
        %add3A_930 = arith.constant 34816 : i32
        %add3A_931 = arith.addi %add3A_930, %mul3A_820 : i32
        %get3A_932 = arith.index_cast %add3A_931 : i32 to index
        %get3A_933 = tpu.vector_load %arg6[%get3A_932] {strides = array<i32>} : memref<38912xf32, #tpu.memory_space<vmem>>, vector<16xf32>,
        %exp3A_934 = math.exp %get3A_933 : vector<16xf32>
        %add3A_935 = arith.addf %add3A_929, %exp3A_934 : vector<16xf32>
        %add3A_936 = arith.constant 36864 : i32
        %add3A_937 = arith.addi %add3A_936, %mul3A_820 : i32
        %get3A_938 = arith.index_cast %add3A_937 : i32 to index
        %get3A_939 = tpu.vector_load %arg6[%get3A_938] {strides = array<i32>} : memref<38912xf32, #tpu.memory_space<vmem>>, vector<16xf32>,
        %exp3A_940 = math.exp %get3A_939 : vector<16xf32>
        %add3A_941 = arith.addf %add3A_935, %exp3A_940 : vector<16xf32>
        %mul3A_942 = arith.constant 2048 : i32
        %mul3A_943 = vector.broadcast %mul3A_942 : i32 to vector<16xi32>
        %mul3A_944 = arith.muli %select_n3A_827, %mul3A_943 : vector<16xi32>
        %add3A_945 = vector.broadcast %mul3A_820 : i32 to vector<16xi32>
        %add3A_946 = arith.addi %iota3A, %add3A_945 : vector<16xi32>
        %add3A_947 = arith.addi %mul3A_944, %add3A_946 : vector<16xi32>
        %gather3A = tpu.vector_load_idx %arg6[%add3A_947] : memref<38912xf32, #tpu.memory_space<vmem>>[vector<16xi32>], vector<16xf32>,
        %exp3A_948 = math.exp %gather3A : vector<16xf32>
        %div3A_949 = arith.constant 1.000000e+00 : f32
        %div3A_950 = vector.broadcast %div3A_949 : f32 to vector<16xf32>
        %div3A_951 = arith.divf %div3A_950, %add3A_941 : vector<16xf32>
        %jit3A_952 = arith.constant 1.000000e+00 : f32
        %jit3A_953 = arith.constant 0.000000e+00 : f32
        %broadcast_in_dim3A_954 = vector.broadcast %jit3A_952 : f32 to vector<16xf32>
        %broadcast_in_dim3A_955 = vector.broadcast %jit3A_953 : f32 to vector<16xf32>
        %select_n3A_956 = arith.select %and3A_831, %broadcast_in_dim3A_954, %broadcast_in_dim3A_955 : vector<16xi1>, vector<16xf32>
        %mul3A_957 = arith.mulf %select_n3A_956, %exp3A_948 : vector<16xf32>
        %mul3A_958 = arith.mulf %mul3A_957, %div3A_951 : vector<16xf32>
        %add3A_959 = arith.addf %scan3A_816, %mul3A_958 : vector<16xf32>
        %sub3A_960 = arith.subf %add3A_941, %exp3A : vector<16xf32>
        %mul3A_961 = arith.mulf %sub3A_960, %div3A_951 : vector<16xf32>
        %jit3A_962 = arith.constant 0.000000e+00 : f32
        %broadcast_in_dim3A_963 = vector.broadcast %jit3A_962 : f32 to vector<16xf32>
        %select_n3A_964 = arith.select %ne3A_824, %mul3A_961, %broadcast_in_dim3A_963 : vector<16xi1>, vector<16xf32>
        %add3A_965 = arith.addf %scan3A_817, %select_n3A_964 : vector<16xf32>
        %add3A_966 = arith.addf %scan3A_818, %select_n3A_956 : vector<16xf32>
        scf.yield %add3A_959, %add3A_965, %add3A_966 : vector<16xf32>, vector<16xf32>, vector<16xf32>
      }
      %scan3A_814 = arith.constant 128 : i32
      scf.yield %scan3A_813#0, %scan3A_813#1, %scan3A_813#2 : vector<16xf32>, vector<16xf32>, vector<16xf32>
    }
    %scan3A_253 = arith.constant 8 : i32
    %swap3A = arith.constant 0 : index
    %swap3A_254 = tpu.vector_load %arg9[%swap3A] {strides = array<i32>} : memref<48xf32, #tpu.memory_space<vmem>>, vector<16xf32>,
    tpu.vector_store %arg9[%swap3A], %scan3A_252#0 {strides = array<i32>} : memref<48xf32, #tpu.memory_space<vmem>>, vector<16xf32>,
    %swap3A_255 = arith.constant 16 : index
    %swap3A_256 = tpu.vector_load %arg9[%swap3A_255] {strides = array<i32>} : memref<48xf32, #tpu.memory_space<vmem>>, vector<16xf32>,
    tpu.vector_store %arg9[%swap3A_255], %scan3A_252#1 {strides = array<i32>} : memref<48xf32, #tpu.memory_space<vmem>>, vector<16xf32>,
    %swap3A_257 = arith.constant 32 : index
    %swap3A_258 = tpu.vector_load %arg9[%swap3A_257] {strides = array<i32>} : memref<48xf32, #tpu.memory_space<vmem>>, vector<16xf32>,
    tpu.vector_store %arg9[%swap3A_257], %scan3A_252#2 {strides = array<i32>} : memref<48xf32, #tpu.memory_space<vmem>>, vector<16xf32>,
    %mul3A_259 = arith.constant 3 : i32
    %mul3A_260 = arith.muli %add3A, %mul3A_259 : i32
    %mul3A_261 = arith.constant 16 : i32
    %mul3A_262 = arith.muli %mul3A_260, %mul3A_261 : i32
    "tpu.region"() ({
      %run_scoped3A = tpu.sem_alloc : memref<!tpu.dma_semaphore, #tpu.memory_space<semaphore_mem>>
      %dma_start3A_263 = tpu.memref_slice %arg4[%mul3A_262] : memref<1536xf32, #tpu.memory_space<hbm>> -> memref<48xf32, #tpu.memory_space<hbm>>
      %dma_start3A_264 = tpu.memref_slice %arg4[%mul3A_262] : memref<1536xf32, #tpu.memory_space<hbm>> -> memref<48xf32, #tpu.memory_space<hbm>>
      tpu.enqueue_dma source(%arg9 : memref<48xf32, #tpu.memory_space<vmem>>) target(%dma_start3A_264 : memref<48xf32, #tpu.memory_space<hbm>>) target_semaphore(%run_scoped3A : memref<!tpu.dma_semaphore, #tpu.memory_space<semaphore_mem>>)
      %dma_wait3A = tpu.memref_slice %arg4[%mul3A_262] : memref<1536xf32, #tpu.memory_space<hbm>> -> memref<48xf32, #tpu.memory_space<hbm>>
      %dma_wait3A_265 = tpu.memref_slice %arg4[%mul3A_262] : memref<1536xf32, #tpu.memory_space<hbm>> -> memref<48xf32, #tpu.memory_space<hbm>>
      tpu.wait_dma2 semaphore(%run_scoped3A : memref<!tpu.dma_semaphore, #tpu.memory_space<semaphore_mem>>) src(%arg9 : memref<48xf32, #tpu.memory_space<vmem>>) dst(%dma_wait3A_265 : memref<48xf32, #tpu.memory_space<hbm>>)
      tpu.yield
    }) : () -> ()
    return
  }
}

</mosaic_0001>

<sc_bundles>
// kernel: kernel.3.cloned.1.call-start
scs
__scs_entry_jumppad:
0x0: {  	(pc) =	sbr.rel $0x88, $3  }
0x1: {  	(tag) =	ssettag $0x0;
	lr =	simm.s32 $0x1  }
0x2: {  	[smem:$0x3F9F] =	sst lr;
	_ =	strace $0xD0000000  }
0x3: {  	_ = 	snop  }
0x4: {  	_ = 	snop  }
0x5: {  	_ = 	snop  }
0x6: {  	_ = 	snop  }
0x7: {  	_ = 	snop  }
__scs_overlays_trampoline_lowered:
0x8: {  	[smem:$0x3FAE] =	sst s0  }
0x9: {  	[smem:$0x3FAF] =	sst s1  }
0xa: {  	[smem:$0x3FB0] =	sst s2  }
0xb: {  	[smem:$0x3FB1] =	sst s3  }
0xc: {  	[smem:$0x3FB2] =	sst s4  }
0xd: {  	[smem:$0x3FB3] =	sst s5  }
0xe: {  	[smem:$0x3FB4] =	sst s6  }
0xf: {  	[smem:$0x3FB5] =	sst s7  }
0x10: {  	[smem:$0x3FB6] =	sst s8  }
0x11: {  	[smem:$0x3FB7] =	sst s9;
	s0 =	simm.s32 @!p0 $0x0  }
0x12: {  	s1 =	sld [smem:$0x3F9D];
	s0 =	simm.s32 @p0 $0x1  }
0x13: {  	[smem:$0x3FB8] =	sst s0;
	s0 =	simm.s32 @!p1 $0x0  }
0x14: {  	s2 =	sld [smem:$0x3F9C];
	s0 =	simm.s32 @p1 $0x1  }
0x15: {  	[smem:$0x3FB9] =	sst s0;
	s0 =	simm.s32 @!p2 $0x0  }
0x16: {  	s3 =	sld [smem:$0x3FDB];
	s0 =	simm.s32 @p2 $0x1  }
0x17: {  	s4 =	simm.s32 $0x1BF5;
	[smem:$0x3FBB] =	sst s0  }
0x18: {  	s0 =	sld [smem:$0x3F9E];
	_ =	swait.ge [sflag:s4], $0x0  }
0x19: {  	s7 =	sld [smem:$0x3F9F]  }
0x1a: {  	s8 =	sadd.s32 $0xFFFFE003, lr  }
0x1b: {  	s9 =	sadd.s32 $0xFFFFFEF7, lr;
	s5 =	simm.s32 $0xFFFFFFFF;
	p2 =	slt.u32 s8, $0xFFFFF086  }
0x1c: {  	p1 =	slt.u32 s9, $0xF7A;
	s5 =	simm.s32 @!p2 $0x0  }
0x1d: {  	s5 =	simm.s32 @p1 $0x1;
	p0 =	seq.s32 s7, s2  }
0x1e: {  	s7 =	smul.u32 @!p0 $0xF7A, s2;
	p2 =	seq.s32 @!p0 s5, $0x0  }
0x1f: {  	s9 =	smul.u32 $0xF7A, s1;
	s8 =	simm.s32 @!p0 $0x1BF5;
	p2 =	por !p2, p0  }
0x20: {  	[sflag:s8] =	ssyncset.s32 @!p0 $0xFFFFF086;
	s6 =	sadd.s32 @!p0 s3, s7;
	s7 =	simm.s32 @!p0 $0x108  }
0x21: {  	s3 =	sadd.s32 s3, s9;
	s6 =	sadd.s32 @!p0 $0x88, s6;
	s7 =	simm.s32 @p2 $0x1082  }
0x22: {  	[simem:s7], [sflag:s8] =	dma.local @!p0 [hbm:s6], $0xF7A  }
0x23: {  	s9 =	sor.u32 $0xD0000000, s2;
	s6 =	simm.s32 $0x108;
	_ =	swait.ge @!p0 [sflag:s8], $0x0  }
0x24: {  	s3 =	sadd.s32 $0x88, s3;
	s6 =	simm.s32 @!p1 $0x1082;
	[sflag:s4] =	ssyncset.s32 $0xFFFFF086  }
0x25: {  	[simem:s6], [sflag:s4] =	dma.local [hbm:s3], $0xF7A  }
0x26: {  	[smem:$0x3F9F] =	sst s1;
	(tag) =	ssettag s2;
	_ =	strace s9  }
0x27: {  	s1 =	sld [smem:$0x3FAF]  }
0x28: {  	s2 =	sld [smem:$0x3FB0]  }
0x29: {  	s4 =	sld [smem:$0x3FB2]  }
0x2a: {  	p0 =	seq.s32 s5, $0x0;
	s5 =	sld [smem:$0x3FB3]  }
0x2b: {  	s6 =	sld [smem:$0x3FB4]  }
0x2c: {  	s7 =	sld [smem:$0x3FB5]  }
0x2d: {  	s3 =	simm.s32 $0x108;
	s8 =	sld [smem:$0x3FB6]  }
0x2e: {  	s3 =	simm.s32 @!p0 $0x1082;
	s9 =	sld [smem:$0x3FB7]  }
0x2f: {  	lr =	sadd.s32 s0, s3;
	s0 =	sld [smem:$0x3FAE]  }
0x30: {  	s3 =	sld [smem:$0x3FB1]  }
0x31: {  	[smem:$0x3FBA] =	sst s10  }
0x32: {  	s10 =	sld [smem:$0x3FB8];
	_ =	sdelay $0x3  }
0x33: {  	p0 =	seq.s32 s10, $0x1;
	s10 =	sld [smem:$0x3FBA];
	_ =	sdelay $0x3  }
0x34: {  	[smem:$0x3FBA] =	sst s10  }
0x35: {  	s10 =	sld [smem:$0x3FB9];
	_ =	sdelay $0x3  }
0x36: {  	p1 =	seq.s32 s10, $0x1;
	s10 =	sld [smem:$0x3FBA];
	_ =	sdelay $0x3  }
0x37: {  	[smem:$0x3FBA] =	sst s10  }
0x38: {  	s10 =	sld [smem:$0x3FBB]  }
0x39: {  	_ = 	snop;
	(pc) =	sbr.ind lr, $3  }
0x3a: {  	_ = 	snop  }
0x3b: {  	_ = 	snop  }
0x3c: {  	p2 =	seq.s32 s10, $0x1;
	s10 =	sld [smem:$0x3FBA]  }
0x3d: {  	_ =	shalt  }
0x3e: {  	_ =	shalt  }
0x3f: {  	_ =	shalt  }
0x40: {  	_ =	shalt  }
0x41: {  	_ =	shalt  }
0x42: {  	_ =	shalt  }
0x43: {  	_ =	shalt  }
0x44: {  	_ =	shalt  }
0x45: {  	_ =	shalt  }
0x46: {  	_ =	shalt  }
0x47: {  	_ =	shalt  }
0x48: {  	_ =	shalt  }
0x49: {  	_ =	shalt  }
0x4a: {  	_ =	shalt  }
0x4b: {  	_ =	shalt  }
0x4c: {  	_ =	shalt  }
0x4d: {  	_ =	shalt  }
0x4e: {  	_ =	shalt  }
0x4f: {  	_ =	shalt  }
0x50: {  	_ =	shalt  }
0x51: {  	_ =	shalt  }
0x52: {  	_ =	shalt  }
0x53: {  	_ =	shalt  }
0x54: {  	_ =	shalt  }
0x55: {  	_ =	shalt  }
0x56: {  	_ =	shalt  }
0x57: {  	_ =	shalt  }
0x58: {  	_ =	shalt  }
0x59: {  	_ =	shalt  }
0x5a: {  	_ =	shalt  }
0x5b: {  	_ =	shalt  }
0x5c: {  	_ =	shalt  }
0x5d: {  	_ =	shalt  }
0x5e: {  	_ =	shalt  }
0x5f: {  	_ =	shalt  }
0x60: {  	_ =	shalt  }
0x61: {  	_ =	shalt  }
0x62: {  	_ =	shalt  }
0x63: {  	_ =	shalt  }
0x64: {  	_ =	shalt  }
0x65: {  	_ =	shalt  }
0x66: {  	_ =	shalt  }
0x67: {  	_ =	shalt  }
0x68: {  	_ =	shalt  }
0x69: {  	_ =	shalt  }
0x6a: {  	_ =	shalt  }
0x6b: {  	_ =	shalt  }
0x6c: {  	_ =	shalt  }
0x6d: {  	_ =	shalt  }
0x6e: {  	_ =	shalt  }
0x6f: {  	_ =	shalt  }
0x70: {  	_ =	shalt  }
0x71: {  	_ =	shalt  }
0x72: {  	_ =	shalt  }
0x73: {  	_ =	shalt  }
0x74: {  	_ =	shalt  }
0x75: {  	_ =	shalt  }
0x76: {  	_ =	shalt  }
0x77: {  	_ =	shalt  }
0x78: {  	_ =	shalt  }
0x79: {  	_ =	shalt  }
0x7a: {  	_ =	shalt  }
0x7b: {  	_ =	shalt  }
0x7c: {  	_ =	shalt  }
0x7d: {  	_ =	shalt  }
0x7e: {  	_ =	shalt  }
0x7f: {  	_ =	shalt  }
0x80: {  	_ =	shalt  }
0x81: {  	_ =	shalt  }
0x82: {  	_ =	shalt  }
0x83: {  	_ =	shalt  }
0x84: {  	_ =	shalt  }
0x85: {  	_ =	shalt  }
0x86: {  	_ =	shalt  }
0x87: {  	_ =	shalt  }
.Lfunc_end0:
.L_simem_size_0:
called_computation.1_lowered:
.L_overlay_start_0:
0x88: {  	s2 =	sld [smem:$0x3FD9]  }
0x89: {  	s3 =	sld [smem:$0x3FFE];
	_ =	sdelay $0x1  }
0x8a: {  	s1 =	srdreg.scid  }
0x8b: {  	s0 =	sand.u32 $0x1, s1  }
0x8c: {  	s16 =	sshll.u32 s0, $0xA;
	s2 =	sadd.s32 s3, s2  }
0x8d: {  	s2 =	sadd.s32 s2, s16  }
0x8e: {  	[smem:$0x3FC6] =	sst s2  }
0x8f: {  	_ = 	snop  }
0x90: {  	(tm) =	ssettm $0x1  }
0x91: {  	s17 =	sld [smem:$0x3FFB];
	_ =	sdelay $0x3  }
0x92: {  	_ =	strace s17  }
0x93: {  	s2 =	sld [smem:$0x3FFC];
	_ =	sdelay $0x3  }
0x94: {  	_ =	strace s2  }
0x95: {  	s2 =	sld [smem:$0x3FFD];
	_ =	sdelay $0x3  }
0x96: {  	_ =	strace s2  }
0x97: {  	_ =	strace $0x8FFFFFFF  }
0x98: {  	s18 =	sld [smem:$0x3FDB];
	_ =	sdelay $0x1  }
0x99: {  	s19 =	simm.s32 $_scs_section_size  }
0x9a: {  	s4 =	simm.s32 $_size__tile_overlayer_lowered;
	s5 =	simm.s32 $_tile_overlayer_lowered  }
0x9b: {  	s22 =	simm.s32 $0x1BFF;
	s21 =	sshll.u32 s5, $0x1;
	s2 =	sadd.s32 s19, s18  }
0x9c: {  	s6 =	simm.s32 $0x0;
	s20 =	sshll.u32 s4, $0x1;
	s4 =	sadd.s32 s21, s2  }
0x9d: {  	[timem:s6], [sflag:s22] =	dma.local [hbm:s4], s20  }
0x9e: {  	_ =	swait.ge [sflag:s22], s20  }
0x9f: {  	s3 =	ssub.s32 $0x0, s20;
	[sflag:s22] =	ssyncset.done $0x0  }
0xa0: {  	[sflag:s22] =	ssyncadd.s32 s3;
	_ =	sdelay $0x1  }
0xa1: {  	s23 =	simm.s32 $0x1B8B  }
0xa2: {  	_ =	swait.ge [sflag:s23], $0x1  }
0xa3: {  	[sflag:s23] =	ssyncset.done $0x0  }
0xa4: {  	s25 =	simm.s32 $0x1B8E;
	s24 =	sld [smem:$0x3FFE];
	[sflag:s23] =	ssyncadd.s32 $0xFFFFFFFF  }
0xa5: {  	s26 =	simm.s32 $execute0_lowered;
	[smem:$0x3FD2] =	sst s25  }
0xa6: {  	s4 =	sshll.u32 s26, $0x1;
	_ =	strace $0x80000049;
	[dreg:$0x1] =	wrdreg $0xFFFFFFFF  }
0xa7: {  	s28 =	simm.s32 $_size_execute0_lowered;
	s2 =	sadd.s32 s2, s4;
	[dreg:$0x0] =	wrdreg $0x0  }
0xa8: {  	s4 =	sshll.u32 s28, $0x1;
	[dreg:$0x2] =	wrdreg s2  }
0xa9: {  	[dreg:$0x3] =	wrdreg s4  }
0xaa: {  	[dreg:$0x4] =	wrdreg $0xC0  }
0xab: {  	_ =	task [dreg:s6], $0x5FFFF  }
0xac: {  	[dreg:$0x1] =	wrdreg $0xFFFFFFFF  }
0xad: {  	[dreg:$0x0] =	wrdreg $0x60  }
0xae: {  	[dreg:$0x2] =	wrdreg s24  }
0xaf: {  	[dreg:$0x3] =	wrdreg $0x9  }
0xb0: {  	_ =	task.clear_ibuf [dreg:s6], $0x4FFFF;
	_ =	strace $0x90000049  }
0xb1: {  	s29 =	simm.s32 $0x9;
	_ =	strace $0x8000004B  }
0xb2: {  	_ =	swait.ge [sflag:s29], $0x1  }
0xb3: {  	[sflag:s29] =	ssyncadd.s32 $0xFFFFFFFF  }
0xb4: {  	_ =	strace $0x9000004B  }
0xb5: {  	_ =	sfence  }
0xb6: {  	s30 =	sld [smem:$0x0];
	_ =	sdelay $0x2  }
0xb7: {  	s31 =	sshll.u32 s1, $0xD;
	s1 =	sshrl.u32 s1, $0x2  }
0xb8: {  	s3 =	sand.u32 $0x4000, s31;
	s1 =	sadd.s32 s1, s30  }
0xb9: {  	s0 =	sor.u32 s3, s0;
	s1 =	sshll.u32 s1, $0x11  }
0xba: {  	s0 =	sor.u32 s1, s0  }
0xbb: {  	s0 =	sadd.s32 $0x8F2B, s0  }
0xbc: {  	[sflag:s0] =	ssyncadd.remote.s32 $0x1  }
0xbd: {  	_ =	sfence.sel $0xFFFF  }
0xbe: {  	[dreg:$0x0] =	wrdreg $0xFFFFFFFF;
	(pc) =	sbr.abs _section_cstart, $3  }
0xbf: {  	[dreg:$0x1] =	wrdreg $0xFFFFFFFF  }
0xc0: {  	_ =	task.clear_ibuf [dreg:s6], $0x2FFFF;
	_ =	strace $0x9FFFFFFF  }
0xc1: {  	(tm) =	ssettm $0x7FFFFFFF  }
tec
execute0_lowered:
.L_overlay_start_1:
0x0: {  	(tag) =	ssettag $0x1  }
0x1: {  	s0 =	srdreg.scid  }
0x2: {  	s4 =	stileid.u32;
	s2 =	rddreg [dreg:$0x0]  }
0x3: {  	s3 =	simm.s32 $0x0;
	s0 =	sand.u32 $0x1, s0;
	s1 =	sshll.u32 s4, $0x1  }
0x4: {  	[smem:$0x7FF] =	sst s3;
	s6 =	sshrl.u32 s4, $0x2;
	s1 =	sor.u32 s0, s1  }
0x5: {  	s7 =	ssub.s32 $0x2, s0;
	s14 =	smul.u32 $0x4C0000, s6;
	_ =	strace $0x8000004A  }
0x6: {  	s12 =	sshll.u32 s6, $0x12;
	s5 =	smul.u32 $0x6, s1;
	s26 =	sshll.u32 s1, $0xF  }
0x7: {  	s30 =	sshrl.u32 s7, $0x1;
	[dreg:$0x3] =	wrdreg s12;
	s9 =	sand.u32 $0x38000, s26  }
0x8: {  	s4 =	sadd.s32 $0x40000, s14;
	s8 =	sadd.s32 $0x80000, s14;
	s10 =	sadd.s32 $0xC0000, s14  }
0x9: {  	s17 =	sadd.s32 $0x100000, s14;
	s19 =	sadd.s32 $0x140000, s14;
	s20 =	sadd.s32 $0x180000, s14  }
0xa: {  	s28 =	sadd.s32 $0x2C0000, s14;
	s29 =	sadd.s32 $0x300000, s14;
	s0 =	sadd.s32 s5, s2  }
0xb: {  	s5 =	ssub.s32 s7, s30;
	s31 =	sor.u32 s14, s9;
	[dreg:$0x7] =	wrdreg s4  }
0xc: {  	s7 =	sor.u32 s4, s9;
	[dreg:$0x9] =	wrdreg s8;
	s6 =	sor.u32 s8, s9  }
0xd: {  	s15 =	smov.u32 s10;
	s13 =	sor.u32 s10, s9;
	s10 =	smov.u32 s17  }
0xe: {  	s18 =	sor.u32 s17, s9;
	s4 =	smov.u32 s20;
	s22 =	sor.u32 s20, s9  }
0xf: {  	[dreg:$0x2] =	wrdreg s9;
	s1 =	sshrl.u32 s31, $0x3;
	s11 =	sshrl.u32 s6, $0x3  }
0x10: {  	s16 =	sshrl.u32 s13, $0x3;
	s6 =	sor.u32 s19, s9;
	s23 =	sshrl.u32 s22, $0x3  }
0x11: {  	s22 =	sadd.s32 $0x240000, s14;
	s0 =	sadd.s32 $0x280000, s0;
	s1 =	sadd.s32 s2, s1  }
0x12: {  	s21 =	sshrl.u32 s6, $0x3;
	[dreg:$0x4] =	wrdreg s1;
	s1 =	sshrl.u32 s7, $0x3  }
0x13: {  	s30 =	sor.u32 s22, s9;
	[dreg:$0x1b] =	wrdreg s0;
	s1 =	sadd.s32 s2, s1  }
0x14: {  	s31 =	sshrl.u32 s30, $0x3;
	[dreg:$0x5] =	wrdreg s1;
	s1 =	sadd.s32 s2, s11  }
0x15: {  	s7 =	sor.u32 s28, s9;
	[dreg:$0x6] =	wrdreg s1;
	s1 =	sadd.s32 s2, s16  }
0x16: {  	s8 =	sshrl.u32 s7, $0x3;
	[dreg:$0x8] =	wrdreg s1;
	s1 =	sshrl.u32 s18, $0x3  }
0x17: {  	s16 =	smov.u32 s19;
	s19 =	sadd.s32 $0x1C0000, s14;
	s1 =	sadd.s32 s2, s1  }
0x18: {  	s24 =	sor.u32 s19, s9;
	[dreg:$0xa] =	wrdreg s1;
	s1 =	sadd.s32 s2, s21  }
0x19: {  	s21 =	sadd.s32 $0x200000, s14;
	[dreg:$0xb] =	wrdreg s1;
	s1 =	sadd.s32 s2, s23  }
0x1a: {  	s25 =	sor.u32 s21, s9;
	[dreg:$0xc] =	wrdreg s1;
	s1 =	sshrl.u32 s24, $0x3  }
0x1b: {  	s11 =	sor.u32 s29, s9;
	s26 =	sshrl.u32 s25, $0x3;
	s1 =	sadd.s32 s2, s1  }
0x1c: {  	s25 =	sadd.s32 $0x280000, s14;
	[dreg:$0xd] =	wrdreg s1;
	s1 =	sadd.s32 s2, s26  }
0x1d: {  	s6 =	sor.u32 s25, s9;
	[dreg:$0xe] =	wrdreg s1;
	s1 =	sadd.s32 s2, s31  }
0x1e: {  	[dreg:$0xf] =	wrdreg s1;
	s1 =	sshrl.u32 s6, $0x3;
	s6 =	sshrl.u32 s11, $0x3  }
0x1f: {  	s11 =	sadd.s32 $0x3C0000, s14;
	s1 =	sadd.s32 s2, s1;
	s6 =	sadd.s32 s2, s6  }
0x20: {  	s20 =	sor.u32 s11, s9;
	[dreg:$0x10] =	wrdreg s1;
	s1 =	sadd.s32 s2, s8  }
0x21: {  	[dreg:$0x12] =	wrdreg s6;
	s8 =	sadd.s32 $0x380000, s14;
	s23 =	sshrl.u32 s20, $0x3  }
0x22: {  	s20 =	sadd.s32 $0x440000, s14;
	[dreg:$0x11] =	wrdreg s1;
	s1 =	sadd.s32 $0x340000, s14  }
0x23: {  	s17 =	sor.u32 s8, s9;
	s26 =	sor.u32 s20, s9;
	s13 =	sor.u32 s1, s9  }
0x24: {  	s18 =	sshrl.u32 s17, $0x3;
	s17 =	sadd.s32 $0x400000, s14;
	s6 =	sshrl.u32 s13, $0x3  }
0x25: {  	s30 =	sshrl.u32 s26, $0x3;
	s26 =	sadd.s32 $0x260000, s2;
	s6 =	sadd.s32 s2, s6  }
0x26: {  	s24 =	sor.u32 s17, s9;
	[dreg:$0x13] =	wrdreg s6;
	s6 =	sadd.s32 s2, s18  }
0x27: {  	s13 =	smov.u32 s14;
	[dreg:$0x14] =	wrdreg s6;
	s6 =	sadd.s32 s2, s23  }
0x28: {  	s23 =	sadd.s32 $0x480000, s14;
	[dreg:$0x15] =	wrdreg s6;
	s6 =	sshrl.u32 s24, $0x3  }
0x29: {  	[dreg:$0x19] =	wrdreg s26;
	s31 =	sor.u32 s23, s9;
	s6 =	sadd.s32 s2, s6  }
0x2a: {  	s14 =	sshrl.u32 s31, $0x3;
	s31 =	sadd.s32 $0x260100, s2;
	[dreg:$0x16] =	wrdreg s6  }
0x2b: {  	s0 =	simm.s32 $0x1;
	s6 =	sadd.s32 s2, s30;
	[dreg:$0x1d] =	wrdreg s31  }
0x2c: {  	s18 =	sor.u32 s12, s9;
	s30 =	smax.u32 s5, $0x1;
	[dreg:$0x17] =	wrdreg s6  }
0x2d: {  	s24 =	sshrl.u32 s18, $0x3;
	s6 =	sadd.s32 s2, s14;
	[dreg:$0x1c] =	wrdreg s30  }
0x2e: {  	s7 =	simm.s32 $0x0;
	[dreg:$0x18] =	wrdreg s6;
	s6 =	sadd.s32 s26, s24  }
0x2f: {  	v0 =	vlaneseq.u32;
	v1 =	vimm.f32 $0.0e+00;
	s12 =	simm.s32 $0x2;
	s26 =	simm.s32 $0x9800;
	[dreg:$0x1a] =	wrdreg s6  }
.LBB2_1:
0x30: {  	[dreg:$0x1e] =	wrdreg s7  }
0x31: {  	s5 =	rddreg [dreg:$0x4]  }
0x32: {  	[tilespmem:s3], [sflag:$0x1] =	stream.linear.gather [hbm4b:s5+s3], $0x800, $0x38;
	[tilespmem:$0x14080] =	vst v63  }
0x33: {  	s14 =	rddreg [dreg:$0x5];
	s6 =	simm.s32 $0x800  }
0x34: {  	[tilespmem:s6], [sflag:$0x1] =	stream.linear.gather [hbm4b:s14+s3], $0x800, $0x38;
	[tilespmem:$0x14080] =	vst v63  }
0x35: {  	s18 =	rddreg [dreg:$0x6];
	s24 =	simm.s32 $0x1000  }
0x36: {  	[tilespmem:s24], [sflag:$0x1] =	stream.linear.gather [hbm4b:s18+s3], $0x800, $0x38;
	[tilespmem:$0x14080] =	vst v63  }
0x37: {  	s30 =	rddreg [dreg:$0x8];
	s31 =	simm.s32 $0x1800  }
0x38: {  	[tilespmem:s31], [sflag:$0x1] =	stream.linear.gather [hbm4b:s30+s3], $0x800, $0x38;
	[tilespmem:$0x14080] =	vst v63  }
0x39: {  	s7 =	simm.s32 $0x2000;
	s6 =	rddreg [dreg:$0xa]  }
0x3a: {  	[tilespmem:s7], [sflag:$0x1] =	stream.linear.gather [hbm4b:s6+s3], $0x800, $0x38;
	[tilespmem:$0x14080] =	vst v63  }
0x3b: {  	s9 =	rddreg [dreg:$0xb];
	s14 =	simm.s32 $0x2800  }
0x3c: {  	[tilespmem:s14], [sflag:$0x1] =	stream.linear.gather [hbm4b:s9+s3], $0x800, $0x38;
	[tilespmem:$0x14080] =	vst v63  }
0x3d: {  	s18 =	rddreg [dreg:$0xc];
	s24 =	simm.s32 $0x3000  }
0x3e: {  	[tilespmem:s24], [sflag:$0x1] =	stream.linear.gather [hbm4b:s18+s3], $0x800, $0x38;
	[tilespmem:$0x14080] =	vst v63  }
0x3f: {  	s30 =	rddreg [dreg:$0xd];
	s31 =	simm.s32 $0x3800  }
0x40: {  	[tilespmem:s31], [sflag:$0x1] =	stream.linear.gather [hbm4b:s30+s3], $0x800, $0x38;
	[tilespmem:$0x14080] =	vst v63  }
0x41: {  	s6 =	rddreg [dreg:$0xe];
	s7 =	simm.s32 $0x4000  }
0x42: {  	[tilespmem:s7], [sflag:$0x1] =	stream.linear.gather [hbm4b:s6+s3], $0x800, $0x38;
	[tilespmem:$0x14080] =	vst v63  }
0x43: {  	s9 =	rddreg [dreg:$0xf];
	s14 =	simm.s32 $0x4800  }
0x44: {  	[tilespmem:s14], [sflag:$0x1] =	stream.linear.gather [hbm4b:s9+s3], $0x800, $0x38;
	[tilespmem:$0x14080] =	vst v63  }
0x45: {  	s18 =	rddreg [dreg:$0x10];
	s24 =	simm.s32 $0x5000  }
0x46: {  	[tilespmem:s24], [sflag:$0x1] =	stream.linear.gather [hbm4b:s18+s3], $0x800, $0x38;
	[tilespmem:$0x14080] =	vst v63  }
0x47: {  	s30 =	rddreg [dreg:$0x11];
	s31 =	simm.s32 $0x5800  }
0x48: {  	[tilespmem:s31], [sflag:$0x1] =	stream.linear.gather [hbm4b:s30+s3], $0x800, $0x38;
	[tilespmem:$0x14080] =	vst v63  }
0x49: {  	s6 =	rddreg [dreg:$0x12];
	s7 =	simm.s32 $0x6000  }
0x4a: {  	[tilespmem:s7], [sflag:$0x1] =	stream.linear.gather [hbm4b:s6+s3], $0x800, $0x38;
	[tilespmem:$0x14080] =	vst v63  }
0x4b: {  	s9 =	rddreg [dreg:$0x13];
	s14 =	simm.s32 $0x6800  }
0x4c: {  	[tilespmem:s14], [sflag:$0x1] =	stream.linear.gather [hbm4b:s9+s3], $0x800, $0x38;
	[tilespmem:$0x14080] =	vst v63  }
0x4d: {  	s18 =	rddreg [dreg:$0x14];
	s24 =	simm.s32 $0x7000  }
0x4e: {  	[tilespmem:s24], [sflag:$0x1] =	stream.linear.gather [hbm4b:s18+s3], $0x800, $0x38;
	[tilespmem:$0x14080] =	vst v63  }
0x4f: {  	s30 =	rddreg [dreg:$0x15];
	s31 =	simm.s32 $0x7800  }
0x50: {  	[tilespmem:s31], [sflag:$0x1] =	stream.linear.gather [hbm4b:s30+s3], $0x800, $0x38;
	[tilespmem:$0x14080] =	vst v63  }
0x51: {  	s6 =	rddreg [dreg:$0x16];
	s7 =	simm.s32 $0x8000  }
0x52: {  	[tilespmem:s7], [sflag:$0x1] =	stream.linear.gather [hbm4b:s6+s3], $0x800, $0x38;
	[tilespmem:$0x14080] =	vst v63  }
0x53: {  	s9 =	rddreg [dreg:$0x17];
	s14 =	simm.s32 $0x8800  }
0x54: {  	[tilespmem:s14], [sflag:$0x1] =	stream.linear.gather [hbm4b:s9+s3], $0x800, $0x38;
	[tilespmem:$0x14080] =	vst v63  }
0x55: {  	s18 =	rddreg [dreg:$0x18];
	s24 =	simm.s32 $0x9000  }
0x56: {  	[tilespmem:s24], [sflag:$0x1] =	stream.linear.gather [hbm4b:s18+s3], $0x800, $0x38;
	[tilespmem:$0x14080] =	vst v63  }
0x57: {  	s30 =	rddreg [dreg:$0x1a];
	s31 =	simm.s32 $0x13000;
	s14 =	simm.s32 $0x0  }
0x58: {  	v4 =	vimm.f32 $0.0e+00;
	v2 =	vimm.f32 $0.0e+00;
	v3 =	vimm.f32 $0.0e+00;
	[tilespmem:s31], [sflag:$0x1] =	stream.linear.gather [hbm4b:s30+s3], $0x800, $0x38;
	[tilespmem:$0x14080] =	vst v63  }
.LBB2_2:
0x59: {  	s5 =	sshll.u32 s14, $0xC;
	s6 =	rddreg [dreg:$0x2]  }
0x5a: {  	s24 =	sadd.s32 s6, s5  }
0x5b: {  	s5 =	sor.u32 $0x800, s24  }
0x5c: {  	s9 =	sor.u32 s13, s5  }
0x5d: {  	s6 =	sshrl.u32 s9, $0x3  }
0x5e: {  	s18 =	rddreg [dreg:$0x7];
	s7 =	sadd.s32 s2, s6;
	s6 =	simm.s32 $0x0  }
0x5f: {  	[tilespmem:s26], [sflag:$0x2] =	stream.linear.gather [hbm4b:s7+s6], $0x800, $0x38;
	[tilespmem:$0x14080] =	vst v63  }
0x60: {  	s7 =	sor.u32 s18, s5  }
0x61: {  	s7 =	sshrl.u32 s7, $0x3  }
0x62: {  	s9 =	simm.s32 $0xA000;
	s7 =	sadd.s32 s2, s7  }
0x63: {  	[tilespmem:s9], [sflag:$0x2] =	stream.linear.gather [hbm4b:s7+s6], $0x800, $0x38;
	[tilespmem:$0x14080] =	vst v63  }
0x64: {  	s9 =	rddreg [dreg:$0x9]  }
0x65: {  	s7 =	sor.u32 s9, s5  }
0x66: {  	s7 =	sshrl.u32 s7, $0x3  }
0x67: {  	s18 =	simm.s32 $0xA800;
	s9 =	sor.u32 s15, s5;
	s7 =	sadd.s32 s2, s7  }
0x68: {  	[tilespmem:s18], [sflag:$0x2] =	stream.linear.gather [hbm4b:s7+s6], $0x800, $0x38;
	[tilespmem:$0x14080] =	vst v63  }
0x69: {  	s7 =	sshrl.u32 s9, $0x3  }
0x6a: {  	s18 =	simm.s32 $0xB000;
	s9 =	sor.u32 s10, s5;
	s7 =	sadd.s32 s2, s7  }
0x6b: {  	[tilespmem:s18], [sflag:$0x2] =	stream.linear.gather [hbm4b:s7+s6], $0x800, $0x38;
	[tilespmem:$0x14080] =	vst v63  }
0x6c: {  	s7 =	sshrl.u32 s9, $0x3  }
0x6d: {  	s18 =	simm.s32 $0xB800;
	s9 =	sor.u32 s16, s5;
	s7 =	sadd.s32 s2, s7  }
0x6e: {  	[tilespmem:s18], [sflag:$0x2] =	stream.linear.gather [hbm4b:s7+s6], $0x800, $0x38;
	[tilespmem:$0x14080] =	vst v63  }
0x6f: {  	s7 =	sshrl.u32 s9, $0x3  }
0x70: {  	s18 =	simm.s32 $0xC000;
	s9 =	sor.u32 s4, s5;
	s7 =	sadd.s32 s2, s7  }
0x71: {  	[tilespmem:s18], [sflag:$0x2] =	stream.linear.gather [hbm4b:s7+s6], $0x800, $0x38;
	[tilespmem:$0x14080] =	vst v63  }
0x72: {  	s7 =	sshrl.u32 s9, $0x3  }
0x73: {  	s18 =	simm.s32 $0xC800;
	s9 =	sor.u32 s19, s5;
	s7 =	sadd.s32 s2, s7  }
0x74: {  	[tilespmem:s18], [sflag:$0x2] =	stream.linear.gather [hbm4b:s7+s6], $0x800, $0x38;
	[tilespmem:$0x14080] =	vst v63  }
0x75: {  	s7 =	sshrl.u32 s9, $0x3  }
0x76: {  	s18 =	simm.s32 $0xD000;
	s9 =	sor.u32 s21, s5;
	s7 =	sadd.s32 s2, s7  }
0x77: {  	[tilespmem:s18], [sflag:$0x2] =	stream.linear.gather [hbm4b:s7+s6], $0x800, $0x38;
	[tilespmem:$0x14080] =	vst v63  }
0x78: {  	s7 =	sshrl.u32 s9, $0x3  }
0x79: {  	s18 =	simm.s32 $0xD800;
	s9 =	sor.u32 s22, s5;
	s7 =	sadd.s32 s2, s7  }
0x7a: {  	[tilespmem:s18], [sflag:$0x2] =	stream.linear.gather [hbm4b:s7+s6], $0x800, $0x38;
	[tilespmem:$0x14080] =	vst v63  }
0x7b: {  	s7 =	sshrl.u32 s9, $0x3  }
0x7c: {  	s18 =	simm.s32 $0xE000;
	s9 =	sor.u32 s25, s5;
	s7 =	sadd.s32 s2, s7  }
0x7d: {  	[tilespmem:s18], [sflag:$0x2] =	stream.linear.gather [hbm4b:s7+s6], $0x800, $0x38;
	[tilespmem:$0x14080] =	vst v63  }
0x7e: {  	s7 =	sshrl.u32 s9, $0x3  }
0x7f: {  	s18 =	simm.s32 $0xE800;
	s9 =	sor.u32 s28, s5;
	s7 =	sadd.s32 s2, s7  }
0x80: {  	[tilespmem:s18], [sflag:$0x2] =	stream.linear.gather [hbm4b:s7+s6], $0x800, $0x38;
	[tilespmem:$0x14080] =	vst v63  }
0x81: {  	s7 =	sshrl.u32 s9, $0x3  }
0x82: {  	s18 =	simm.s32 $0xF000;
	s9 =	sor.u32 s29, s5;
	s7 =	sadd.s32 s2, s7  }
0x83: {  	[tilespmem:s18], [sflag:$0x2] =	stream.linear.gather [hbm4b:s7+s6], $0x800, $0x38;
	[tilespmem:$0x14080] =	vst v63  }
0x84: {  	s7 =	sshrl.u32 s9, $0x3  }
0x85: {  	s18 =	simm.s32 $0xF800;
	s9 =	sor.u32 s1, s5;
	s7 =	sadd.s32 s2, s7  }
0x86: {  	[tilespmem:s18], [sflag:$0x2] =	stream.linear.gather [hbm4b:s7+s6], $0x800, $0x38;
	[tilespmem:$0x14080] =	vst v63  }
0x87: {  	s7 =	sshrl.u32 s9, $0x3  }
0x88: {  	s18 =	simm.s32 $0x10000;
	s9 =	sor.u32 s8, s5;
	s7 =	sadd.s32 s2, s7  }
0x89: {  	[tilespmem:s18], [sflag:$0x2] =	stream.linear.gather [hbm4b:s7+s6], $0x800, $0x38;
	[tilespmem:$0x14080] =	vst v63  }
0x8a: {  	s7 =	sshrl.u32 s9, $0x3  }
0x8b: {  	s18 =	simm.s32 $0x10800;
	s9 =	sor.u32 s11, s5;
	s7 =	sadd.s32 s2, s7  }
0x8c: {  	[tilespmem:s18], [sflag:$0x2] =	stream.linear.gather [hbm4b:s7+s6], $0x800, $0x38;
	[tilespmem:$0x14080] =	vst v63  }
0x8d: {  	s7 =	sshrl.u32 s9, $0x3  }
0x8e: {  	s18 =	simm.s32 $0x11000;
	s9 =	sor.u32 s17, s5;
	s7 =	sadd.s32 s2, s7  }
0x8f: {  	[tilespmem:s18], [sflag:$0x2] =	stream.linear.gather [hbm4b:s7+s6], $0x800, $0x38;
	[tilespmem:$0x14080] =	vst v63  }
0x90: {  	s7 =	sshrl.u32 s9, $0x3;
	s18 =	simm.s32 $0x11800  }
0x91: {  	s9 =	sor.u32 s20, s5;
	s5 =	sor.u32 s23, s5;
	s7 =	sadd.s32 s2, s7  }
0x92: {  	[tilespmem:s18], [sflag:$0x2] =	stream.linear.gather [hbm4b:s7+s6], $0x800, $0x38;
	[tilespmem:$0x14080] =	vst v63  }
0x93: {  	s5 =	sshrl.u32 s5, $0x3;
	s7 =	sshrl.u32 s9, $0x3  }
0x94: {  	s18 =	simm.s32 $0x12000;
	s9 =	rddreg [dreg:$0x3];
	s7 =	sadd.s32 s2, s7  }
0x95: {  	[tilespmem:s18], [sflag:$0x2] =	stream.linear.gather [hbm4b:s7+s6], $0x800, $0x38;
	[tilespmem:$0x14080] =	vst v63  }
0x96: {  	s5 =	sadd.s32 s2, s5;
	s7 =	sadd.s32 s24, s9  }
0x97: {  	s18 =	simm.s32 $0x12800;
	s31 =	sshrl.u32 s7, $0x3;
	s7 =	rddreg [dreg:$0x1d]  }
0x98: {  	[tilespmem:s18], [sflag:$0x2] =	stream.linear.gather [hbm4b:s5+s6], $0x800, $0x38;
	[tilespmem:$0x14080] =	vst v63  }
0x99: {  	s9 =	simm.s32 $0x13800;
	s5 =	sadd.s32 s31, s7  }
0x9a: {  	[tilespmem:s9], [sflag:$0x2] =	stream.linear.gather [hbm4b:s5+s6], $0x800, $0x38;
	[tilespmem:$0x14080] =	vst v63  }
0x9b: {  	_ =	swait.ge [sflag:s0], $0x800  }
0x9c: {  	[sflag:s0] =	ssyncset.done $0x0  }
0x9d: {  	[sflag:s0] =	ssyncadd.s32 $0xFFFFF800  }
0x9e: {  	_ =	swait.ge [sflag:s0], $0x800  }
0x9f: {  	[sflag:s0] =	ssyncset.done $0x0  }
0xa0: {  	[sflag:s0] =	ssyncadd.s32 $0xFFFFF800  }
0xa1: {  	_ =	swait.ge [sflag:s0], $0x800  }
0xa2: {  	[sflag:s0] =	ssyncset.done $0x0  }
0xa3: {  	[sflag:s0] =	ssyncadd.s32 $0xFFFFF800  }
0xa4: {  	_ =	swait.ge [sflag:s0], $0x800  }
0xa5: {  	[sflag:s0] =	ssyncset.done $0x0  }
0xa6: {  	[sflag:s0] =	ssyncadd.s32 $0xFFFFF800  }
0xa7: {  	_ =	swait.ge [sflag:s0], $0x800  }
0xa8: {  	[sflag:s0] =	ssyncset.done $0x0  }
0xa9: {  	[sflag:s0] =	ssyncadd.s32 $0xFFFFF800  }
0xaa: {  	_ =	swait.ge [sflag:s0], $0x800  }
0xab: {  	[sflag:s0] =	ssyncset.done $0x0  }
0xac: {  	[sflag:s0] =	ssyncadd.s32 $0xFFFFF800  }
0xad: {  	_ =	swait.ge [sflag:s0], $0x800  }
0xae: {  	[sflag:s0] =	ssyncset.done $0x0  }
0xaf: {  	[sflag:s0] =	ssyncadd.s32 $0xFFFFF800  }
0xb0: {  	_ =	swait.ge [sflag:s0], $0x800  }
0xb1: {  	[sflag:s0] =	ssyncset.done $0x0  }
0xb2: {  	[sflag:s0] =	ssyncadd.s32 $0xFFFFF800  }
0xb3: {  	_ =	swait.ge [sflag:s0], $0x800  }
0xb4: {  	[sflag:s0] =	ssyncset.done $0x0  }
0xb5: {  	[sflag:s0] =	ssyncadd.s32 $0xFFFFF800  }
0xb6: {  	_ =	swait.ge [sflag:s0], $0x800  }
0xb7: {  	[sflag:s0] =	ssyncset.done $0x0  }
0xb8: {  	[sflag:s0] =	ssyncadd.s32 $0xFFFFF800  }
0xb9: {  	_ =	swait.ge [sflag:s0], $0x800  }
0xba: {  	[sflag:s0] =	ssyncset.done $0x0  }
0xbb: {  	[sflag:s0] =	ssyncadd.s32 $0xFFFFF800  }
0xbc: {  	_ =	swait.ge [sflag:s0], $0x800  }
0xbd: {  	[sflag:s0] =	ssyncset.done $0x0  }
0xbe: {  	[sflag:s0] =	ssyncadd.s32 $0xFFFFF800  }
0xbf: {  	_ =	swait.ge [sflag:s0], $0x800  }
0xc0: {  	[sflag:s0] =	ssyncset.done $0x0  }
0xc1: {  	[sflag:s0] =	ssyncadd.s32 $0xFFFFF800  }
0xc2: {  	_ =	swait.ge [sflag:s0], $0x800  }
0xc3: {  	[sflag:s0] =	ssyncset.done $0x0  }
0xc4: {  	[sflag:s0] =	ssyncadd.s32 $0xFFFFF800  }
0xc5: {  	_ =	swait.ge [sflag:s0], $0x800  }
0xc6: {  	[sflag:s0] =	ssyncset.done $0x0  }
0xc7: {  	[sflag:s0] =	ssyncadd.s32 $0xFFFFF800  }
0xc8: {  	_ =	swait.ge [sflag:s0], $0x800  }
0xc9: {  	[sflag:s0] =	ssyncset.done $0x0  }
0xca: {  	[sflag:s0] =	ssyncadd.s32 $0xFFFFF800  }
0xcb: {  	_ =	swait.ge [sflag:s0], $0x800  }
0xcc: {  	[sflag:s0] =	ssyncset.done $0x0  }
0xcd: {  	[sflag:s0] =	ssyncadd.s32 $0xFFFFF800  }
0xce: {  	_ =	swait.ge [sflag:s0], $0x800  }
0xcf: {  	[sflag:s0] =	ssyncset.done $0x0  }
0xd0: {  	[sflag:s0] =	ssyncadd.s32 $0xFFFFF800  }
0xd1: {  	_ =	swait.ge [sflag:s0], $0x800  }
0xd2: {  	[sflag:s0] =	ssyncset.done $0x0  }
0xd3: {  	[sflag:s0] =	ssyncadd.s32 $0xFFFFF800  }
0xd4: {  	_ =	swait.ge [sflag:s0], $0x800  }
0xd5: {  	[sflag:s0] =	ssyncset.done $0x0  }
0xd6: {  	[sflag:s0] =	ssyncadd.s32 $0xFFFFF800  }
0xd7: {  	s7 =	sand.u32 $0x7F0, s6;
	v5 =	vld [tilespmem:s6+$0x0]  }
0xd8: {  	v9 =	vld [tilespmem:s7+$0x800];
	_ =	sdelay $0x1  }
0xd9: {  	v11 =	vld [tilespmem:s7+$0x1000];
	_ =	sdelay $0x1  }
0xda: {  	v5 =	vmul.f32 $1.442695020e+00, v5  }
0xdb: {  	v13 =	vld [tilespmem:s7+$0x1800];
	v9 =	vmul.f32 $1.442695020e+00, v9  }
0xdc: {  	v14 =	vld [tilespmem:s7+$0x2800];
	(erf) = vpow2.f32 v5  }
0xdd: {  	v16 =	vld [tilespmem:s7+$0x9000];
	v11 =	vmul.f32 $1.442695020e+00, v11;
	(erf) = vpow2.f32 v9  }
0xde: {  	v5 =	vld [tilespmem:s7+$0x2000]  }
0xdf: {  	v6 =	vld [tilespmem:s7+$0x6800];
	(erf) = vpow2.f32 v11  }
0xe0: {  	v7 =	vld [tilespmem:s7+$0x8000];
	v13 =	vmul.f32 $1.442695020e+00, v13  }
0xe1: {  	v8 =	vld [tilespmem:s7+$0x6000];
	v14 =	vmul.f32 $1.442695020e+00, v14  }
0xe2: {  	s5 =	simm.s32 $0x10;
	v16 =	vmul.f32 $1.442695020e+00, v16;
	v11 =	vld [tilespmem:s7+$0x3000];
	(erf) = vpow2.f32 v13  }
0xe3: {  	(erf) = vpow2.f32 v14;
	v14 =	vld [tilespmem:s5+$0x0];
	v5 =	vmul.f32 $1.442695020e+00, v5  }
0xe4: {  	v13 =	vld [tilespmem:s7+$0x3800]  }
0xe5: {  	v10 =	vld [tilespmem:s7+$0x7800];
	(erf) = vpow2.f32 v5;
	v18 =	vpop (erf)  }
0xe6: {  	v12 =	vld [tilespmem:s7+$0x4800];
	(erf) = vpow2.f32 v16;
	v16 =	vpop (erf)  }
0xe7: {  	v17 =	vld [tilespmem:s7+$0x4000];
	v16 =	vadd.f32 v16, v18  }
0xe8: {  	v15 =	vld [tilespmem:s7+$0x7000];
	v11 =	vmul.f32 $1.442695020e+00, v11;
	v14 =	vmul.f32 $1.442695020e+00, v14;
	v22 =	vpop (erf)  }
0xe9: {  	v19 =	vld [tilespmem:s7+$0x5000];
	v13 =	vmul.f32 $1.442695020e+00, v13;
	v16 =	vadd.f32 v22, v16  }
0xea: {  	v9 =	vld [tilespmem:s7+$0x5800];
	(erf) = vpow2.f32 v11  }
0xeb: {  	v5 =	vmul.f32 $1.442695020e+00, v7;
	v7 =	vld [tilespmem:s7+$0x8800];
	s7 =	sand.u32 $0x7F0, s5;
	(erf) = vpow2.f32 v13  }
0xec: {  	v17 =	vmul.f32 $1.442695020e+00, v17;
	v24 =	vld [tilespmem:s7+$0x7800];
	(erf) = vpow2.f32 v14;
	v14 =	vpop (erf)  }
0xed: {  	v12 =	vmul.f32 $1.442695020e+00, v12;
	v11 =	vld [tilespmem:s7+$0x8000];
	v14 =	vadd.f32 v14, v16;
	v16 =	vpop (erf)  }
0xee: {  	v15 =	vmul.f32 $1.442695020e+00, v15;
	v22 =	vld [tilespmem:s7+$0x7000];
	(erf) = vpow2.f32 v17;
	v23 =	vpop (erf)  }
0xef: {  	v6 =	vmul.f32 $1.442695020e+00, v6;
	v17 =	vld [tilespmem:s7+$0x4000];
	(erf) = vpow2.f32 v5;
	v14 =	vadd.f32 v23, v14  }
0xf0: {  	v5 =	vmul.f32 $1.442695020e+00, v19;
	(erf) = vpow2.f32 v12;
	v12 =	vld [tilespmem:s7+$0x800]  }
0xf1: {  	v9 =	vmul.f32 $1.442695020e+00, v9;
	(erf) = vpow2.f32 v6  }
0xf2: {  	v25 =	vmul.f32 $1.442695020e+00, v11;
	v11 =	vld [tilespmem:s7+$0x1000];
	v26 =	vpop (erf);
	(erf) = vpow2.f32 v5;
	v6 =	vadd.f32 v16, v14  }
0xf3: {  	v8 =	vmul.f32 $1.442695020e+00, v8;
	v23 =	vmul.f32 $1.442695020e+00, v22;
	v5 =	vld [tilespmem:s7+$0x3800];
	v14 =	vpop (erf)  }
0xf4: {  	v22 =	vmul.f32 $1.442695020e+00, v24;
	v16 =	vld [tilespmem:s7+$0x1800];
	(erf) = vpow2.f32 v9;
	v9 =	vadd.f32 v14, v6  }
0xf5: {  	v12 =	vmul.f32 $1.442695020e+00, v12;
	v14 =	vmul.f32 $1.442695020e+00, v17;
	v17 =	vld [tilespmem:s7+$0x2800];
	v24 =	vpop (erf)  }
0xf6: {  	v10 =	vmul.f32 $1.442695020e+00, v10;
	(erf) = vpow2.f32 v8;
	v8 =	vld [tilespmem:s7+$0x2000];
	v6 =	vpop (erf);
	v9 =	vadd.f32 v24, v9  }
0xf7: {  	v11 =	vmul.f32 $1.442695020e+00, v11;
	v27 =	vpop (erf);
	(erf) = vpow2.f32 v12  }
0xf8: {  	v28 =	vmul.f32 $1.442695020e+00, v5;
	v12 =	vld [tilespmem:s7+$0x3000];
	v5 =	vadd.f32 v27, v9;
	v27 =	vpop (erf);
	(erf) = vpow2.f32 v15  }
0xf9: {  	s18 =	simm.s32 $0x13000;
	v9 =	vmul.f32 $1.442695020e+00, v16;
	v16 =	vld [tilespmem:s7+$0x9000];
	v15 =	vpop (erf);
	(erf) = vpow2.f32 v11  }
0xfa: {  	v20 =	vld [tilespmem:s18+$0x0];
	v11 =	vmul.f32 $1.442695020e+00, v17;
	v29 =	vpop (erf);
	(erf) = vpow2.f32 v10  }
0xfb: {  	v21 =	vld [tilespmem:s7+$0x6800];
	v8 =	vmul.f32 $1.442695020e+00, v8;
	v15 =	vadd.f32 v15, v5;
	v10 =	vpop (erf);
	(erf) = vpow2.f32 v9  }
0xfc: {  	v13 =	vld [tilespmem:s7+$0x4800];
	(erf) = vpow2.f32 v11  }
0xfd: {  	v19 =	vld [tilespmem:s7+$0x5800];
	v9 =	vadd.f32 v10, v15;
	v10 =	vpop (erf);
	(erf) = vpow2.f32 v8  }
0xfe: {  	v24 =	vld [tilespmem:s7+$0x6000];
	v8 =	vmul.f32 $1.442695020e+00, v12;
	v12 =	vmul.f32 $1.442695020e+00, v16  }
0xff: {  	s18 =	simm.s32 $0x13010;
	v7 =	vmul.f32 $1.442695020e+00, v7;
	v17 =	vld [tilespmem:s7+$0x8800]  }
0x100: {  	s30 =	simm.s32 $0x20;
	v5 =	vld [tilespmem:s18+$0x0]  }
0x101: {  	s18 =	sand.u32 $0x7F0, s30;
	v11 =	vld [tilespmem:s30+$0x0];
	v30 =	vpop (erf);
	(erf) = vpow2.f32 v7  }
0x102: {  	vm0 =	vne.s32 v20, $0xFF;
	v31 =	vld [tilespmem:s18+$0x6000];
	v9 =	vadd.f32 v10, v9;
	(erf) = vpow2.f32 v12;
	v12 =	vpop (erf)  }
0x103: {  	v33 =	vld [tilespmem:s18+$0x4800];
	v10 =	vshll.u32 v20, $0xB;
	(erf) = vpow2.f32 v8;
	v12 =	vadd.f32 v12, v6;
	v8 =	vpop (erf)  }
0x104: {  	v21 =	vmul.f32 $1.442695020e+00, v21;
	v13 =	vmul.f32 $1.442695020e+00, v13;
	v7 =	vld [tilespmem:s18+$0x8000];
	v10 =	vnsel vm0, $0x0, v10;
	v34 =	vpop (erf)  }
0x105: {  	v60 =	vld [tilespmem:s18+$0x2800];
	v9 =	vadd.f32 v30, v9;
	v10 =	vor.u32 s6, v10;
	v12 =	vadd.f32 v34, v12  }
0x106: {  	v19 =	vmul.f32 $1.442695020e+00, v19;
	v35 =	vld [tilespmem:s18+$0x4000];
	v32 =	vor.u32 v0, v10;
	v11 =	vmul.f32 $1.442695020e+00, v11  }
0x107: {  	v24 =	vmul.f32 $1.442695020e+00, v24;
	v15 =	vld [tilespmem:s7+$0x5000];
	v9 =	vadd.f32 v29, v9;
	(erf) = vpow2.f32 v28;
	v28 =	vpop (erf)  }
0x108: {  	v10 =	vmul.f32 $1.442695020e+00, v17;
	v17 =	vld [tilespmem:s18+$0x7000];
	(erf) = vpow2.f32 v11;
	v57 =	vpop (erf)  }
0x109: {  	v30 =	vld [tilespmem:s18+$0x7800];
	v11 =	vmul.f32 $1.442695020e+00, v7;
	v8 =	vadd.f32 v8, v9;
	v7 =	vadd.f32 v57, v12;
	v12 =	vpop (erf)  }
0x10a: {  	v62 =	vmul.f32 $1.442695020e+00, v60;
	v29 =	vld [tilespmem:s18+$0x5800];
	(erf) = vpow2.f32 v14;
	v14 =	vpop (erf)  }
0x10b: {  	v8 =	vadd.f32 v28, v8;
	v28 =	vld.idx.msk [tilespmem:v32+s3+$0x0], $0xffff;
	(erf) = vpow2.f32 v25;
	v25 =	vadd.f32 v14, v7  }
0x10c: {  	vm1 =	vne.s32 v20, $0x0;
	v58 =	vld [tilespmem:s18+$0x3800];
	v15 =	vmul.f32 $1.442695020e+00, v15;
	(erf) = vpow2.f32 v13;
	v13 =	vpop (erf)  }
0x10d: {  	v59 =	vld [tilespmem:s18+$0x800];
	v7 =	vmul.f32 $1.442695020e+00, v17;
	(erf) = vpow2.f32 v21;
	v14 =	vpop (erf);
	v21 =	vadd.f32 v12, v25  }
0x10e: {  	v16 =	vld [tilespmem:s18+$0x6800];
	v17 =	vadd.f32 v27, v8;
	v8 =	vmul.f32 $1.442695020e+00, v30;
	(erf) = vpow2.f32 v15;
	v30 =	vpop (erf)  }
0x10f: {  	v9 =	vmul.f32 $1.442695020e+00, v33;
	v27 =	vld [tilespmem:s18+$0x1000];
	(erf) = vpow2.f32 v19;
	v19 =	vadd.f32 v30, v21  }
0x110: {  	v28 =	vmul.f32 $1.442695020e+00, v28;
	v25 =	vld [tilespmem:s18+$0x1800];
	v17 =	vadd.f32 v13, v17;
	v12 =	vmul.f32 $1.442695020e+00, v29;
	v29 =	vpop (erf)  }
0x111: {  	v15 =	vmul.f32 $1.442695020e+00, v35;
	(erf) = vpow2.f32 v24;
	v24 =	vld [tilespmem:s18+$0x3000];
	v19 =	vadd.f32 v29, v19  }
0x112: {  	v13 =	vmul.f32 $1.442695020e+00, v31;
	v31 =	vld [tilespmem:s18+$0x2000];
	v21 =	vmul.f32 $1.442695020e+00, v58;
	v26 =	vadd.f32 v26, v17  }
0x113: {  	vm0 =	vmmov vm0;
	v30 =	vmul.f32 $1.442695020e+00, v59;
	v17 =	vmul.f32 $1.442695020e+00, v16;
	v16 =	vpop (erf)  }
0x114: {  	vm2 =	vmand vm0, vm1;
	v27 =	vmul.f32 $1.442695020e+00, v27;
	v29 =	vpop (erf);
	(erf) = vrcp.f32 v26  }
0x115: {  	v61 =	vmul.f32 $1.442695020e+00, v25;
	v29 =	vadd.f32 v29, v19;
	v19 =	vpop (erf);
	(erf) = vpow2.f32 v28  }
0x116: {  	v20 =	vld [tilespmem:s18+$0x8800];
	vm1 =	vne.s32 v5, $0xFF;
	v25 =	vmul.f32 $1.442695020e+00, v24;
	(erf) = vpow2.f32 v30  }
0x117: {  	v32 =	vld [tilespmem:s18+$0x9000];
	v18 =	vsub.f32 v26, v18;
	v28 =	vmul.f32 $1.442695020e+00, v31;
	v26 =	vpop (erf);
	(erf) = vpow2.f32 v23  }
0x118: {  	v30 =	vshll.u32 v5, $0xB;
	v26 =	vadd.f32 v26, v29;
	v24 =	vpop (erf);
	(erf) = vpow2.f32 v27  }
0x119: {  	v23 =	vsel vm2, $0x3F800000, v1;
	v63 =	vnsel vm1, $0x0, v30;
	v29 =	vpop (erf);
	(erf) = vpow2.f32 v22  }
0x11a: {  	s6 =	simm.s32 $0x13020;
	v4 =	vadd.f32 v23, v4;
	v29 =	vadd.f32 v29, v26;
	v31 =	vpop (erf);
	v26 =	vld [tilespmem:s18+$0x5000];
	(erf) = vpow2.f32 v61  }
0x11b: {  	v27 =	vmul.f32 $1.442695020e+00, v20;
	v33 =	vor.u32 s5, v63;
	s5 =	simm.s32 $0x30;
	s18 =	simm.s32 $0x30;
	v22 =	vld [tilespmem:s6+$0x0];
	v30 =	vpop (erf);
	(erf) = vpow2.f32 v62  }
.LBB2_3:
0x11c: {  	s7 =	sand.u32 $0x7F0, s18;
	v32 =	vmul.f32 $1.442695020e+00, v32  }
0x11d: {  	v34 =	vld [tilespmem:s5+$0x0];
	p0 =	sne.s32 s18, $0x7F0;
	(erf) = vpow2.f32 v28;
	v28 =	vor.u32 v0, v33;
	v20 =	vmovc v16;
	v33 =	vmovc v5;
	vm2 =	vmmov vm0;
	s9 =	smov.u32 s18;
	s18 =	sadd.s32 $0x10, s18  }
0x11e: {  	v36 =	vadd.f32 v31, v29;
	v16 =	vld [tilespmem:s7+$0x6800];
	(erf) = vpow2.f32 v10;
	v29 =	vpop (erf);
	v10 =	vmov v27  }
0x11f: {  	vm0 =	vmmov vm1;
	v27 =	vld [tilespmem:s7+$0x8000];
	(erf) = vpow2.f32 v32;
	v18 =	vmul.f32 v29, v18;
	v31 =	vpop (erf)  }
0x120: {  	v30 =	vadd.f32 v30, v36;
	v32 =	vld [tilespmem:s7+$0x6000];
	v35 =	vpop (erf);
	v23 =	vmul.f32 v31, v23;
	v5 =	vmov v22  }
0x121: {  	v22 =	vld [tilespmem:s7+$0x7800];
	v37 =	vadd.f32 v35, v20;
	(erf) = vpow2.f32 v25;
	v25 =	vpop (erf);
	v18 =	vnsel vm2, $0x0, v18  }
0x122: {  	v24 =	vadd.f32 v24, v30;
	v34 =	vmul.f32 $1.442695020e+00, v34;
	v35 =	vld [tilespmem:s7+$0x4800];
	v36 =	vpop (erf);
	v23 =	vmul.f32 v29, v23  }
0x123: {  	v2 =	vadd.f32 v18, v2;
	v29 =	vld [tilespmem:s7+$0x7000];
	v36 =	vadd.f32 v36, v37;
	(erf) = vpow2.f32 v21;
	v21 =	vpop (erf)  }
0x124: {  	v24 =	vadd.f32 v25, v24;
	v18 =	vld [tilespmem:s7+$0x5800];
	(erf) = vpow2.f32 v34;
	v31 =	vpop (erf);
	v3 =	vadd.f32 v23, v3  }
0x125: {  	v25 =	vmul.f32 $1.442695020e+00, v27;
	v23 =	vld [tilespmem:s7+$0x4000];
	v27 =	vadd.f32 v31, v36;
	v30 =	vpop (erf);
	(erf) = vpow2.f32 v15  }
0x126: {  	v15 =	vmul.f32 $1.442695020e+00, v26;
	v37 =	vadd.f32 v21, v24;
	v31 =	vld [tilespmem:s7+$0x3800];
	v26 =	vpop (erf);
	(erf) = vpow2.f32 v11  }
0x127: {  	v21 =	vadd.f32 v26, v27;
	(erf) = vpow2.f32 v9;
	v9 =	vmul.f32 $1.442695020e+00, v35;
	v24 =	vld.idx.msk [tilespmem:v28+s3+$0x0], $0xffff;
	v26 =	vpop (erf)  }
0x128: {  	v27 =	vld [tilespmem:s7+$0x800];
	v34 =	vmul.f32 $1.442695020e+00, v29;
	(erf) = vpow2.f32 v17;
	v35 =	vpop (erf);
	v17 =	vadd.f32 v19, v37  }
0x129: {  	v36 =	vmul.f32 $1.442695020e+00, v22;
	v11 =	vmovc v25;
	v19 =	vld [tilespmem:s7+$0x1000];
	v21 =	vadd.f32 v30, v21;
	(erf) = vpow2.f32 v15  }
0x12a: {  	v22 =	vld [tilespmem:s7+$0x1800];
	v15 =	vmul.f32 $1.442695020e+00, v23;
	v23 =	vpop (erf);
	(erf) = vpow2.f32 v12;
	v17 =	vadd.f32 v26, v17  }
0x12b: {  	v12 =	vmul.f32 $1.442695020e+00, v18;
	v25 =	vld [tilespmem:s7+$0x2800];
	v18 =	vadd.f32 v23, v21;
	(erf) = vpow2.f32 v13  }
0x12c: {  	v21 =	vmul.f32 $1.442695020e+00, v31;
	v13 =	vmul.f32 $1.442695020e+00, v32;
	v23 =	vld [tilespmem:s7+$0x3000];
	v26 =	vpop (erf);
	v14 =	vadd.f32 v14, v17  }
0x12d: {  	v17 =	vmul.f32 $1.442695020e+00, v16;
	v27 =	vmul.f32 $1.442695020e+00, v27;
	v28 =	vld [tilespmem:s7+$0x2000];
	v16 =	vpop (erf);
	v26 =	vadd.f32 v26, v18  }
0x12e: {  	v30 =	vmul.f32 $1.442695020e+00, v24;
	v29 =	vmul.f32 $1.442695020e+00, v19;
	v19 =	vpop (erf);
	v18 =	vsub.f32 v14, v6  }
0x12f: {  	v6 =	vmul.f32 $1.442695020e+00, v22;
	v31 =	vadd.f32 v19, v26;
	v19 =	vpop (erf);
	(erf) = vrcp.f32 v14  }
0x130: {  	vm1 =	vne.s32 v33, $0x0;
	v37 =	vmul.f32 $1.442695020e+00, v25;
	v14 =	vpop (erf);
	(erf) = vpow2.f32 v30  }
0x131: {  	v25 =	vmul.f32 $1.442695020e+00, v23;
	v33 =	vld [tilespmem:s7+$0x8800];
	(erf) = vpow2.f32 v27;
	v14 =	vadd.f32 v14, v31;
	v24 =	vpop (erf)  }
.Ltmp0:
0x132: {  	v26 =	vshll.u32 v5, $0xB;
	v28 =	vmul.f32 $1.442695020e+00, v28;
	v32 =	vld [tilespmem:s7+$0x9000];
	v22 =	vpop (erf);
	(erf) = vpow2.f32 v7;
	(pc) =	sbr.rel @p0 .LBB2_3-.Ltmp0, $4  }
0x133: {  	vm2 =	vmand vm0, vm1;
	(erf) = vpow2.f32 v29;
	v29 =	vadd.f32 v22, v14;
	v31 =	vpop (erf)  }
0x134: {  	s6 =	sadd.s32 $0x10, s6;
	vm1 =	vne.s32 v5, $0xFF;
	v23 =	vsel vm2, $0x3F800000, v1;
	v30 =	vpop (erf);
	(erf) = vpow2.f32 v8  }
0x135: {  	v38 =	vnsel vm1, $0x0, v26;
	v4 =	vadd.f32 v23, v4;
	v7 =	vmovc v34;
	v22 =	vld [tilespmem:s6+$0x0];
	(erf) = vpow2.f32 v6;
	v14 =	vmovc v35  }
0x136: {  	s5 =	sadd.s32 $0x10, s5;
	v8 =	vmovc v36;
	v6 =	vmovc v20;
	v26 =	vld [tilespmem:s7+$0x5000];
	v27 =	vmul.f32 $1.442695020e+00, v33;
	(erf) = vpow2.f32 v37;
	v33 =	vor.u32 s30, v38;
	s30 =	smov.u32 s9  }
0x137: {  	(erf) = vpow2.f32 v28  }
0x138: {  	v20 =	vmul.f32 $1.442695020e+00, v32;
	v28 =	vpop (erf)  }
0x139: {  	v29 =	vadd.f32 v31, v29;
	(erf) = vpow2.f32 v10;
	v10 =	vpop (erf)  }
0x13a: {  	(erf) = vpow2.f32 v20;
	v59 =	vpop (erf)  }
0x13b: {  	v29 =	vadd.f32 v30, v29;
	(erf) = vpow2.f32 v25;
	v20 =	vadd.f32 v59, v16;
	v60 =	vpop (erf)  }
0x13c: {  	v61 =	vpop (erf)  }
0x13d: {  	v24 =	vadd.f32 v24, v29;
	(erf) = vpow2.f32 v21;
	v20 =	vadd.f32 v61, v20;
	v62 =	vpop (erf)  }
0x13e: {  	v63 =	vor.u32 v0, v33;
	v33 =	vpop (erf)  }
0x13f: {  	v24 =	vadd.f32 v60, v24;
	(erf) = vpow2.f32 v15;
	v20 =	vadd.f32 v33, v20;
	v34 =	vpop (erf)  }
0x140: {  	v35 =	vmul.f32 $1.442695020e+00, v26;
	(erf) = vpow2.f32 v11;
	v36 =	vpop (erf)  }
0x141: {  	v37 =	vadd.f32 v62, v24;
	(erf) = vpow2.f32 v9;
	v20 =	vadd.f32 v36, v20  }
0x142: {  	v38 =	vpop (erf);
	(erf) = vpow2.f32 v17  }
0x143: {  	v39 =	vld.idx.msk [tilespmem:v63+s3+$0x0], $0xffff;
	v11 =	vadd.f32 v19, v37;
	v40 =	vpop (erf);
	(erf) = vpow2.f32 v35;
	v41 =	vadd.f32 v34, v20  }
0x144: {  	v42 =	vpop (erf)  }
0x145: {  	(erf) = vpow2.f32 v12;
	v9 =	vadd.f32 v38, v11;
	v43 =	vadd.f32 v42, v41  }
0x146: {  	v44 =	vpop (erf)  }
0x147: {  	(erf) = vpow2.f32 v13;
	v9 =	vadd.f32 v14, v9;
	v11 =	vadd.f32 v44, v43  }
0x148: {  	v46 =	vmul.f32 $1.442695020e+00, v39;
	v45 =	vpop (erf)  }
0x149: {  	v47 =	vpop (erf);
	(erf) = vrcp.f32 v9;
	v11 =	vadd.f32 v45, v11  }
0x14a: {  	v48 =	vpop (erf);
	(erf) = vpow2.f32 v46  }
0x14b: {  	v49 =	vpop (erf);
	(erf) = vpow2.f32 v7;
	v11 =	vadd.f32 v48, v11  }
0x14c: {  	v7 =	vpop (erf)  }
0x14d: {  	(erf) = vpow2.f32 v8;
	v7 =	vadd.f32 v7, v11  }
0x14e: {  	v50 =	vpop (erf)  }
0x14f: {  	v7 =	vadd.f32 v50, v7  }
0x150: {  	v51 =	vshll.u32 v22, $0xB;
	v52 =	vpop (erf)  }
0x151: {  	vm2 =	vne.s32 v22, $0xFF;
	(erf) = vpow2.f32 v27;
	v7 =	vadd.f32 v52, v7  }
0x152: {  	v8 =	vnsel vm2, $0x0, v51;
	v53 =	vpop (erf)  }
0x153: {  	v8 =	vor.u32 s30, v8;
	v54 =	vpop (erf);
	v7 =	vadd.f32 v49, v7  }
0x154: {  	v8 =	vor.u32 v0, v8;
	v55 =	vpop (erf)  }
0x155: {  	v7 =	vadd.f32 v55, v7  }
0x156: {  	v56 =	vpop (erf)  }
0x157: {  	v7 =	vadd.f32 v56, v7;
	_ =	sdelay $0x1  }
0x158: {  	v8 =	vld.idx.msk [tilespmem:v8+s3+$0x0], $0xffff;
	v7 =	vadd.f32 v47, v7  }
0x159: {  	v57 =	vpop (erf)  }
0x15a: {  	v7 =	vadd.f32 v57, v7;
	_ =	sdelay $0x1  }
0x15b: {  	v7 =	vadd.f32 v40, v7  }
0x15c: {  	v8 =	vmul.f32 $1.442695020e+00, v8  }
0x15d: {  	(erf) = vrcp.f32 v7  }
0x15e: {  	(erf) = vpow2.f32 v8;
	_ =	sdelay $0x2  }
0x15f: {  	vm11 =	vmmov vm1;
	vm12 =	vne.s32 v5, $0x0;
	v10 =	vmul.f32 v10, v23  }
0x160: {  	vm0 =	vmmov vm0;
	vm1 =	vmand vm11, vm12  }
0x161: {  	vm14 =	vne.s32 v22, $0x0;
	vm13 =	vmmov vm2;
	v10 =	vmul.f32 v28, v10  }
0x162: {  	v58 =	vmul.f32 v28, v18;
	v5 =	vsub.f32 v9, v6;
	vm2 =	vmand vm13, vm14  }
0x163: {  	v3 =	vadd.f32 v10, v3;
	v6 =	vsel vm1, $0x3F800000, v1;
	v61 =	vsel vm2, $0x3F800000, v1  }
0x164: {  	v5 =	vmul.f32 v53, v5;
	v59 =	vmul.f32 v54, v6;
	v8 =	vnsel vm0, $0x0, v58;
	v60 =	vpop (erf)  }
0x165: {  	p0 =	seq.s32 s14, $0x7;
	v7 =	vsub.f32 v7, v16;
	vm0 =	vmmov vm11;
	v2 =	vadd.f32 v8, v2;
	v62 =	vpop (erf)  }
.Ltmp1:
0x166: {  	v5 =	vnsel vm0, $0x0, v5;
	v8 =	vmul.f32 v53, v59;
	v63 =	vmul.f32 v62, v61;
	(pc) =	sbr.rel @p0 .LBB2_6-.Ltmp1, $4  }
0x167: {  	v4 =	vadd.f32 v6, v4;
	v2 =	vadd.f32 v5, v2;
	v5 =	vmul.f32 v60, v7  }
0x168: {  	vm15 =	vmmov vm13;
	v6 =	vadd.f32 v8, v3;
	v7 =	vmul.f32 v60, v63  }
0x169: {  	v4 =	vadd.f32 v61, v4;
	v3 =	vnsel vm15, $0x0, v5  }
0x16a: {  	v3 =	vadd.f32 v3, v2;
	v2 =	vadd.f32 v7, v6  }
0x16b: {  	s5 =	sadd.s32 $0x1000, s24  }
0x16c: {  	s6 =	sadd.s32 s13, s5  }
0x16d: {  	s6 =	sshrl.u32 s6, $0x3  }
0x16e: {  	s18 =	rddreg [dreg:$0x7];
	s6 =	sadd.s32 s2, s6  }
0x16f: {  	[tilespmem:s3], [sflag:$0x1] =	stream.linear.gather [hbm4b:s6+s3], $0x800, $0x38;
	[tilespmem:$0x14080] =	vst v63  }
0x170: {  	s6 =	sadd.s32 s18, s5  }
0x171: {  	s6 =	sshrl.u32 s6, $0x3  }
0x172: {  	s7 =	simm.s32 $0x800;
	s24 =	rddreg [dreg:$0x9];
	s6 =	sadd.s32 s2, s6  }
0x173: {  	[tilespmem:s7], [sflag:$0x1] =	stream.linear.gather [hbm4b:s6+s3], $0x800, $0x38;
	[tilespmem:$0x14080] =	vst v63  }
0x174: {  	s6 =	sadd.s32 s24, s5  }
0x175: {  	s6 =	sshrl.u32 s6, $0x3  }
0x176: {  	s30 =	simm.s32 $0x1000;
	s9 =	sadd.s32 s15, s5;
	s6 =	sadd.s32 s2, s6  }
0x177: {  	[tilespmem:s30], [sflag:$0x1] =	stream.linear.gather [hbm4b:s6+s3], $0x800, $0x38;
	[tilespmem:$0x14080] =	vst v63  }
0x178: {  	s6 =	sshrl.u32 s9, $0x3  }
0x179: {  	s18 =	simm.s32 $0x1800;
	s24 =	sadd.s32 s10, s5;
	s6 =	sadd.s32 s2, s6  }
0x17a: {  	[tilespmem:s18], [sflag:$0x1] =	stream.linear.gather [hbm4b:s6+s3], $0x800, $0x38;
	[tilespmem:$0x14080] =	vst v63  }
0x17b: {  	s6 =	sshrl.u32 s24, $0x3  }
0x17c: {  	s30 =	simm.s32 $0x2000;
	s9 =	sadd.s32 s16, s5;
	s6 =	sadd.s32 s2, s6  }
0x17d: {  	[tilespmem:s30], [sflag:$0x1] =	stream.linear.gather [hbm4b:s6+s3], $0x800, $0x38;
	[tilespmem:$0x14080] =	vst v63  }
0x17e: {  	s6 =	sshrl.u32 s9, $0x3  }
0x17f: {  	s18 =	simm.s32 $0x2800;
	s24 =	sadd.s32 s4, s5;
	s6 =	sadd.s32 s2, s6  }
0x180: {  	[tilespmem:s18], [sflag:$0x1] =	stream.linear.gather [hbm4b:s6+s3], $0x800, $0x38;
	[tilespmem:$0x14080] =	vst v63  }
0x181: {  	s6 =	sshrl.u32 s24, $0x3  }
0x182: {  	s30 =	simm.s32 $0x3000;
	s9 =	sadd.s32 s19, s5;
	s6 =	sadd.s32 s2, s6  }
0x183: {  	[tilespmem:s30], [sflag:$0x1] =	stream.linear.gather [hbm4b:s6+s3], $0x800, $0x38;
	[tilespmem:$0x14080] =	vst v63  }
0x184: {  	s6 =	sshrl.u32 s9, $0x3  }
0x185: {  	s18 =	simm.s32 $0x3800;
	s24 =	sadd.s32 s21, s5;
	s6 =	sadd.s32 s2, s6  }
0x186: {  	[tilespmem:s18], [sflag:$0x1] =	stream.linear.gather [hbm4b:s6+s3], $0x800, $0x38;
	[tilespmem:$0x14080] =	vst v63  }
0x187: {  	s6 =	sshrl.u32 s24, $0x3  }
0x188: {  	s30 =	simm.s32 $0x4000;
	s9 =	sadd.s32 s22, s5;
	s6 =	sadd.s32 s2, s6  }
0x189: {  	[tilespmem:s30], [sflag:$0x1] =	stream.linear.gather [hbm4b:s6+s3], $0x800, $0x38;
	[tilespmem:$0x14080] =	vst v63  }
0x18a: {  	s6 =	sshrl.u32 s9, $0x3  }
0x18b: {  	s18 =	simm.s32 $0x4800;
	s24 =	sadd.s32 s25, s5;
	s6 =	sadd.s32 s2, s6  }
0x18c: {  	[tilespmem:s18], [sflag:$0x1] =	stream.linear.gather [hbm4b:s6+s3], $0x800, $0x38;
	[tilespmem:$0x14080] =	vst v63  }
0x18d: {  	s6 =	sshrl.u32 s24, $0x3  }
0x18e: {  	s30 =	simm.s32 $0x5000;
	s9 =	sadd.s32 s28, s5;
	s6 =	sadd.s32 s2, s6  }
0x18f: {  	[tilespmem:s30], [sflag:$0x1] =	stream.linear.gather [hbm4b:s6+s3], $0x800, $0x38;
	[tilespmem:$0x14080] =	vst v63  }
0x190: {  	s6 =	sshrl.u32 s9, $0x3  }
0x191: {  	s18 =	simm.s32 $0x5800;
	s24 =	sadd.s32 s29, s5;
	s6 =	sadd.s32 s2, s6  }
0x192: {  	[tilespmem:s18], [sflag:$0x1] =	stream.linear.gather [hbm4b:s6+s3], $0x800, $0x38;
	[tilespmem:$0x14080] =	vst v63  }
0x193: {  	s6 =	sshrl.u32 s24, $0x3  }
0x194: {  	s30 =	simm.s32 $0x6000;
	s9 =	sadd.s32 s1, s5;
	s6 =	sadd.s32 s2, s6  }
0x195: {  	[tilespmem:s30], [sflag:$0x1] =	stream.linear.gather [hbm4b:s6+s3], $0x800, $0x38;
	[tilespmem:$0x14080] =	vst v63  }
0x196: {  	s6 =	sshrl.u32 s9, $0x3  }
0x197: {  	s18 =	simm.s32 $0x6800;
	s24 =	sadd.s32 s8, s5;
	s6 =	sadd.s32 s2, s6  }
0x198: {  	[tilespmem:s18], [sflag:$0x1] =	stream.linear.gather [hbm4b:s6+s3], $0x800, $0x38;
	[tilespmem:$0x14080] =	vst v63  }
0x199: {  	s6 =	sshrl.u32 s24, $0x3  }
0x19a: {  	s30 =	simm.s32 $0x7000;
	s9 =	sadd.s32 s11, s5;
	s6 =	sadd.s32 s2, s6  }
0x19b: {  	[tilespmem:s30], [sflag:$0x1] =	stream.linear.gather [hbm4b:s6+s3], $0x800, $0x38;
	[tilespmem:$0x14080] =	vst v63  }
0x19c: {  	s6 =	sshrl.u32 s9, $0x3  }
0x19d: {  	s18 =	simm.s32 $0x7800;
	s24 =	sadd.s32 s17, s5;
	s6 =	sadd.s32 s2, s6  }
0x19e: {  	[tilespmem:s18], [sflag:$0x1] =	stream.linear.gather [hbm4b:s6+s3], $0x800, $0x38;
	[tilespmem:$0x14080] =	vst v63  }
0x19f: {  	s6 =	sshrl.u32 s24, $0x3  }
0x1a0: {  	s30 =	simm.s32 $0x8000;
	s9 =	sadd.s32 s20, s5;
	s6 =	sadd.s32 s2, s6  }
0x1a1: {  	[tilespmem:s30], [sflag:$0x1] =	stream.linear.gather [hbm4b:s6+s3], $0x800, $0x38;
	[tilespmem:$0x14080] =	vst v63  }
0x1a2: {  	s5 =	sadd.s32 s23, s5;
	s6 =	sshrl.u32 s9, $0x3  }
0x1a3: {  	s5 =	sshrl.u32 s5, $0x3;
	s18 =	simm.s32 $0x8800;
	s6 =	sadd.s32 s2, s6  }
0x1a4: {  	[tilespmem:s18], [sflag:$0x1] =	stream.linear.gather [hbm4b:s6+s3], $0x800, $0x38;
	[tilespmem:$0x14080] =	vst v63  }
0x1a5: {  	s5 =	sadd.s32 s2, s5;
	s24 =	simm.s32 $0x9000;
	s30 =	rddreg [dreg:$0x19]  }
0x1a6: {  	[tilespmem:s24], [sflag:$0x1] =	stream.linear.gather [hbm4b:s5+s3], $0x800, $0x38;
	[tilespmem:$0x14080] =	vst v63  }
0x1a7: {  	s5 =	sadd.s32 s30, s31  }
0x1a8: {  	s31 =	simm.s32 $0x13000;
	s5 =	sadd.s32 $0x200, s5  }
0x1a9: {  	[tilespmem:s31], [sflag:$0x1] =	stream.linear.gather [hbm4b:s5+s3], $0x800, $0x38;
	[tilespmem:$0x14080] =	vst v63  }
.LBB2_6:
0x1aa: {  	_ =	swait.ge [sflag:s12], $0x800  }
0x1ab: {  	[sflag:s12] =	ssyncset.done $0x0  }
0x1ac: {  	[sflag:s12] =	ssyncadd.s32 $0xFFFFF800  }
0x1ad: {  	_ =	swait.ge [sflag:s12], $0x800  }
0x1ae: {  	[sflag:s12] =	ssyncset.done $0x0  }
0x1af: {  	[sflag:s12] =	ssyncadd.s32 $0xFFFFF800  }
0x1b0: {  	_ =	swait.ge [sflag:s12], $0x800  }
0x1b1: {  	[sflag:s12] =	ssyncset.done $0x0  }
0x1b2: {  	[sflag:s12] =	ssyncadd.s32 $0xFFFFF800  }
0x1b3: {  	_ =	swait.ge [sflag:s12], $0x800  }
0x1b4: {  	[sflag:s12] =	ssyncset.done $0x0  }
0x1b5: {  	[sflag:s12] =	ssyncadd.s32 $0xFFFFF800  }
0x1b6: {  	_ =	swait.ge [sflag:s12], $0x800  }
0x1b7: {  	[sflag:s12] =	ssyncset.done $0x0  }
0x1b8: {  	[sflag:s12] =	ssyncadd.s32 $0xFFFFF800  }
0x1b9: {  	_ =	swait.ge [sflag:s12], $0x800  }
0x1ba: {  	[sflag:s12] =	ssyncset.done $0x0  }
0x1bb: {  	[sflag:s12] =	ssyncadd.s32 $0xFFFFF800  }
0x1bc: {  	_ =	swait.ge [sflag:s12], $0x800  }
0x1bd: {  	[sflag:s12] =	ssyncset.done $0x0  }
0x1be: {  	[sflag:s12] =	ssyncadd.s32 $0xFFFFF800  }
0x1bf: {  	_ =	swait.ge [sflag:s12], $0x800  }
0x1c0: {  	[sflag:s12] =	ssyncset.done $0x0  }
0x1c1: {  	[sflag:s12] =	ssyncadd.s32 $0xFFFFF800  }
0x1c2: {  	_ =	swait.ge [sflag:s12], $0x800  }
0x1c3: {  	[sflag:s12] =	ssyncset.done $0x0  }
0x1c4: {  	[sflag:s12] =	ssyncadd.s32 $0xFFFFF800  }
0x1c5: {  	_ =	swait.ge [sflag:s12], $0x800  }
0x1c6: {  	[sflag:s12] =	ssyncset.done $0x0  }
0x1c7: {  	[sflag:s12] =	ssyncadd.s32 $0xFFFFF800  }
0x1c8: {  	_ =	swait.ge [sflag:s12], $0x800  }
0x1c9: {  	[sflag:s12] =	ssyncset.done $0x0  }
0x1ca: {  	[sflag:s12] =	ssyncadd.s32 $0xFFFFF800  }
0x1cb: {  	_ =	swait.ge [sflag:s12], $0x800  }
0x1cc: {  	[sflag:s12] =	ssyncset.done $0x0  }
0x1cd: {  	[sflag:s12] =	ssyncadd.s32 $0xFFFFF800  }
0x1ce: {  	_ =	swait.ge [sflag:s12], $0x800  }
0x1cf: {  	[sflag:s12] =	ssyncset.done $0x0  }
0x1d0: {  	[sflag:s12] =	ssyncadd.s32 $0xFFFFF800  }
0x1d1: {  	_ =	swait.ge [sflag:s12], $0x800  }
0x1d2: {  	[sflag:s12] =	ssyncset.done $0x0  }
0x1d3: {  	[sflag:s12] =	ssyncadd.s32 $0xFFFFF800  }
0x1d4: {  	_ =	swait.ge [sflag:s12], $0x800  }
0x1d5: {  	[sflag:s12] =	ssyncset.done $0x0  }
0x1d6: {  	[sflag:s12] =	ssyncadd.s32 $0xFFFFF800  }
0x1d7: {  	_ =	swait.ge [sflag:s12], $0x800  }
0x1d8: {  	[sflag:s12] =	ssyncset.done $0x0  }
0x1d9: {  	[sflag:s12] =	ssyncadd.s32 $0xFFFFF800  }
0x1da: {  	_ =	swait.ge [sflag:s12], $0x800  }
0x1db: {  	[sflag:s12] =	ssyncset.done $0x0  }
0x1dc: {  	[sflag:s12] =	ssyncadd.s32 $0xFFFFF800  }
0x1dd: {  	_ =	swait.ge [sflag:s12], $0x800  }
0x1de: {  	[sflag:s12] =	ssyncset.done $0x0  }
0x1df: {  	[sflag:s12] =	ssyncadd.s32 $0xFFFFF800  }
0x1e0: {  	_ =	swait.ge [sflag:s12], $0x800  }
0x1e1: {  	[sflag:s12] =	ssyncset.done $0x0  }
0x1e2: {  	[sflag:s12] =	ssyncadd.s32 $0xFFFFF800  }
0x1e3: {  	_ =	swait.ge [sflag:s12], $0x800  }
0x1e4: {  	[sflag:s12] =	ssyncset.done $0x0  }
0x1e5: {  	s6 =	simm.s32 $0x0;
	s5 =	simm.s32 $0x9800;
	[sflag:s12] =	ssyncadd.s32 $0xFFFFF800  }
0x1e6: {  	s7 =	sand.u32 $0x7F0, s6;
	v5 =	vld [tilespmem:s5+$0x0]  }
0x1e7: {  	v9 =	vld [tilespmem:s7+$0xA000];
	_ =	sdelay $0x1  }
0x1e8: {  	v11 =	vld [tilespmem:s7+$0xA800];
	_ =	sdelay $0x1  }
0x1e9: {  	v5 =	vmul.f32 $1.442695020e+00, v5  }
0x1ea: {  	v13 =	vld [tilespmem:s7+$0xB000];
	v9 =	vmul.f32 $1.442695020e+00, v9  }
0x1eb: {  	v14 =	vld [tilespmem:s7+$0xC000];
	(erf) = vpow2.f32 v5  }
0x1ec: {  	v16 =	vld [tilespmem:s7+$0x12800];
	v11 =	vmul.f32 $1.442695020e+00, v11;
	(erf) = vpow2.f32 v9  }
0x1ed: {  	v5 =	vld [tilespmem:s7+$0xB800]  }
0x1ee: {  	(erf) = vpow2.f32 v11  }
0x1ef: {  	v13 =	vmul.f32 $1.442695020e+00, v13  }
0x1f0: {  	v6 =	vld [tilespmem:s7+$0x10000];
	v14 =	vmul.f32 $1.442695020e+00, v14  }
0x1f1: {  	s9 =	simm.s32 $0x9810;
	v16 =	vmul.f32 $1.442695020e+00, v16;
	v11 =	vld [tilespmem:s7+$0xC800];
	(erf) = vpow2.f32 v13  }
0x1f2: {  	(erf) = vpow2.f32 v14;
	v14 =	vld [tilespmem:s9+$0x0];
	v5 =	vmul.f32 $1.442695020e+00, v5  }
0x1f3: {  	v13 =	vld [tilespmem:s7+$0xD000]  }
0x1f4: {  	v7 =	vld [tilespmem:s7+$0x11800];
	(erf) = vpow2.f32 v5;
	v18 =	vpop (erf)  }
0x1f5: {  	v8 =	vld [tilespmem:s7+$0xF800];
	(erf) = vpow2.f32 v16;
	v16 =	vpop (erf)  }
0x1f6: {  	v17 =	vld [tilespmem:s7+$0xD800];
	v16 =	vadd.f32 v16, v18  }
0x1f7: {  	v12 =	vld [tilespmem:s7+$0xE000];
	v11 =	vmul.f32 $1.442695020e+00, v11;
	v14 =	vmul.f32 $1.442695020e+00, v14;
	v22 =	vpop (erf)  }
0x1f8: {  	v15 =	vld [tilespmem:s7+$0x10800];
	s5 =	simm.s32 $0x10;
	v13 =	vmul.f32 $1.442695020e+00, v13;
	v16 =	vadd.f32 v22, v16  }
0x1f9: {  	v19 =	vld [tilespmem:s7+$0xE800];
	s18 =	sand.u32 $0x7F0, s5;
	(erf) = vpow2.f32 v11  }
0x1fa: {  	v24 =	vld [tilespmem:s18+$0x11000];
	(erf) = vpow2.f32 v13  }
0x1fb: {  	v17 =	vmul.f32 $1.442695020e+00, v17;
	v9 =	vld [tilespmem:s7+$0xF000];
	(erf) = vpow2.f32 v14;
	v14 =	vpop (erf)  }
0x1fc: {  	v12 =	vmul.f32 $1.442695020e+00, v12;
	v5 =	vmul.f32 $1.442695020e+00, v7;
	v11 =	vld [tilespmem:s18+$0x11800];
	v14 =	vadd.f32 v14, v16;
	v16 =	vpop (erf)  }
0x1fd: {  	v15 =	vmul.f32 $1.442695020e+00, v15;
	v22 =	vld [tilespmem:s18+$0x10800];
	(erf) = vpow2.f32 v17;
	v23 =	vpop (erf)  }
0x1fe: {  	v6 =	vmul.f32 $1.442695020e+00, v6;
	v17 =	vld [tilespmem:s18+$0xD800];
	(erf) = vpow2.f32 v5;
	v14 =	vadd.f32 v23, v14  }
0x1ff: {  	v5 =	vmul.f32 $1.442695020e+00, v19;
	(erf) = vpow2.f32 v12;
	v12 =	vld [tilespmem:s18+$0xA000]  }
0x200: {  	v10 =	vld [tilespmem:s7+$0x11000];
	v9 =	vmul.f32 $1.442695020e+00, v9;
	(erf) = vpow2.f32 v6  }
0x201: {  	v25 =	vmul.f32 $1.442695020e+00, v11;
	v11 =	vld [tilespmem:s18+$0xA800];
	v26 =	vpop (erf);
	(erf) = vpow2.f32 v5;
	v6 =	vadd.f32 v16, v14  }
0x202: {  	v8 =	vmul.f32 $1.442695020e+00, v8;
	v23 =	vmul.f32 $1.442695020e+00, v22;
	v5 =	vld [tilespmem:s18+$0xD000];
	v14 =	vpop (erf)  }
0x203: {  	v22 =	vmul.f32 $1.442695020e+00, v24;
	v16 =	vld [tilespmem:s18+$0xB000];
	(erf) = vpow2.f32 v9;
	v9 =	vadd.f32 v14, v6  }
0x204: {  	v12 =	vmul.f32 $1.442695020e+00, v12;
	v14 =	vmul.f32 $1.442695020e+00, v17;
	v17 =	vld [tilespmem:s18+$0xC000];
	v24 =	vpop (erf)  }
0x205: {  	v10 =	vmul.f32 $1.442695020e+00, v10;
	(erf) = vpow2.f32 v8;
	v8 =	vld [tilespmem:s18+$0xB800];
	v6 =	vpop (erf);
	v9 =	vadd.f32 v24, v9  }
0x206: {  	v21 =	vld [tilespmem:s18+$0x10000];
	v11 =	vmul.f32 $1.442695020e+00, v11;
	v27 =	vpop (erf);
	(erf) = vpow2.f32 v12  }
0x207: {  	v28 =	vmul.f32 $1.442695020e+00, v5;
	v12 =	vld [tilespmem:s18+$0xC800];
	v5 =	vadd.f32 v27, v9;
	v27 =	vpop (erf);
	(erf) = vpow2.f32 v15  }
0x208: {  	v9 =	vmul.f32 $1.442695020e+00, v16;
	v16 =	vld [tilespmem:s18+$0x12800];
	v15 =	vpop (erf);
	(erf) = vpow2.f32 v11  }
0x209: {  	s9 =	simm.s32 $0x13800;
	v7 =	vld [tilespmem:s7+$0x12000];
	v11 =	vmul.f32 $1.442695020e+00, v17;
	v29 =	vpop (erf);
	(erf) = vpow2.f32 v10  }
0x20a: {  	v20 =	vld [tilespmem:s9+$0x0];
	v8 =	vmul.f32 $1.442695020e+00, v8;
	v15 =	vadd.f32 v15, v5;
	v10 =	vpop (erf);
	(erf) = vpow2.f32 v9  }
0x20b: {  	v13 =	vld [tilespmem:s18+$0xE000];
	(erf) = vpow2.f32 v11  }
0x20c: {  	v19 =	vld [tilespmem:s18+$0xF000];
	v9 =	vadd.f32 v10, v15;
	v10 =	vpop (erf);
	(erf) = vpow2.f32 v8  }
0x20d: {  	v24 =	vld [tilespmem:s18+$0xF800];
	v8 =	vmul.f32 $1.442695020e+00, v12;
	v12 =	vmul.f32 $1.442695020e+00, v16  }
0x20e: {  	v7 =	vmul.f32 $1.442695020e+00, v7;
	v17 =	vld [tilespmem:s18+$0x12000]  }
0x20f: {  	v15 =	vld [tilespmem:s18+$0xE800];
	s18 =	simm.s32 $0x9820  }
0x210: {  	s31 =	simm.s32 $0x13810;
	s24 =	simm.s32 $0x20;
	v11 =	vld [tilespmem:s18+$0x0];
	v30 =	vpop (erf);
	(erf) = vpow2.f32 v7  }
0x211: {  	vm0 =	vne.s32 v20, $0xFF;
	v5 =	vld [tilespmem:s31+$0x0];
	s31 =	sand.u32 $0x7F0, s24;
	v9 =	vadd.f32 v10, v9;
	(erf) = vpow2.f32 v12;
	v12 =	vpop (erf)  }
0x212: {  	v31 =	vld [tilespmem:s31+$0xF800];
	v10 =	vshll.u32 v20, $0xB;
	(erf) = vpow2.f32 v8;
	v12 =	vadd.f32 v12, v6;
	v8 =	vpop (erf)  }
0x213: {  	v21 =	vmul.f32 $1.442695020e+00, v21;
	v13 =	vmul.f32 $1.442695020e+00, v13;
	v7 =	vld [tilespmem:s31+$0x11800];
	v10 =	vnsel vm0, $0x0, v10;
	v34 =	vpop (erf)  }
0x214: {  	v33 =	vld [tilespmem:s31+$0xE000];
	v9 =	vadd.f32 v30, v9;
	v10 =	vor.u32 s6, v10;
	v12 =	vadd.f32 v34, v12  }
0x215: {  	v19 =	vmul.f32 $1.442695020e+00, v19;
	v35 =	vld [tilespmem:s31+$0xD800];
	v32 =	vor.u32 v0, v10;
	v11 =	vmul.f32 $1.442695020e+00, v11  }
0x216: {  	v24 =	vmul.f32 $1.442695020e+00, v24;
	v61 =	vld [tilespmem:s31+$0xC000];
	v9 =	vadd.f32 v29, v9;
	(erf) = vpow2.f32 v28;
	v28 =	vpop (erf)  }
0x217: {  	v10 =	vmul.f32 $1.442695020e+00, v17;
	v17 =	vld [tilespmem:s31+$0x10800];
	(erf) = vpow2.f32 v11;
	v58 =	vpop (erf)  }
0x218: {  	v30 =	vld [tilespmem:s31+$0x11000];
	v8 =	vadd.f32 v8, v9;
	v11 =	vmul.f32 $1.442695020e+00, v7;
	v7 =	vadd.f32 v58, v12;
	v12 =	vpop (erf)  }
0x219: {  	v15 =	vmul.f32 $1.442695020e+00, v15;
	v29 =	vld [tilespmem:s31+$0xF000];
	(erf) = vpow2.f32 v14;
	v14 =	vpop (erf)  }
0x21a: {  	v8 =	vadd.f32 v28, v8;
	v28 =	vld.idx.msk [tilespmem:v32+s26+$0x0], $0xffff;
	(erf) = vpow2.f32 v25;
	v25 =	vadd.f32 v14, v7  }
0x21b: {  	vm1 =	vne.s32 v20, $0x0;
	v59 =	vld [tilespmem:s31+$0xD000];
	v9 =	vmul.f32 $1.442695020e+00, v33;
	(erf) = vpow2.f32 v13;
	v13 =	vpop (erf)  }
0x21c: {  	v60 =	vld [tilespmem:s31+$0xA000];
	v7 =	vmul.f32 $1.442695020e+00, v17;
	(erf) = vpow2.f32 v21;
	v14 =	vpop (erf);
	v21 =	vadd.f32 v12, v25  }
0x21d: {  	v16 =	vld [tilespmem:s31+$0x10000];
	v17 =	vadd.f32 v27, v8;
	v8 =	vmul.f32 $1.442695020e+00, v30;
	(erf) = vpow2.f32 v15;
	v30 =	vpop (erf)  }
0x21e: {  	v33 =	vmul.f32 $1.442695020e+00, v61;
	v27 =	vld [tilespmem:s31+$0xA800];
	(erf) = vpow2.f32 v19;
	v19 =	vadd.f32 v30, v21  }
0x21f: {  	v28 =	vmul.f32 $1.442695020e+00, v28;
	v25 =	vld [tilespmem:s31+$0xB000];
	v17 =	vadd.f32 v13, v17;
	v12 =	vmul.f32 $1.442695020e+00, v29;
	v29 =	vpop (erf)  }
0x220: {  	v15 =	vmul.f32 $1.442695020e+00, v35;
	(erf) = vpow2.f32 v24;
	v24 =	vld [tilespmem:s31+$0xC800];
	v19 =	vadd.f32 v29, v19  }
0x221: {  	v13 =	vmul.f32 $1.442695020e+00, v31;
	v31 =	vld [tilespmem:s31+$0xB800];
	v21 =	vmul.f32 $1.442695020e+00, v59;
	v26 =	vadd.f32 v26, v17  }
0x222: {  	vm0 =	vmmov vm0;
	v30 =	vmul.f32 $1.442695020e+00, v60;
	v17 =	vmul.f32 $1.442695020e+00, v16;
	v16 =	vpop (erf)  }
0x223: {  	vm2 =	vmand vm0, vm1;
	v27 =	vmul.f32 $1.442695020e+00, v27;
	v29 =	vpop (erf);
	(erf) = vrcp.f32 v26  }
0x224: {  	v62 =	vmul.f32 $1.442695020e+00, v25;
	v29 =	vadd.f32 v29, v19;
	v19 =	vpop (erf);
	(erf) = vpow2.f32 v28  }
0x225: {  	v63 =	vld [tilespmem:s31+$0x12000];
	vm1 =	vne.s32 v5, $0xFF;
	v25 =	vmul.f32 $1.442695020e+00, v24;
	(erf) = vpow2.f32 v30  }
0x226: {  	v18 =	vsub.f32 v26, v18;
	v28 =	vmul.f32 $1.442695020e+00, v31;
	v31 =	vld [tilespmem:s31+$0x12800];
	v26 =	vpop (erf);
	(erf) = vpow2.f32 v23  }
0x227: {  	v20 =	vadd.f32 v26, v29;
	v24 =	vpop (erf);
	v23 =	vsel vm2, $0x3F800000, v1;
	(erf) = vpow2.f32 v27  }
0x228: {  	s6 =	simm.s32 $0x13820;
	v26 =	vshll.u32 v5, $0xB;
	v29 =	vpop (erf);
	v4 =	vadd.f32 v23, v4;
	(erf) = vpow2.f32 v22  }
0x229: {  	v29 =	vadd.f32 v29, v20;
	v32 =	vpop (erf);
	v20 =	vld [tilespmem:s6+$0x0];
	v22 =	vnsel vm1, $0x0, v26;
	(erf) = vpow2.f32 v62  }
0x22a: {  	s30 =	simm.s32 $0x9830;
	s18 =	simm.s32 $0x30;
	v27 =	vmul.f32 $1.442695020e+00, v63;
	v26 =	vld [tilespmem:s31+$0xE800];
	v30 =	vpop (erf);
	(erf) = vpow2.f32 v33;
	v33 =	vor.u32 s5, v22  }
.LBB2_7:
0x22b: {  	s5 =	sand.u32 $0x7F0, s18;
	v37 =	vmul.f32 $1.442695020e+00, v31  }
0x22c: {  	v34 =	vld [tilespmem:s30+$0x0];
	p0 =	sne.s32 s18, $0x7F0;
	(erf) = vpow2.f32 v28;
	v28 =	vor.u32 v0, v33;
	v22 =	vmovc v16;
	v33 =	vmovc v5;
	vm2 =	vmmov vm0;
	s7 =	smov.u32 s18;
	s18 =	sadd.s32 $0x10, s18  }
0x22d: {  	v36 =	vadd.f32 v32, v29;
	v16 =	vld [tilespmem:s5+$0x10000];
	(erf) = vpow2.f32 v10;
	v29 =	vpop (erf);
	v10 =	vmov v27  }
0x22e: {  	vm0 =	vmmov vm1;
	v27 =	vld [tilespmem:s5+$0x11800];
	(erf) = vpow2.f32 v37;
	v18 =	vmul.f32 v29, v18;
	v31 =	vpop (erf)  }
0x22f: {  	v30 =	vadd.f32 v30, v36;
	v32 =	vld [tilespmem:s5+$0xF800];
	v35 =	vpop (erf);
	v23 =	vmul.f32 v31, v23;
	v5 =	vmov v20  }
0x230: {  	v20 =	vld [tilespmem:s5+$0x11000];
	v37 =	vadd.f32 v35, v22;
	(erf) = vpow2.f32 v25;
	v25 =	vpop (erf);
	v18 =	vnsel vm2, $0x0, v18  }
0x231: {  	v24 =	vadd.f32 v24, v30;
	v34 =	vmul.f32 $1.442695020e+00, v34;
	v35 =	vld [tilespmem:s5+$0xE000];
	v36 =	vpop (erf);
	v23 =	vmul.f32 v29, v23  }
0x232: {  	v3 =	vadd.f32 v18, v3;
	v29 =	vld [tilespmem:s5+$0x10800];
	v36 =	vadd.f32 v36, v37;
	(erf) = vpow2.f32 v21;
	v21 =	vpop (erf)  }
0x233: {  	v24 =	vadd.f32 v25, v24;
	v18 =	vld [tilespmem:s5+$0xF000];
	(erf) = vpow2.f32 v34;
	v31 =	vpop (erf);
	v2 =	vadd.f32 v23, v2  }
0x234: {  	v25 =	vmul.f32 $1.442695020e+00, v27;
	v23 =	vld [tilespmem:s5+$0xD800];
	v27 =	vadd.f32 v31, v36;
	v30 =	vpop (erf);
	(erf) = vpow2.f32 v15  }
0x235: {  	v15 =	vmul.f32 $1.442695020e+00, v26;
	v37 =	vadd.f32 v21, v24;
	v31 =	vld [tilespmem:s5+$0xD000];
	v26 =	vpop (erf);
	(erf) = vpow2.f32 v11  }
0x236: {  	v38 =	vadd.f32 v26, v27;
	(erf) = vpow2.f32 v9;
	v9 =	vmul.f32 $1.442695020e+00, v35;
	v24 =	vld.idx.msk [tilespmem:v28+s26+$0x0], $0xffff;
	v26 =	vpop (erf)  }
0x237: {  	v27 =	vld [tilespmem:s5+$0xA000];
	v34 =	vmul.f32 $1.442695020e+00, v29;
	(erf) = vpow2.f32 v17;
	v35 =	vpop (erf);
	v17 =	vadd.f32 v19, v37  }
0x238: {  	v36 =	vmul.f32 $1.442695020e+00, v20;
	v11 =	vmovc v25;
	v19 =	vld [tilespmem:s5+$0xA800];
	v20 =	vadd.f32 v30, v38;
	(erf) = vpow2.f32 v15  }
0x239: {  	v25 =	vld [tilespmem:s5+$0xB000];
	v15 =	vmul.f32 $1.442695020e+00, v23;
	v21 =	vpop (erf);
	(erf) = vpow2.f32 v12;
	v17 =	vadd.f32 v26, v17  }
0x23a: {  	v12 =	vmul.f32 $1.442695020e+00, v18;
	v23 =	vld [tilespmem:s5+$0xC000];
	v18 =	vadd.f32 v21, v20;
	(erf) = vpow2.f32 v13  }
0x23b: {  	v21 =	vmul.f32 $1.442695020e+00, v31;
	v13 =	vmul.f32 $1.442695020e+00, v32;
	v20 =	vld [tilespmem:s5+$0xC800];
	v26 =	vpop (erf);
	v14 =	vadd.f32 v14, v17  }
0x23c: {  	v17 =	vmul.f32 $1.442695020e+00, v16;
	v27 =	vmul.f32 $1.442695020e+00, v27;
	v28 =	vld [tilespmem:s5+$0xB800];
	v16 =	vpop (erf);
	v26 =	vadd.f32 v26, v18  }
0x23d: {  	v30 =	vmul.f32 $1.442695020e+00, v24;
	v29 =	vmul.f32 $1.442695020e+00, v19;
	v19 =	vpop (erf);
	v18 =	vsub.f32 v14, v6  }
0x23e: {  	v6 =	vmul.f32 $1.442695020e+00, v25;
	v26 =	vadd.f32 v19, v26;
	v19 =	vpop (erf);
	(erf) = vrcp.f32 v14  }
0x23f: {  	vm1 =	vne.s32 v33, $0x0;
	v37 =	vmul.f32 $1.442695020e+00, v23;
	v14 =	vpop (erf);
	(erf) = vpow2.f32 v30  }
0x240: {  	v25 =	vmul.f32 $1.442695020e+00, v20;
	v33 =	vld [tilespmem:s5+$0x12000];
	(erf) = vpow2.f32 v27;
	v14 =	vadd.f32 v14, v26;
	v24 =	vpop (erf)  }
.Ltmp2:
0x241: {  	v26 =	vshll.u32 v5, $0xB;
	v28 =	vmul.f32 $1.442695020e+00, v28;
	v31 =	vld [tilespmem:s5+$0x12800];
	v20 =	vpop (erf);
	(erf) = vpow2.f32 v7;
	(pc) =	sbr.rel @p0 .LBB2_7-.Ltmp2, $4  }
0x242: {  	vm2 =	vmand vm0, vm1;
	(erf) = vpow2.f32 v29;
	v29 =	vadd.f32 v20, v14;
	v32 =	vpop (erf)  }
0x243: {  	s6 =	sadd.s32 $0x10, s6;
	vm1 =	vne.s32 v5, $0xFF;
	v23 =	vsel vm2, $0x3F800000, v1;
	v30 =	vpop (erf);
	(erf) = vpow2.f32 v8  }
0x244: {  	v4 =	vadd.f32 v23, v4;
	v38 =	vnsel vm1, $0x0, v26;
	v7 =	vmovc v34;
	v20 =	vld [tilespmem:s6+$0x0];
	(erf) = vpow2.f32 v6;
	v14 =	vmovc v35  }
0x245: {  	s30 =	sadd.s32 $0x10, s30;
	v8 =	vmovc v36;
	v6 =	vmovc v22;
	v26 =	vld [tilespmem:s5+$0xE800];
	v27 =	vmul.f32 $1.442695020e+00, v33;
	(erf) = vpow2.f32 v37;
	v33 =	vor.u32 s24, v38;
	s24 =	smov.u32 s7  }
0x246: {  	(erf) = vpow2.f32 v28  }
0x247: {  	v22 =	vmul.f32 $1.442695020e+00, v31;
	v28 =	vpop (erf)  }
0x248: {  	v29 =	vadd.f32 v32, v29;
	(erf) = vpow2.f32 v10;
	v10 =	vpop (erf)  }
0x249: {  	(erf) = vpow2.f32 v22;
	v58 =	vpop (erf)  }
0x24a: {  	v29 =	vadd.f32 v30, v29;
	(erf) = vpow2.f32 v25;
	v22 =	vadd.f32 v58, v16;
	v59 =	vpop (erf)  }
0x24b: {  	v60 =	vpop (erf)  }
0x24c: {  	v24 =	vadd.f32 v24, v29;
	(erf) = vpow2.f32 v21;
	v22 =	vadd.f32 v60, v22;
	v61 =	vpop (erf)  }
0x24d: {  	v62 =	vor.u32 v0, v33;
	v63 =	vpop (erf)  }
0x24e: {  	v24 =	vadd.f32 v59, v24;
	(erf) = vpow2.f32 v15;
	v22 =	vadd.f32 v63, v22;
	v33 =	vpop (erf)  }
0x24f: {  	v34 =	vmul.f32 $1.442695020e+00, v26;
	(erf) = vpow2.f32 v11;
	v35 =	vpop (erf)  }
0x250: {  	v36 =	vadd.f32 v61, v24;
	(erf) = vpow2.f32 v9;
	v37 =	vadd.f32 v35, v22  }
0x251: {  	v38 =	vpop (erf);
	(erf) = vpow2.f32 v17  }
0x252: {  	v39 =	vld.idx.msk [tilespmem:v62+s26+$0x0], $0xffff;
	v11 =	vadd.f32 v19, v36;
	v40 =	vpop (erf);
	(erf) = vpow2.f32 v34;
	v41 =	vadd.f32 v33, v37  }
0x253: {  	v42 =	vpop (erf)  }
0x254: {  	(erf) = vpow2.f32 v12;
	v9 =	vadd.f32 v38, v11;
	v43 =	vadd.f32 v42, v41  }
0x255: {  	v44 =	vpop (erf)  }
0x256: {  	(erf) = vpow2.f32 v13;
	v9 =	vadd.f32 v14, v9;
	v11 =	vadd.f32 v44, v43  }
0x257: {  	v46 =	vmul.f32 $1.442695020e+00, v39;
	v45 =	vpop (erf)  }
0x258: {  	v47 =	vpop (erf);
	(erf) = vrcp.f32 v9;
	v11 =	vadd.f32 v45, v11  }
0x259: {  	v48 =	vpop (erf);
	(erf) = vpow2.f32 v46  }
0x25a: {  	v49 =	vpop (erf);
	(erf) = vpow2.f32 v7;
	v11 =	vadd.f32 v48, v11  }
0x25b: {  	v7 =	vpop (erf)  }
0x25c: {  	(erf) = vpow2.f32 v8;
	v7 =	vadd.f32 v7, v11  }
0x25d: {  	v50 =	vpop (erf)  }
0x25e: {  	v7 =	vadd.f32 v50, v7  }
0x25f: {  	v51 =	vshll.u32 v20, $0xB;
	v52 =	vpop (erf)  }
0x260: {  	vm2 =	vne.s32 v20, $0xFF;
	(erf) = vpow2.f32 v27;
	v7 =	vadd.f32 v52, v7  }
0x261: {  	v8 =	vnsel vm2, $0x0, v51;
	v53 =	vpop (erf)  }
0x262: {  	v8 =	vor.u32 s24, v8;
	v54 =	vpop (erf);
	v7 =	vadd.f32 v49, v7  }
0x263: {  	v8 =	vor.u32 v0, v8;
	v55 =	vpop (erf)  }
0x264: {  	v7 =	vadd.f32 v55, v7  }
0x265: {  	v56 =	vpop (erf)  }
0x266: {  	v7 =	vadd.f32 v56, v7;
	_ =	sdelay $0x1  }
0x267: {  	v8 =	vld.idx.msk [tilespmem:v8+s26+$0x0], $0xffff;
	v7 =	vadd.f32 v47, v7  }
0x268: {  	v57 =	vpop (erf)  }
0x269: {  	v7 =	vadd.f32 v57, v7;
	_ =	sdelay $0x1  }
0x26a: {  	v7 =	vadd.f32 v40, v7  }
0x26b: {  	v8 =	vmul.f32 $1.442695020e+00, v8  }
0x26c: {  	(erf) = vrcp.f32 v7  }
0x26d: {  	(erf) = vpow2.f32 v8;
	_ =	sdelay $0x2  }
0x26e: {  	vm11 =	vmmov vm1;
	vm12 =	vne.s32 v5, $0x0;
	v10 =	vmul.f32 v10, v23  }
0x26f: {  	vm0 =	vmmov vm0;
	vm1 =	vmand vm11, vm12  }
0x270: {  	vm14 =	vne.s32 v20, $0x0;
	vm13 =	vmmov vm2;
	v10 =	vmul.f32 v28, v10  }
0x271: {  	v58 =	vmul.f32 v28, v18;
	v5 =	vsub.f32 v9, v6;
	vm2 =	vmand vm13, vm14  }
0x272: {  	v2 =	vadd.f32 v10, v2;
	v6 =	vsel vm1, $0x3F800000, v1;
	v61 =	vsel vm2, $0x3F800000, v1  }
0x273: {  	s14 =	sadd.s32 $0x1, s14;
	v5 =	vmul.f32 v53, v5;
	v59 =	vmul.f32 v54, v6;
	v8 =	vnsel vm0, $0x0, v58;
	v60 =	vpop (erf)  }
0x274: {  	p0 =	sne.s32 s14, $0x8;
	v7 =	vsub.f32 v7, v16;
	vm0 =	vmmov vm11;
	v3 =	vadd.f32 v8, v3;
	v62 =	vpop (erf)  }
.Ltmp3:
0x275: {  	v5 =	vnsel vm0, $0x0, v5;
	v8 =	vmul.f32 v53, v59;
	v63 =	vmul.f32 v62, v61;
	(pc) =	sbr.rel @p0 .LBB2_2-.Ltmp3, $4  }
0x276: {  	v4 =	vadd.f32 v6, v4;
	v3 =	vadd.f32 v5, v3;
	v5 =	vmul.f32 v60, v7  }
0x277: {  	vm15 =	vmmov vm13;
	v6 =	vadd.f32 v8, v2;
	v7 =	vmul.f32 v60, v63  }
0x278: {  	v4 =	vadd.f32 v61, v4;
	v2 =	vnsel vm15, $0x0, v5  }
0x279: {  	v2 =	vadd.f32 v2, v3;
	v3 =	vadd.f32 v7, v6  }
0x27a: {  	[tilespmem:$0x14020] =	vst v4  }
0x27b: {  	[tilespmem:$0x14000] =	vst v3  }
0x27c: {  	s5 =	rddreg [dreg:$0x1b];
	s6 =	simm.s32 $0x14000;
	s30 =	simm.s32 $0x3;
	[tilespmem:$0x14010] =	vst v2  }
0x27d: {  	[hbm4b:s5+s3] =	stream.linear.scatter [tilespmem:s6], [sflag:$0x3], $0x30, $0x38;
	[tilespmem:$0x14080] =	vst v63  }
0x27e: {  	_ =	swait.ge [sflag:s30], $0x30  }
0x27f: {  	s7 =	rddreg [dreg:$0x1e]  }
0x280: {  	s31 =	rddreg [dreg:$0x1c];
	s7 =	sadd.s32 $0x1, s7  }
0x281: {  	p0 =	sne.s32 s7, s31  }
.Ltmp4:
0x282: {  	_ = 	snop;
	(pc) =	sbr.rel @p0 .LBB2_1-.Ltmp4, $3  }
0x283: {  	_ =	sdelay $0x1  }
0x284: {  	[sflag:s30] =	ssyncset.done $0x0  }
0x285: {  	[sflag:s30] =	ssyncadd.s32 $0xFFFFFFD0  }
0x286: {  	_ =	sfence.sel $0x180000  }
0x287: {  	[bflag:$0x0] =	sbarrier.arrive $0xFFFF  }
0x288: {  	_ =	strace $0x9000004A  }
0x289: {  	s0 =	stileid.u32;
	[bflag:$0x2] =	sbarrier.arrive $0xFFFF  }
0x28a: {  	p0 =	sne.s32 s0, $0x0;
	s0 =	rddreg [dreg:$0x1]  }
0x28b: {  	s0 =	sadd.s32 @!p0 $0x100000, s0  }
0x28c: {  	[sflag:s0] =	ssyncadd.tile.s32 @!p0 $0x1;
	_ =	shalt  }
.Lfunc_end2:
_tile_overlayer_lowered:
.L_overlay_start_2:
0x28d: {  	(tag) =	ssettag $0x2  }
0x28e: {  	s0 =	rddreg [dreg:$0x0];
	s2 =	stileid.u32  }
0x28f: {  	s1 =	rddreg [dreg:$0x1];
	p0 =	sne.s32 s2, $0x0  }
0x290: {  	s3 =	rddreg [dreg:$0x2];
	[bflag:$0x3] =	sbarrier.arrive $0xFFFF;
	s2 =	simm.s32 @!p0 $0x1C03  }
0x291: {  	[timem:s3], [sflag:s2] =	dma.local @!p0 [hbm:s0], s1  }
0x292: {  	s0 =	simm.s32 @!p0 $0x3  }
0x293: {  	_ =	swait.ge @!p0 [sflag:s0], s1  }
0x294: {  	s1 =	ssub.s32 @!p0 $0x0, s1;
	[sflag:s0] =	ssyncset.done @!p0 $0x0  }
0x295: {  	[sflag:s0] =	ssyncadd.s32 @!p0 s1  }
0x296: {  	[bflag:$0x3] =	sbarrier.arrive $0xFFFF  }
0x297: {  	_ =	shalt  }

// kernel: sparse-core-data-format-call.cloned.1.call-start
scs
called_computation_lowered:
.L_overlay_start_0:
0x0: {  	s2 =	sld [smem:$0x3FD9]  }
0x1: {  	s3 =	sld [smem:$0x3FFE];
	_ =	sdelay $0x1  }
0x2: {  	s1 =	srdreg.scid  }
0x3: {  	s0 =	sand.u32 $0x1, s1  }
0x4: {  	s18 =	sshll.u32 s0, $0xA;
	s2 =	sadd.s32 s3, s2  }
0x5: {  	s2 =	sadd.s32 s2, s18  }
0x6: {  	[smem:$0x3FC6] =	sst s2  }
0x7: {  	_ = 	snop  }
0x8: {  	s2 =	sld [smem:$0x3FC9];
	(tm) =	ssettm $0x1  }
0x9: {  	s19 =	sld [smem:$0x3FFB];
	_ =	sdelay $0x3  }
0xa: {  	_ =	strace s19  }
0xb: {  	s3 =	sld [smem:$0x3FFC];
	_ =	sdelay $0x3  }
0xc: {  	_ =	strace s3  }
0xd: {  	s3 =	sld [smem:$0x3FFD];
	_ =	sdelay $0x3  }
0xe: {  	_ =	strace s3  }
0xf: {  	_ =	strace $0x8FFFFFFF  }
0x10: {  	s20 =	sld [smem:$0x3FDB];
	_ =	sdelay $0x1  }
0x11: {  	s4 =	simm.s32 $_scs_section_size  }
0x12: {  	s5 =	simm.s32 $_size__tile_overlayer_lowered;
	s6 =	simm.s32 $_tile_overlayer_lowered  }
0x13: {  	s23 =	simm.s32 $0x1BFF;
	s22 =	sshll.u32 s6, $0x1;
	s3 =	sadd.s32 s4, s20  }
0x14: {  	s7 =	simm.s32 $0x0;
	s21 =	sshll.u32 s5, $0x1;
	s5 =	sadd.s32 s22, s3  }
0x15: {  	[timem:s7], [sflag:s23] =	dma.local [hbm:s5], s21  }
0x16: {  	_ =	swait.ge [sflag:s23], s21  }
0x17: {  	s4 =	ssub.s32 $0x0, s21;
	[sflag:s23] =	ssyncset.done $0x0  }
0x18: {  	[sflag:s23] =	ssyncadd.s32 s4;
	_ =	sdelay $0x1  }
0x19: {  	s24 =	simm.s32 $0x1B8B  }
0x1a: {  	_ =	swait.ge [sflag:s24], $0x1  }
0x1b: {  	[sflag:s24] =	ssyncset.done $0x0  }
0x1c: {  	s26 =	simm.s32 $0x1B8E;
	s25 =	sld [smem:$0x3FFE];
	[sflag:s24] =	ssyncadd.s32 $0xFFFFFFFF  }
0x1d: {  	s27 =	simm.s32 $execute0_lowered;
	[smem:$0x3FD2] =	sst s26  }
0x1e: {  	s5 =	sshll.u32 s27, $0x1;
	_ =	strace $0x80000046;
	[dreg:$0x1] =	wrdreg $0xFFFFFFFF  }
0x1f: {  	s28 =	simm.s32 $_size_execute0_lowered;
	s3 =	sadd.s32 s3, s5;
	[dreg:$0x0] =	wrdreg $0x0  }
0x20: {  	s5 =	sshll.u32 s28, $0x1;
	[dreg:$0x2] =	wrdreg s3  }
0x21: {  	[dreg:$0x3] =	wrdreg s5  }
0x22: {  	[dreg:$0x4] =	wrdreg $0xC0  }
0x23: {  	_ =	task [dreg:s7], $0x5FFFF  }
0x24: {  	[dreg:$0x1] =	wrdreg $0xFFFFFFFF  }
0x25: {  	[dreg:$0x0] =	wrdreg $0x60  }
0x26: {  	[dreg:$0x2] =	wrdreg s2  }
0x27: {  	[dreg:$0x3] =	wrdreg s25  }
0x28: {  	[dreg:$0x4] =	wrdreg $0x9  }
0x29: {  	_ =	task.clear_ibuf [dreg:s7], $0x5FFFF;
	_ =	strace $0x90000046  }
0x2a: {  	s29 =	simm.s32 $0x9;
	_ =	strace $0x80000048  }
0x2b: {  	_ =	swait.ge [sflag:s29], $0x1  }
0x2c: {  	[sflag:s29] =	ssyncadd.s32 $0xFFFFFFFF  }
0x2d: {  	_ =	strace $0x90000048  }
0x2e: {  	_ =	sfence  }
0x2f: {  	s30 =	sld [smem:$0x0];
	_ =	sdelay $0x2  }
0x30: {  	s31 =	sshll.u32 s1, $0xD;
	s1 =	sshrl.u32 s1, $0x2  }
0x31: {  	s3 =	sand.u32 $0x4000, s31;
	s1 =	sadd.s32 s1, s30  }
0x32: {  	s0 =	sor.u32 s3, s0;
	s1 =	sshll.u32 s1, $0x11  }
0x33: {  	s0 =	sor.u32 s1, s0  }
0x34: {  	s0 =	sadd.s32 $0x8F2B, s0  }
0x35: {  	[sflag:s0] =	ssyncadd.remote.s32 $0x1  }
0x36: {  	_ =	sfence.sel $0xFFFF  }
0x37: {  	[dreg:$0x0] =	wrdreg $0xFFFFFFFF;
	(pc) =	sbr.abs _section_cstart, $3  }
0x38: {  	[dreg:$0x1] =	wrdreg $0xFFFFFFFF  }
0x39: {  	_ =	task.clear_ibuf [dreg:s7], $0x2FFFF;
	_ =	strace $0x9FFFFFFF  }
0x3a: {  	(tm) =	ssettm $0x7FFFFFFF  }
0x3b: {  	_ =	shalt  }
tec
execute0_lowered:
.L_overlay_start_1:
0x0: {  	(tag) =	ssettag $0x1  }
0x1: {  	s0 =	srdreg.scid  }
0x2: {  	s1 =	sshll.u32 s0, $0x4  }
0x3: {  	s2 =	rddreg [dreg:$0x0];
	s0 =	stileid.u32;
	s1 =	sand.u32 $0x10, s1  }
0x4: {  	s4 =	rddreg [dreg:$0x1];
	s1 =	sor.u32 s0, s1  }
0x5: {  	s7 =	simm.s32 $0x1;
	s8 =	simm.s32 $0x2;
	s3 =	sshll.u32 s1, $0x2  }
0x6: {  	s9 =	simm.s32 $0x0;
	s12 =	simm.s32 $0x0;
	s6 =	ssub.s32 $0x1300, s3  }
.Ltmp0:
0x7: {  	s11 =	simm.s32 $0x0;
	s5 =	sand.u32 $0x7C, s6;
	(pc) =	sbr.rel .LBB1_1-.Ltmp0, $4  }
0x8: {  	s1 =	rddreg [dreg:$0x2];
	_ =	strace $0x80000047;
	p0 =	sne.s32 s5, $0x0  }
0x9: {  	s6 =	sshrl.u32 s6, $0x7;
	s5 =	simm.s32 $0x1;
	s7 =	simm.s32 @!p0 $0x0  }
0xa: {  	s10 =	smov.u32 s3;
	[sflag:s5] =	ssyncpa.u1 $0x0;
	s6 =	sadd.s32 s7, s6  }
0xb: {  	[sflag:s8] =	ssyncpa.u1 $0x0;
	s8 =	simm.s32 $0x0;
	s7 =	sadd.s32 $0x1, s6  }
.LBB1_9:
0xc: {  	s14 =	sadd.s32 $0x80, s10  }
0xd: {  	p1 =	sgt.s32 s14, $0x12FF  }
0xe: {  	s14 =	smov.u32 @p1 s3;
	p1 =	sne.s32 s11, s7  }
.Ltmp1:
0xf: {  	p0 =	slt.u32 s11, $0x2;
	(pc) =	sbr.rel @!p1 .LBB1_10-.Ltmp1, $4  }
0x10: {  	s13 =	simm.s32 @!p0 $0x2  }
0x11: {  	s15 =	sadd.s32 $0x1, s11;
	_ =	swait.ge @!p0 [sflag:s13], $0x4000  }
0x12: {  	s12 =	smov.u32 s10;
	s9 =	sadd.s32 $0x4000, s9;
	[sflag:s13] =	ssyncset.done @!p0 $0x0  }
0x13: {  	s11 =	smov.u32 s15;
	s10 =	smov.u32 s14;
	[sflag:s13] =	ssyncadd.s32 @!p0 $0xFFFFC000  }
.LBB1_1:
0x14: {  	p0 =	sge.u32 s11, s6  }
0x15: {  	s13 =	sxor.u32 @!p0 $0xFFFFFFFF, s11  }
0x16: {  	s31 =	sadd.s32 $0xFFFFFFFF, s11;
	s14 =	sshll.u32 @!p0 s10, $0x9;
	s13 =	sshll.u32 @!p0 s13, $0xE  }
0x17: {  	s15 =	simm.s32 @!p0 $0x0;
	s14 =	sadd.s32 @!p0 s2, s14;
	s13 =	sand.u32 @!p0 $0x4000, s13  }
0x18: {  	[tilespmem:s13], [sflag:$0x1] =	stream.linear.gather @!p0 [hbm4b:s14+s15], $0x4000, $0x38;
	[tilespmem:$0x10000] =	vst v63  }
0x19: {  	p0 =	sge.u32 s31, s6  }
.Ltmp2:
0x1a: {  	_ = 	snop;
	(pc) =	sbr.rel @p0 .LBB1_9-.Ltmp2, $1  }
0x1b: {  	_ =	sdelay $0x3  }
0x1c: {  	s14 =	sand.u32 $0x4000, s9  }
0x1d: {  	_ =	swait.ge [sflag:s5], $0x4000;
	s15 =	sshll.u32 s11, $0xE;
	s16 =	simm.s32 $0x0  }
0x1e: {  	s13 =	sor.u32 $0x40, s14;
	[sflag:s5] =	ssyncset.done $0x0;
	s15 =	sand.u32 $0x4000, s15  }
0x1f: {  	s14 =	sor.u32 $0x8040, s14;
	[sflag:s5] =	ssyncadd.s32 $0xFFFFC000;
	s15 =	sor.u32 $0x8000, s15  }
.LBB1_3:
0x20: {  	s17 =	smov.u32 s14;
	s18 =	smov.u32 s13;
	s19 =	simm.s32 $0x0  }
.LBB1_4:
0x21: {  	v0 =	vmov s17;
	v2 =	vld [tilespmem:s18+$0x30]  }
0x22: {  	v4 =	vld [tilespmem:s18+$0xFFFFFFD0]  }
0x23: {  	v6 =	vld [tilespmem:s18+$0xFFFFFFE0]  }
0x24: {  	v7 =	vld [tilespmem:s18+$0xFFFFFFF0]  }
0x25: {  	s20 =	simm.s32 $0x0;
	v1 =	vld [tilespmem:s18+$0x0]  }
0x26: {  	v3 =	vld [tilespmem:s18+$0x10];
	[tilespmem:v0+s20+$0x30 ss:$0x1] =	vst.idx.msk $0xffff, v2  }
0x27: {  	v5 =	vld [tilespmem:s18+$0x20];
	[tilespmem:v0+s20+$0xFFFFFFD0 ss:$0x1] =	vst.idx.msk $0xffff, v4  }
0x28: {  	s21 =	sadd.s32 $0x80, s18;
	v2 =	vld [tilespmem:s18+$0xFFFFFFC0];
	[tilespmem:v0+s20+$0xFFFFFFE0 ss:$0x1] =	vst.idx.msk $0xffff, v6  }
0x29: {  	s22 =	simm.s32 $0x800;
	s23 =	simm.s32 $0x1000;
	v4 =	vld [tilespmem:s21+$0x30];
	[tilespmem:v0+s20+$0xFFFFFFF0 ss:$0x1] =	vst.idx.msk $0xffff, v7  }
.LBB1_5:
0x2a: {  	p0 =	sne.s32 s23, $0x3800;
	v6 =	vld [tilespmem:s21+$0xFFFFFFD0];
	[tilespmem:v0+s20+$0x0 ss:$0x1] =	vst.idx.msk $0xffff, v1  }
0x2b: {  	v7 =	vld [tilespmem:s21+$0xFFFFFFE0];
	[tilespmem:v0+s20+$0x10 ss:$0x1] =	vst.idx.msk $0xffff, v3  }
0x2c: {  	v8 =	vld [tilespmem:s21+$0xFFFFFFF0];
	[tilespmem:v0+s20+$0x20 ss:$0x1] =	vst.idx.msk $0xffff, v5  }
.Ltmp3:
0x2d: {  	v1 =	vld [tilespmem:s21+$0x0];
	[tilespmem:v0+s20+$0xFFFFFFC0 ss:$0x1] =	vst.idx.msk $0xffff, v2;
	s20 =	sshra.s32 s22, $0x2;
	s22 =	smov.u32 s23;
	(pc) =	sbr.rel @p0 .LBB1_5-.Ltmp3, $4  }
0x2e: {  	v3 =	vld [tilespmem:s21+$0x10];
	[tilespmem:v0+s20+$0x30 ss:$0x1] =	vst.idx.msk $0xffff, v4  }
0x2f: {  	[tilespmem:v0+s20+$0xFFFFFFD0 ss:$0x1] =	vst.idx.msk $0xffff, v6;
	v5 =	vld [tilespmem:s21+$0x20]  }
0x30: {  	v2 =	vld [tilespmem:s21+$0xFFFFFFC0];
	[tilespmem:v0+s20+$0xFFFFFFE0 ss:$0x1] =	vst.idx.msk $0xffff, v7;
	s21 =	sadd.s32 $0x80, s21  }
0x31: {  	s23 =	sadd.s32 $0x800, s23;
	v4 =	vld [tilespmem:s21+$0x30];
	[tilespmem:v0+s20+$0xFFFFFFF0 ss:$0x1] =	vst.idx.msk $0xffff, v8  }
0x32: {  	_ =	sdelay $0x3  }
0x33: {  	v6 =	vld [tilespmem:s21+$0xFFFFFFD0];
	[tilespmem:v0+s20+$0x0 ss:$0x1] =	vst.idx.msk $0xffff, v1  }
0x34: {  	v58 =	vld [tilespmem:s21+$0xFFFFFFE0];
	[tilespmem:v0+s20+$0x10 ss:$0x1] =	vst.idx.msk $0xffff, v3  }
0x35: {  	v59 =	vld [tilespmem:s21+$0xFFFFFFF0];
	[tilespmem:v0+s20+$0x20 ss:$0x1] =	vst.idx.msk $0xffff, v5  }
0x36: {  	s22 =	sshra.s32 s22, $0x2;
	v60 =	vld [tilespmem:s21+$0x0];
	[tilespmem:v0+s20+$0xFFFFFFC0 ss:$0x1] =	vst.idx.msk $0xffff, v2  }
0x37: {  	v61 =	vld [tilespmem:s21+$0x10];
	[tilespmem:v0+s22+$0x30 ss:$0x1] =	vst.idx.msk $0xffff, v4  }
0x38: {  	v62 =	vld [tilespmem:s21+$0x20];
	s19 =	sadd.s32 $0x1, s19;
	[tilespmem:v0+s22+$0xFFFFFFD0 ss:$0x1] =	vst.idx.msk $0xffff, v6  }
0x39: {  	v63 =	vld [tilespmem:s21+$0xFFFFFFC0];
	p0 =	sne.s32 s19, $0x4;
	[tilespmem:v0+s22+$0xFFFFFFE0 ss:$0x1] =	vst.idx.msk $0xffff, v58  }
.Ltmp4:
0x3a: {  	[tilespmem:v0+s22+$0xFFFFFFF0 ss:$0x1] =	vst.idx.msk $0xffff, v59;
	(pc) =	sbr.rel @p0 .LBB1_4-.Ltmp4, $4  }
0x3b: {  	[tilespmem:v0+s22+$0x0 ss:$0x1] =	vst.idx.msk $0xffff, v60  }
0x3c: {  	[tilespmem:v0+s22+$0x10 ss:$0x1] =	vst.idx.msk $0xffff, v61  }
0x3d: {  	[tilespmem:v0+s22+$0x20 ss:$0x1] =	vst.idx.msk $0xffff, v62  }
0x3e: {  	s18 =	sadd.s32 $0x400, s18;
	s17 =	sadd.s32 $0x80, s17;
	[tilespmem:v0+s22+$0xFFFFFFC0 ss:$0x1] =	vst.idx.msk $0xffff, v63  }
0x3f: {  	s16 =	sadd.s32 $0x1, s16  }
0x40: {  	p0 =	sne.s32 s16, $0x4  }
.Ltmp5:
0x41: {  	_ = 	snop;
	(pc) =	sbr.rel @p0 .LBB1_3-.Ltmp5, $2  }
0x42: {  	_ =	sdelay $0x2  }
0x43: {  	s13 =	sadd.s32 $0x1000, s13;
	s14 =	sadd.s32 $0x1000, s14  }
.Ltmp6:
0x44: {  	(pc) =	sbr.rel .LBB1_9-.Ltmp6, $4  }
0x45: {  	_ = 	snop  }
0x46: {  	s12 =	sshll.u32 s12, $0x9  }
0x47: {  	s12 =	sadd.s32 s4, s12  }
0x48: {  	[hbm4b:s12+s8] =	stream.linear.scatter [tilespmem:s15], [sflag:$0x2], $0x4000, $0x38;
	[tilespmem:$0x10000] =	vst v63  }
.LBB1_10:
0x49: {  	_ =	sfence.sel $0x180000  }
0x4a: {  	s2 =	simm.s32 $0x1;
	[bflag:$0x0] =	sbarrier.arrive $0xFFFF  }
0x4b: {  	s31 =	simm.s32 $0x2;
	[sflag:s2] =	ssyncpa.u1 $0x1  }
0x4c: {  	[sflag:s31] =	ssyncpa.u1 $0x1  }
0x4d: {  	p0 =	sne.s32 s0, $0x0;
	_ =	strace $0x90000047  }
0x4e: {  	s0 =	sadd.s32 @!p0 $0x100000, s1;
	[bflag:$0x2] =	sbarrier.arrive $0xFFFF  }
0x4f: {  	[sflag:s0] =	ssyncadd.tile.s32 @!p0 $0x1;
	_ =	shalt  }
.Lfunc_end1:
_tile_overlayer_lowered:
.L_overlay_start_2:
0x50: {  	(tag) =	ssettag $0x2  }
0x51: {  	s0 =	rddreg [dreg:$0x0];
	s2 =	stileid.u32  }
0x52: {  	s1 =	rddreg [dreg:$0x1];
	p0 =	sne.s32 s2, $0x0  }
0x53: {  	s3 =	rddreg [dreg:$0x2];
	[bflag:$0x3] =	sbarrier.arrive $0xFFFF;
	s2 =	simm.s32 @!p0 $0x1C01  }
0x54: {  	[timem:s3], [sflag:s2] =	dma.local @!p0 [hbm:s0], s1  }
0x55: {  	s0 =	simm.s32 @!p0 $0x1  }
0x56: {  	_ =	swait.ge @!p0 [sflag:s0], s1  }
0x57: {  	s1 =	ssub.s32 @!p0 $0x0, s1;
	[sflag:s0] =	ssyncset.done @!p0 $0x0  }
0x58: {  	[sflag:s0] =	ssyncadd.s32 @!p0 s1  }
0x59: {  	[bflag:$0x3] =	sbarrier.arrive $0xFFFF  }
0x5a: {  	_ =	shalt  }

</sc_bundles>
